<compile_context>
chip_gen: v7x
topology: tpu7x:2x2x1
jax: 0.10.2.dev20260603
libtpu: 0.0.44.dev20260713+nightly
codegen_flags: <defaults>
</compile_context>

<pallas_src>
import functools

import jax
import jax.numpy as jnp
from jax import lax
from jax.experimental import pallas as pl
from jax.experimental.layout import Layout, with_layout_constraint
from jax.experimental.pallas import tpu as pltpu
from jax.experimental.pallas import tpu_sc as plsc

_N_DENSE = 100
_N_SAMPLES = 20
_N_CHANNELS = 1000
_BATCH = 1024
_ROW_W = _N_DENSE + _N_DENSE * _N_SAMPLES
_SLAB = _N_CHANNELS * _N_SAMPLES

_NC = 2
_NS = 16
_NW = _NC * _NS
_ROWS_PER_W = _BATCH // _NW
_CHUNKS = _N_DENSE * _N_SAMPLES // 16
_NBLK = _SLAB // 128 + 1
_NROW = _NBLK
_TAIL = _SLAB - (_NBLK - 1) * 128


def _scatter_body(inp_hbm, scr_hbm, out_hbm, inp_a2, inp_b2, cidx0, cidx1,
                  qv, rv, idxv, sem0, sem1, semr, semw0, semw1, semi0,
                  semi1):
    c = lax.axis_index("c")
    s = lax.axis_index("s")
    wid = c * _NS + s
    row0 = wid * _ROWS_PER_W

    zvec = jnp.zeros((16,), jnp.float32)
    iota = lax.iota(jnp.int32, 16)
    zvi = iota * 0

    for t in range(5):
        lo = t * 16
        bq = lo // _N_SAMPLES
        cross = (bq + 1) * _N_SAMPLES - lo
        qt = bq + jnp.where(iota >= cross, 1, 0)
        qv[pl.ds(lo, 16)] = qt
        rv[pl.ds(lo, 16)] = (lo + iota) - qt * _N_SAMPLES

    def _rep(j, carry):
        for t in range(5):
            src = pl.ds(t * 16, 16)
            dst = pl.ds(j * 80 + t * 16, 16)
            qv[dst] = qv[src] + j * 4
            rv[dst] = rv[src]
        return carry

    lax.fori_loop(1, _CHUNKS // 5, _rep, 0)

    def _phase1(acc0, acc1):
        def _zero(i, carry):
            for k in range(8):
                dst = pl.ds(k * 16, 16)
                acc0[i, 0, dst] = zvec
                acc1[i, 0, dst] = zvec
            return carry

        lax.fori_loop(0, _NROW, _zero, 0)

        pltpu.async_copy(inp_hbm.at[pl.ds(row0, 2)], inp_a2, semi0)

        def _pair(p, carry):
            b = row0 + 2 * p
            par = lax.bitwise_and(p, 1)

            @pl.when(par == 0)
            def _():
                pltpu.make_async_copy(inp_hbm.at[pl.ds(0, 2)], inp_a2,
                                      semi0).wait()

                @pl.when(p + 1 < _ROWS_PER_W // 2)
                def _():
                    pltpu.async_copy(inp_hbm.at[pl.ds(b + 2, 2)], inp_b2,
                                     semi1)
                _rows(p, inp_a2)

            @pl.when(par == 1)
            def _():
                pltpu.make_async_copy(inp_hbm.at[pl.ds(0, 2)], inp_b2,
                                      semi1).wait()

                @pl.when(p + 1 < _ROWS_PER_W // 2)
                def _():
                    pltpu.async_copy(inp_hbm.at[pl.ds(b + 2, 2)], inp_a2,
                                     semi0)
                _rows(p, inp_b2)
            return carry

        def _rows(p, inp_v):
            b = row0 + 2 * p
            for r in (0, 1):
                acc = acc0 if r == 0 else acc1
                cidx = cidx0 if r == 0 else cidx1
                sem = sem0 if r == 0 else sem1
                rsp = zvi + r

                @pl.when(p > 0)
                def _():
                    pltpu.make_async_copy(
                        acc, scr_hbm.at[pl.ds(0, _NROW)], sem).wait()

                    def _clear(k, cc):
                        ds16 = pl.ds(k * 16, 16)
                        fidx = (plsc.load_gather(cidx, [qv[ds16]])
                                + rv[ds16])
                        plsc.store_scatter(
                            acc,
                            [lax.shift_right_logical(fidx, 7), zvi,
                             lax.bitwise_and(fidx, 127)], zvec)
                        return cc

                    lax.fori_loop(0, _CHUNKS, _clear, 0)

                for off in (0, 16, 32, 48, 64, 80, 96):
                    cidx[pl.ds(off, 16)] = (
                        plsc.load_gather(inp_v, [rsp, iota + off])
                        .astype(jnp.int32) * _N_SAMPLES)

                def _accum(k, cc):
                    ds16 = pl.ds(k * 16, 16)
                    fidx = (plsc.load_gather(cidx, [qv[ds16]])
                            + rv[ds16])
                    x = plsc.load_gather(
                        inp_v, [rsp, iota + (_N_DENSE + k * 16)])
                    plsc.addupdate_scatter(
                        acc,
                        [lax.shift_right_logical(fidx, 7), zvi,
                         lax.bitwise_and(fidx, 127)], x)
                    return cc

                lax.fori_loop(0, _CHUNKS, _accum, 0)

                pltpu.async_copy(
                    acc, scr_hbm.at[pl.ds((b + r) * _NROW, _NROW)], sem)

        lax.fori_loop(0, _ROWS_PER_W // 2, _pair, 0)

        pltpu.make_async_copy(acc0, scr_hbm.at[pl.ds(0, _NROW)],
                              sem0).wait()
        pltpu.make_async_copy(acc1, scr_hbm.at[pl.ds(0, _NROW)],
                              sem1).wait()

    pl.run_scoped(_phase1,
                  pltpu.VMEM((_NROW, 1, 128), jnp.float32),
                  pltpu.VMEM((_NROW, 1, 128), jnp.float32))

    plsc.subcore_barrier()


    def _phase2(in_a, in_b, out_a, out_b):
        def _fire(fv, jv, in_st):
            blkn = s * 10 + jv
            bb = (c * 4 + fv) * 128
            for k in range(8):
                idxv[pl.ds(k * 16, 16)] = (
                    (iota + (bb + k * 16)) * _NROW + blkn)
            pltpu.async_copy(scr_hbm.at[idxv], in_st, semr)

        def _drain_reads(in_st):
            pltpu.make_async_copy(scr_hbm.at[idxv], in_st, semr).wait()

        def _unit(f, j, in_st, in_oth, out_st, semw, parity):
            blk = s * 10 + j
            u = f * 10 + j

            @pl.when(blk < _NBLK)
            def _():
                @pl.when(u >= 2)
                def _():
                    @pl.when(jnp.logical_or(j > 0, s < _NS - 1))
                    def _():
                        pltpu.make_async_copy(
                            out_st,
                            out_hbm.at[pl.ds(0, 128), pl.ds(0, 1), :],
                            semw).wait()

                    @pl.when(jnp.logical_and(j == 0, s == _NS - 1))
                    def _():
                        pltpu.make_async_copy(
                            out_st.at[pl.ds(0, _TAIL)],
                            out_hbm.at[pl.ds(0, _TAIL), pl.ds(0, 1), :],
                            semw).wait()

                _drain_reads(in_st)

                adv = jnp.logical_and(j < 9, blk + 1 < _NBLK)

                if parity == 0:
                    @pl.when(adv)
                    def _():
                        _fire(f, j + 1, in_oth)
                else:
                    fn = jnp.where(adv, f, f + 1)
                    jn = jnp.where(adv, j + 1, 0)

                    @pl.when(jnp.logical_or(adv, f < 3))
                    def _():
                        _fire(fn, jn, in_oth)

                def _tr(jo, cc):
                    jos = zvi + jo
                    for ji in range(8):
                        x = plsc.load_gather(
                            in_st, [iota + ji * 16, zvi, jos])
                        out_st[jo, 0, pl.ds(ji * 16, 16)] = x
                    return cc

                lax.fori_loop(0, 128, _tr, 0)

                if parity == 0:
                    @pl.when(jnp.logical_and(jnp.logical_not(adv), f < 3))
                    def _():
                        _fire(f + 1, 0, in_st)

                @pl.when(blk < _NBLK - 1)
                def _():
                    pltpu.async_copy(
                        out_st,
                        out_hbm.at[pl.ds(blk * 128, 128),
                                   pl.ds(c * 4 + f, 1), :],
                        semw)

                @pl.when(blk == _NBLK - 1)
                def _():
                    pltpu.async_copy(
                        out_st.at[pl.ds(0, _TAIL)],
                        out_hbm.at[pl.ds((_NBLK - 1) * 128, _TAIL),
                                   pl.ds(c * 4 + f, 1), :],
                        semw)

        _fire(0, 0, in_a)

        def _fbody(f, cc):
            def _jbody(j, cc2):
                @pl.when(lax.bitwise_and(j, 1) == 0)
                def _():
                    _unit(f, j, in_a, in_b, out_a, semw0, 0)

                @pl.when(lax.bitwise_and(j, 1) == 1)
                def _():
                    _unit(f, j, in_b, in_a, out_b, semw1, 1)
                return cc2

            return lax.fori_loop(0, 10, _jbody, cc)

        lax.fori_loop(0, 4, _fbody, 0)

        @pl.when(s < 15)
        def _():
            pltpu.make_async_copy(
                out_a, out_hbm.at[pl.ds(0, 128), pl.ds(0, 1), :],
                semw0).wait()
            pltpu.make_async_copy(
                out_b, out_hbm.at[pl.ds(0, 128), pl.ds(0, 1), :],
                semw1).wait()

        @pl.when(s == 15)
        def _():
            pltpu.make_async_copy(
                out_a.at[pl.ds(0, _TAIL)],
                out_hbm.at[pl.ds(0, _TAIL), pl.ds(0, 1), :],
                semw0).wait()
            pltpu.make_async_copy(
                out_b, out_hbm.at[pl.ds(0, 128), pl.ds(0, 1), :],
                semw1).wait()

    pl.run_scoped(_phase2,
                  pltpu.VMEM((128, 1, 128), jnp.float32),
                  pltpu.VMEM((128, 1, 128), jnp.float32),
                  pltpu.VMEM((128, 1, 128), jnp.float32),
                  pltpu.VMEM((128, 1, 128), jnp.float32))


_sc_scatter = functools.partial(
    pl.kernel,
    out_type=(jax.ShapeDtypeStruct((_BATCH * _NROW, 1, 128), jnp.float32),
              jax.ShapeDtypeStruct((_SLAB, 8, 128), jnp.float32)),
    mesh=plsc.VectorSubcoreMesh(core_axis_name="c", subcore_axis_name="s"),
    compiler_params=pltpu.CompilerParams(needs_layout_passes=False),
    scratch_types=[
        pltpu.VMEM((2, _ROW_W), jnp.float32),
        pltpu.VMEM((2, _ROW_W), jnp.float32),
        pltpu.VMEM((112,), jnp.int32),
        pltpu.VMEM((112,), jnp.int32),
        pltpu.VMEM((_CHUNKS * 16,), jnp.int32),
        pltpu.VMEM((_CHUNKS * 16,), jnp.int32),
        pltpu.VMEM((128,), jnp.int32),
        pltpu.SemaphoreType.DMA,
        pltpu.SemaphoreType.DMA,
        pltpu.SemaphoreType.DMA,
        pltpu.SemaphoreType.DMA,
        pltpu.SemaphoreType.DMA,
        pltpu.SemaphoreType.DMA,
        pltpu.SemaphoreType.DMA,
    ],
)(_scatter_body)


@jax.jit
def kernel(inputs):
    _, out = _sc_scatter(inputs)
    t = out.reshape(_N_CHANNELS, _N_SAMPLES, 1, _BATCH)
    t = with_layout_constraint(
        t, Layout(major_to_minor=(0, 1, 2, 3), tiling=((1, 128),)))
    return jnp.transpose(t, (3, 0, 1, 2))

# --- scband reference (transcript-rebuilt; emitter-appended) ---
"""Pipeline reference for scband-sparse-input-layer-11158325035042 (READ-ONLY COPY).

The authoritative reference and input builder live on the scoring server;
editing this copy changes nothing except your own understanding.
"""

import jax, jax.numpy as jnp
import numpy as np

N_DENSE = 100
N_SAMPLES = 20
N_CHANNELS = 1000
BATCH = 1024


def setup_inputs(seed: int = 0) -> dict:
    key = jax.random.key(seed)
    k1, k2 = jax.random.split(key)
    # first n_dense columns are (float-encoded) channel indices in [0, n_channels)
    idx = jax.random.randint(k1, (BATCH, N_DENSE), 0, N_CHANNELS).astype(jnp.float32)
    # remaining n_dense*n_samples columns are the data values
    data = jax.random.normal(k2, (BATCH, N_DENSE * N_SAMPLES), dtype=jnp.float32)
    inputs = jnp.concatenate([idx, data], axis=1)
    return {"inputs": inputs}


def reference(inputs):
    # split into index part and data part (tf.split along axis=1)
    idx = inputs[:, :N_DENSE].astype(jnp.int32)
    x_batch = inputs[:, N_DENSE:].reshape(BATCH, N_DENSE, N_SAMPLES)
    x_reshape = x_batch.reshape(BATCH * N_DENSE, N_SAMPLES)
    # offset indices per batch row: idx + range(batch)*n_channels
    idx_added = idx + (jnp.arange(BATCH, dtype=jnp.int32) * N_CHANNELS)[:, None]
    idx_flat = idx_added.reshape(BATCH * N_DENSE)
    # IndexedSlices densification: duplicates are summed (unsorted_segment_sum semantics)
    dense = jnp.zeros((BATCH * N_CHANNELS, N_SAMPLES), dtype=inputs.dtype).at[idx_flat].add(x_reshape)
    dense = dense.reshape(BATCH, N_CHANNELS, N_SAMPLES)
    return dense[..., None]

if __name__ == "__main__":
    import jax
    _d = setup_inputs()
    print(jax.jit(kernel)(*tuple(_d.values())))

</pallas_src>

<mosaic_0001>
#map = affine_map<(d0, d1) -> (0, 0)>
#map1 = affine_map<(d0, d1) -> (0, 0, 0)>
module attributes {stable_mosaic.version = 14 : i64} {
  func.func @_scatter_body(%arg0: i32, %arg1: i32, %arg2: memref<1024x2100xf32, #tpu.memory_space<hbm>>, %arg3: memref<160768x1x128xf32, #tpu.memory_space<hbm>>, %arg4: memref<20000x8x128xf32, #tpu.memory_space<hbm>>, %arg5: memref<2x2100xf32, #tpu.memory_space<vmem>>, %arg6: memref<2x2100xf32, #tpu.memory_space<vmem>>, %arg7: memref<112xi32, #tpu.memory_space<vmem>>, %arg8: memref<112xi32, #tpu.memory_space<vmem>>, %arg9: memref<2000xi32, #tpu.memory_space<vmem>>, %arg10: memref<2000xi32, #tpu.memory_space<vmem>>, %arg11: memref<128xi32, #tpu.memory_space<vmem>>, %arg12: memref<!tpu.dma_semaphore, #tpu.memory_space<semaphore_mem>>, %arg13: memref<!tpu.dma_semaphore, #tpu.memory_space<semaphore_mem>>, %arg14: memref<!tpu.dma_semaphore, #tpu.memory_space<semaphore_mem>>, %arg15: memref<!tpu.dma_semaphore, #tpu.memory_space<semaphore_mem>>, %arg16: memref<!tpu.dma_semaphore, #tpu.memory_space<semaphore_mem>>, %arg17: memref<!tpu.dma_semaphore, #tpu.memory_space<semaphore_mem>>, %arg18: memref<!tpu.dma_semaphore, #tpu.memory_space<semaphore_mem>>) attributes {dimension_semantics = [#tpu.dimension_semantics<core_parallel>, #tpu.dimension_semantics<subcore_parallel>], iteration_bounds = array<i64: 2, 16>, scalar_prefetch = 0 : i64, scratch_operands = 14 : i64, tpu.core_type = #tpu.core_type<sc_vector_subcore>, window_params = [{transform_indices = #map}, {transform_indices = #map1}, {transform_indices = #map1}]} {
    %mul3A = arith.constant 16 : i32
    %mul3A_0 = arith.muli %arg0, %mul3A : i32
    %add3A = arith.addi %mul3A_0, %arg1 : i32
    %mul3A_1 = arith.constant 32 : i32
    %mul3A_2 = arith.muli %add3A, %mul3A_1 : i32
    %broadcast_in_dim3A = arith.constant 0.000000e+00 : f32
    %broadcast_in_dim3A_3 = vector.broadcast %broadcast_in_dim3A : f32 to vector<16xf32>
    %iota3A = tpu.iota {dimensions = array<i32: 0>} : vector<16xi32>
    %mul3A_4 = arith.constant 0 : i32
    %mul3A_5 = vector.broadcast %mul3A_4 : i32 to vector<16xi32>
    %mul3A_6 = arith.muli %iota3A, %mul3A_5 : vector<16xi32>
    %ge3A = arith.constant 20 : i32
    %ge3A_7 = vector.broadcast %ge3A : i32 to vector<16xi32>
    %ge3A_8 = arith.cmpi sge, %iota3A, %ge3A_7 : vector<16xi32>
    %jit3A = arith.constant 1 : i32
    %jit3A_9 = arith.constant 0 : i32
    %broadcast_in_dim3A_10 = vector.broadcast %jit3A : i32 to vector<16xi32>
    %broadcast_in_dim3A_11 = vector.broadcast %jit3A_9 : i32 to vector<16xi32>
    %select_n3A = arith.select %ge3A_8, %broadcast_in_dim3A_10, %broadcast_in_dim3A_11 : vector<16xi1>, vector<16xi32>
    %add3A_12 = arith.constant 0 : i32
    %add3A_13 = vector.broadcast %add3A_12 : i32 to vector<16xi32>
    %add3A_14 = arith.addi %add3A_13, %select_n3A : vector<16xi32>
    %swap3A = arith.constant 0 : index
    %swap3A_15 = tpu.vector_load %arg9[%swap3A] {strides = array<i32>} : memref<2000xi32, #tpu.memory_space<vmem>>, vector<16xi32>,
    tpu.vector_store %arg9[%swap3A], %add3A_14 {strides = array<i32>} : memref<2000xi32, #tpu.memory_space<vmem>>, vector<16xi32>,
    %add3A_16 = arith.constant 0 : i32
    %add3A_17 = vector.broadcast %add3A_16 : i32 to vector<16xi32>
    %add3A_18 = arith.addi %add3A_17, %iota3A : vector<16xi32>
    %mul3A_19 = arith.constant 20 : i32
    %mul3A_20 = vector.broadcast %mul3A_19 : i32 to vector<16xi32>
    %mul3A_21 = arith.muli %add3A_14, %mul3A_20 : vector<16xi32>
    %sub3A = arith.subi %add3A_18, %mul3A_21 : vector<16xi32>
    %swap3A_22 = arith.constant 0 : index
    %swap3A_23 = tpu.vector_load %arg10[%swap3A_22] {strides = array<i32>} : memref<2000xi32, #tpu.memory_space<vmem>>, vector<16xi32>,
    tpu.vector_store %arg10[%swap3A_22], %sub3A {strides = array<i32>} : memref<2000xi32, #tpu.memory_space<vmem>>, vector<16xi32>,
    %ge3A_24 = arith.constant 4 : i32
    %ge3A_25 = vector.broadcast %ge3A_24 : i32 to vector<16xi32>
    %ge3A_26 = arith.cmpi sge, %iota3A, %ge3A_25 : vector<16xi32>
    %jit3A_27 = arith.constant 1 : i32
    %jit3A_28 = arith.constant 0 : i32
    %broadcast_in_dim3A_29 = vector.broadcast %jit3A_27 : i32 to vector<16xi32>
    %broadcast_in_dim3A_30 = vector.broadcast %jit3A_28 : i32 to vector<16xi32>
    %select_n3A_31 = arith.select %ge3A_26, %broadcast_in_dim3A_29, %broadcast_in_dim3A_30 : vector<16xi1>, vector<16xi32>
    %add3A_32 = arith.constant 0 : i32
    %add3A_33 = vector.broadcast %add3A_32 : i32 to vector<16xi32>
    %add3A_34 = arith.addi %add3A_33, %select_n3A_31 : vector<16xi32>
    %swap3A_35 = arith.constant 16 : index
    %swap3A_36 = tpu.vector_load %arg9[%swap3A_35] {strides = array<i32>} : memref<2000xi32, #tpu.memory_space<vmem>>, vector<16xi32>,
    tpu.vector_store %arg9[%swap3A_35], %add3A_34 {strides = array<i32>} : memref<2000xi32, #tpu.memory_space<vmem>>, vector<16xi32>,
    %add3A_37 = arith.constant 16 : i32
    %add3A_38 = vector.broadcast %add3A_37 : i32 to vector<16xi32>
    %add3A_39 = arith.addi %add3A_38, %iota3A : vector<16xi32>
    %mul3A_40 = arith.constant 20 : i32
    %mul3A_41 = vector.broadcast %mul3A_40 : i32 to vector<16xi32>
    %mul3A_42 = arith.muli %add3A_34, %mul3A_41 : vector<16xi32>
    %sub3A_43 = arith.subi %add3A_39, %mul3A_42 : vector<16xi32>
    %swap3A_44 = arith.constant 16 : index
    %swap3A_45 = tpu.vector_load %arg10[%swap3A_44] {strides = array<i32>} : memref<2000xi32, #tpu.memory_space<vmem>>, vector<16xi32>,
    tpu.vector_store %arg10[%swap3A_44], %sub3A_43 {strides = array<i32>} : memref<2000xi32, #tpu.memory_space<vmem>>, vector<16xi32>,
    %ge3A_46 = arith.constant 8 : i32
    %ge3A_47 = vector.broadcast %ge3A_46 : i32 to vector<16xi32>
    %ge3A_48 = arith.cmpi sge, %iota3A, %ge3A_47 : vector<16xi32>
    %jit3A_49 = arith.constant 1 : i32
    %jit3A_50 = arith.constant 0 : i32
    %broadcast_in_dim3A_51 = vector.broadcast %jit3A_49 : i32 to vector<16xi32>
    %broadcast_in_dim3A_52 = vector.broadcast %jit3A_50 : i32 to vector<16xi32>
    %select_n3A_53 = arith.select %ge3A_48, %broadcast_in_dim3A_51, %broadcast_in_dim3A_52 : vector<16xi1>, vector<16xi32>
    %add3A_54 = arith.constant 1 : i32
    %add3A_55 = vector.broadcast %add3A_54 : i32 to vector<16xi32>
    %add3A_56 = arith.addi %add3A_55, %select_n3A_53 : vector<16xi32>
    %swap3A_57 = arith.constant 32 : index
    %swap3A_58 = tpu.vector_load %arg9[%swap3A_57] {strides = array<i32>} : memref<2000xi32, #tpu.memory_space<vmem>>, vector<16xi32>,
    tpu.vector_store %arg9[%swap3A_57], %add3A_56 {strides = array<i32>} : memref<2000xi32, #tpu.memory_space<vmem>>, vector<16xi32>,
    %add3A_59 = arith.constant 32 : i32
    %add3A_60 = vector.broadcast %add3A_59 : i32 to vector<16xi32>
    %add3A_61 = arith.addi %add3A_60, %iota3A : vector<16xi32>
    %mul3A_62 = arith.constant 20 : i32
    %mul3A_63 = vector.broadcast %mul3A_62 : i32 to vector<16xi32>
    %mul3A_64 = arith.muli %add3A_56, %mul3A_63 : vector<16xi32>
    %sub3A_65 = arith.subi %add3A_61, %mul3A_64 : vector<16xi32>
    %swap3A_66 = arith.constant 32 : index
    %swap3A_67 = tpu.vector_load %arg10[%swap3A_66] {strides = array<i32>} : memref<2000xi32, #tpu.memory_space<vmem>>, vector<16xi32>,
    tpu.vector_store %arg10[%swap3A_66], %sub3A_65 {strides = array<i32>} : memref<2000xi32, #tpu.memory_space<vmem>>, vector<16xi32>,
    %ge3A_68 = arith.constant 12 : i32
    %ge3A_69 = vector.broadcast %ge3A_68 : i32 to vector<16xi32>
    %ge3A_70 = arith.cmpi sge, %iota3A, %ge3A_69 : vector<16xi32>
    %jit3A_71 = arith.constant 1 : i32
    %jit3A_72 = arith.constant 0 : i32
    %broadcast_in_dim3A_73 = vector.broadcast %jit3A_71 : i32 to vector<16xi32>
    %broadcast_in_dim3A_74 = vector.broadcast %jit3A_72 : i32 to vector<16xi32>
    %select_n3A_75 = arith.select %ge3A_70, %broadcast_in_dim3A_73, %broadcast_in_dim3A_74 : vector<16xi1>, vector<16xi32>
    %add3A_76 = arith.constant 2 : i32
    %add3A_77 = vector.broadcast %add3A_76 : i32 to vector<16xi32>
    %add3A_78 = arith.addi %add3A_77, %select_n3A_75 : vector<16xi32>
    %swap3A_79 = arith.constant 48 : index
    %swap3A_80 = tpu.vector_load %arg9[%swap3A_79] {strides = array<i32>} : memref<2000xi32, #tpu.memory_space<vmem>>, vector<16xi32>,
    tpu.vector_store %arg9[%swap3A_79], %add3A_78 {strides = array<i32>} : memref<2000xi32, #tpu.memory_space<vmem>>, vector<16xi32>,
    %add3A_81 = arith.constant 48 : i32
    %add3A_82 = vector.broadcast %add3A_81 : i32 to vector<16xi32>
    %add3A_83 = arith.addi %add3A_82, %iota3A : vector<16xi32>
    %mul3A_84 = arith.constant 20 : i32
    %mul3A_85 = vector.broadcast %mul3A_84 : i32 to vector<16xi32>
    %mul3A_86 = arith.muli %add3A_78, %mul3A_85 : vector<16xi32>
    %sub3A_87 = arith.subi %add3A_83, %mul3A_86 : vector<16xi32>
    %swap3A_88 = arith.constant 48 : index
    %swap3A_89 = tpu.vector_load %arg10[%swap3A_88] {strides = array<i32>} : memref<2000xi32, #tpu.memory_space<vmem>>, vector<16xi32>,
    tpu.vector_store %arg10[%swap3A_88], %sub3A_87 {strides = array<i32>} : memref<2000xi32, #tpu.memory_space<vmem>>, vector<16xi32>,
    %ge3A_90 = arith.constant 16 : i32
    %ge3A_91 = vector.broadcast %ge3A_90 : i32 to vector<16xi32>
    %ge3A_92 = arith.cmpi sge, %iota3A, %ge3A_91 : vector<16xi32>
    %jit3A_93 = arith.constant 1 : i32
    %jit3A_94 = arith.constant 0 : i32
    %broadcast_in_dim3A_95 = vector.broadcast %jit3A_93 : i32 to vector<16xi32>
    %broadcast_in_dim3A_96 = vector.broadcast %jit3A_94 : i32 to vector<16xi32>
    %select_n3A_97 = arith.select %ge3A_92, %broadcast_in_dim3A_95, %broadcast_in_dim3A_96 : vector<16xi1>, vector<16xi32>
    %add3A_98 = arith.constant 3 : i32
    %add3A_99 = vector.broadcast %add3A_98 : i32 to vector<16xi32>
    %add3A_100 = arith.addi %add3A_99, %select_n3A_97 : vector<16xi32>
    %swap3A_101 = arith.constant 64 : index
    %swap3A_102 = tpu.vector_load %arg9[%swap3A_101] {strides = array<i32>} : memref<2000xi32, #tpu.memory_space<vmem>>, vector<16xi32>,
    tpu.vector_store %arg9[%swap3A_101], %add3A_100 {strides = array<i32>} : memref<2000xi32, #tpu.memory_space<vmem>>, vector<16xi32>,
    %add3A_103 = arith.constant 64 : i32
    %add3A_104 = vector.broadcast %add3A_103 : i32 to vector<16xi32>
    %add3A_105 = arith.addi %add3A_104, %iota3A : vector<16xi32>
    %mul3A_106 = arith.constant 20 : i32
    %mul3A_107 = vector.broadcast %mul3A_106 : i32 to vector<16xi32>
    %mul3A_108 = arith.muli %add3A_100, %mul3A_107 : vector<16xi32>
    %sub3A_109 = arith.subi %add3A_105, %mul3A_108 : vector<16xi32>
    %swap3A_110 = arith.constant 64 : index
    %swap3A_111 = tpu.vector_load %arg10[%swap3A_110] {strides = array<i32>} : memref<2000xi32, #tpu.memory_space<vmem>>, vector<16xi32>,
    tpu.vector_store %arg10[%swap3A_110], %sub3A_109 {strides = array<i32>} : memref<2000xi32, #tpu.memory_space<vmem>>, vector<16xi32>,
    %scan3A = arith.constant 0 : i32
    %scan3A_112 = arith.constant 1 : i32
    %scan3A_113 = arith.constant 24 : i32
    %scan3A_114 = arith.addi %scan3A_112, %scan3A_113 : i32
    %scan3A_115 = arith.constant 1 : i32
    scf.for %scan3A_117 = %scan3A_112 to %scan3A_114 step %scan3A_115  : i32 {
      %mul3A_118 = arith.constant 80 : i32
      %mul3A_119 = arith.muli %scan3A_117, %mul3A_118 : i32
      %add3A_120 = arith.constant 0 : i32
      %add3A_121 = arith.addi %mul3A_119, %add3A_120 : i32
      %get3A = arith.constant 0 : index
      %get3A_122 = tpu.vector_load %arg9[%get3A] {strides = array<i32>} : memref<2000xi32, #tpu.memory_space<vmem>>, vector<16xi32>,
      %mul3A_123 = arith.constant 4 : i32
      %mul3A_124 = arith.muli %scan3A_117, %mul3A_123 : i32
      %add3A_125 = vector.broadcast %mul3A_124 : i32 to vector<16xi32>
      %add3A_126 = arith.addi %get3A_122, %add3A_125 : vector<16xi32>
      %swap3A_127 = arith.index_cast %add3A_121 : i32 to index
      %swap3A_128 = tpu.vector_load %arg9[%swap3A_127] {strides = array<i32>} : memref<2000xi32, #tpu.memory_space<vmem>>, vector<16xi32>,
      tpu.vector_store %arg9[%swap3A_127], %add3A_126 {strides = array<i32>} : memref<2000xi32, #tpu.memory_space<vmem>>, vector<16xi32>,
      %get3A_129 = arith.constant 0 : index
      %get3A_130 = tpu.vector_load %arg10[%get3A_129] {strides = array<i32>} : memref<2000xi32, #tpu.memory_space<vmem>>, vector<16xi32>,
      %swap3A_131 = arith.index_cast %add3A_121 : i32 to index
      %swap3A_132 = tpu.vector_load %arg10[%swap3A_131] {strides = array<i32>} : memref<2000xi32, #tpu.memory_space<vmem>>, vector<16xi32>,
      tpu.vector_store %arg10[%swap3A_131], %get3A_130 {strides = array<i32>} : memref<2000xi32, #tpu.memory_space<vmem>>, vector<16xi32>,
      %mul3A_133 = arith.constant 80 : i32
      %mul3A_134 = arith.muli %scan3A_117, %mul3A_133 : i32
      %add3A_135 = arith.constant 16 : i32
      %add3A_136 = arith.addi %mul3A_134, %add3A_135 : i32
      %get3A_137 = arith.constant 16 : index
      %get3A_138 = tpu.vector_load %arg9[%get3A_137] {strides = array<i32>} : memref<2000xi32, #tpu.memory_space<vmem>>, vector<16xi32>,
      %mul3A_139 = arith.constant 4 : i32
      %mul3A_140 = arith.muli %scan3A_117, %mul3A_139 : i32
      %add3A_141 = vector.broadcast %mul3A_140 : i32 to vector<16xi32>
      %add3A_142 = arith.addi %get3A_138, %add3A_141 : vector<16xi32>
      %swap3A_143 = arith.index_cast %add3A_136 : i32 to index
      %swap3A_144 = tpu.vector_load %arg9[%swap3A_143] {strides = array<i32>} : memref<2000xi32, #tpu.memory_space<vmem>>, vector<16xi32>,
      tpu.vector_store %arg9[%swap3A_143], %add3A_142 {strides = array<i32>} : memref<2000xi32, #tpu.memory_space<vmem>>, vector<16xi32>,
      %get3A_145 = arith.constant 16 : index
      %get3A_146 = tpu.vector_load %arg10[%get3A_145] {strides = array<i32>} : memref<2000xi32, #tpu.memory_space<vmem>>, vector<16xi32>,
      %swap3A_147 = arith.index_cast %add3A_136 : i32 to index
      %swap3A_148 = tpu.vector_load %arg10[%swap3A_147] {strides = array<i32>} : memref<2000xi32, #tpu.memory_space<vmem>>, vector<16xi32>,
      tpu.vector_store %arg10[%swap3A_147], %get3A_146 {strides = array<i32>} : memref<2000xi32, #tpu.memory_space<vmem>>, vector<16xi32>,
      %mul3A_149 = arith.constant 80 : i32
      %mul3A_150 = arith.muli %scan3A_117, %mul3A_149 : i32
      %add3A_151 = arith.constant 32 : i32
      %add3A_152 = arith.addi %mul3A_150, %add3A_151 : i32
      %get3A_153 = arith.constant 32 : index
      %get3A_154 = tpu.vector_load %arg9[%get3A_153] {strides = array<i32>} : memref<2000xi32, #tpu.memory_space<vmem>>, vector<16xi32>,
      %mul3A_155 = arith.constant 4 : i32
      %mul3A_156 = arith.muli %scan3A_117, %mul3A_155 : i32
      %add3A_157 = vector.broadcast %mul3A_156 : i32 to vector<16xi32>
      %add3A_158 = arith.addi %get3A_154, %add3A_157 : vector<16xi32>
      %swap3A_159 = arith.index_cast %add3A_152 : i32 to index
      %swap3A_160 = tpu.vector_load %arg9[%swap3A_159] {strides = array<i32>} : memref<2000xi32, #tpu.memory_space<vmem>>, vector<16xi32>,
      tpu.vector_store %arg9[%swap3A_159], %add3A_158 {strides = array<i32>} : memref<2000xi32, #tpu.memory_space<vmem>>, vector<16xi32>,
      %get3A_161 = arith.constant 32 : index
      %get3A_162 = tpu.vector_load %arg10[%get3A_161] {strides = array<i32>} : memref<2000xi32, #tpu.memory_space<vmem>>, vector<16xi32>,
      %swap3A_163 = arith.index_cast %add3A_152 : i32 to index
      %swap3A_164 = tpu.vector_load %arg10[%swap3A_163] {strides = array<i32>} : memref<2000xi32, #tpu.memory_space<vmem>>, vector<16xi32>,
      tpu.vector_store %arg10[%swap3A_163], %get3A_162 {strides = array<i32>} : memref<2000xi32, #tpu.memory_space<vmem>>, vector<16xi32>,
      %mul3A_165 = arith.constant 80 : i32
      %mul3A_166 = arith.muli %scan3A_117, %mul3A_165 : i32
      %add3A_167 = arith.constant 48 : i32
      %add3A_168 = arith.addi %mul3A_166, %add3A_167 : i32
      %get3A_169 = arith.constant 48 : index
      %get3A_170 = tpu.vector_load %arg9[%get3A_169] {strides = array<i32>} : memref<2000xi32, #tpu.memory_space<vmem>>, vector<16xi32>,
      %mul3A_171 = arith.constant 4 : i32
      %mul3A_172 = arith.muli %scan3A_117, %mul3A_171 : i32
      %add3A_173 = vector.broadcast %mul3A_172 : i32 to vector<16xi32>
      %add3A_174 = arith.addi %get3A_170, %add3A_173 : vector<16xi32>
      %swap3A_175 = arith.index_cast %add3A_168 : i32 to index
      %swap3A_176 = tpu.vector_load %arg9[%swap3A_175] {strides = array<i32>} : memref<2000xi32, #tpu.memory_space<vmem>>, vector<16xi32>,
      tpu.vector_store %arg9[%swap3A_175], %add3A_174 {strides = array<i32>} : memref<2000xi32, #tpu.memory_space<vmem>>, vector<16xi32>,
      %get3A_177 = arith.constant 48 : index
      %get3A_178 = tpu.vector_load %arg10[%get3A_177] {strides = array<i32>} : memref<2000xi32, #tpu.memory_space<vmem>>, vector<16xi32>,
      %swap3A_179 = arith.index_cast %add3A_168 : i32 to index
      %swap3A_180 = tpu.vector_load %arg10[%swap3A_179] {strides = array<i32>} : memref<2000xi32, #tpu.memory_space<vmem>>, vector<16xi32>,
      tpu.vector_store %arg10[%swap3A_179], %get3A_178 {strides = array<i32>} : memref<2000xi32, #tpu.memory_space<vmem>>, vector<16xi32>,
      %mul3A_181 = arith.constant 80 : i32
      %mul3A_182 = arith.muli %scan3A_117, %mul3A_181 : i32
      %add3A_183 = arith.constant 64 : i32
      %add3A_184 = arith.addi %mul3A_182, %add3A_183 : i32
      %get3A_185 = arith.constant 64 : index
      %get3A_186 = tpu.vector_load %arg9[%get3A_185] {strides = array<i32>} : memref<2000xi32, #tpu.memory_space<vmem>>, vector<16xi32>,
      %mul3A_187 = arith.constant 4 : i32
      %mul3A_188 = arith.muli %scan3A_117, %mul3A_187 : i32
      %add3A_189 = vector.broadcast %mul3A_188 : i32 to vector<16xi32>
      %add3A_190 = arith.addi %get3A_186, %add3A_189 : vector<16xi32>
      %swap3A_191 = arith.index_cast %add3A_184 : i32 to index
      %swap3A_192 = tpu.vector_load %arg9[%swap3A_191] {strides = array<i32>} : memref<2000xi32, #tpu.memory_space<vmem>>, vector<16xi32>,
      tpu.vector_store %arg9[%swap3A_191], %add3A_190 {strides = array<i32>} : memref<2000xi32, #tpu.memory_space<vmem>>, vector<16xi32>,
      %get3A_193 = arith.constant 64 : index
      %get3A_194 = tpu.vector_load %arg10[%get3A_193] {strides = array<i32>} : memref<2000xi32, #tpu.memory_space<vmem>>, vector<16xi32>,
      %swap3A_195 = arith.index_cast %add3A_184 : i32 to index
      %swap3A_196 = tpu.vector_load %arg10[%swap3A_195] {strides = array<i32>} : memref<2000xi32, #tpu.memory_space<vmem>>, vector<16xi32>,
      tpu.vector_store %arg10[%swap3A_195], %get3A_194 {strides = array<i32>} : memref<2000xi32, #tpu.memory_space<vmem>>, vector<16xi32>,
    }
    %scan3A_116 = arith.constant 24 : i32
    "tpu.region"() ({
      %run_scoped3A = memref.alloca() : memref<157x1x128xf32, #tpu.memory_space<vmem>>
      %run_scoped3A_117 = memref.alloca() : memref<157x1x128xf32, #tpu.memory_space<vmem>>
      %scan3A_118 = arith.constant 0 : i32
      %scan3A_119 = arith.constant 0 : i32
      %scan3A_120 = arith.constant 157 : i32
      %scan3A_121 = arith.addi %scan3A_119, %scan3A_120 : i32
      %scan3A_122 = arith.constant 1 : i32
      scf.for %scan3A_148 = %scan3A_119 to %scan3A_121 step %scan3A_122  : i32 {
        %swap3A_149 = arith.constant 0 : i32
        %swap3A_150 = arith.index_cast %scan3A_148 : i32 to index
        %swap3A_151 = arith.index_cast %swap3A_149 : i32 to index
        %swap3A_152 = arith.constant 0 : index
        %swap3A_153 = tpu.vector_load %run_scoped3A[%swap3A_150, %swap3A_151, %swap3A_152] {strides = array<i32>} : memref<157x1x128xf32, #tpu.memory_space<vmem>>, vector<16xf32>,
        tpu.vector_store %run_scoped3A[%swap3A_150, %swap3A_151, %swap3A_152], %broadcast_in_dim3A_3 {strides = array<i32>} : memref<157x1x128xf32, #tpu.memory_space<vmem>>, vector<16xf32>,
        %swap3A_154 = arith.constant 0 : i32
        %swap3A_155 = arith.index_cast %scan3A_148 : i32 to index
        %swap3A_156 = arith.index_cast %swap3A_154 : i32 to index
        %swap3A_157 = arith.constant 0 : index
        %swap3A_158 = tpu.vector_load %run_scoped3A_117[%swap3A_155, %swap3A_156, %swap3A_157] {strides = array<i32>} : memref<157x1x128xf32, #tpu.memory_space<vmem>>, vector<16xf32>,
        tpu.vector_store %run_scoped3A_117[%swap3A_155, %swap3A_156, %swap3A_157], %broadcast_in_dim3A_3 {strides = array<i32>} : memref<157x1x128xf32, #tpu.memory_space<vmem>>, vector<16xf32>,
        %swap3A_159 = arith.constant 0 : i32
        %swap3A_160 = arith.index_cast %scan3A_148 : i32 to index
        %swap3A_161 = arith.index_cast %swap3A_159 : i32 to index
        %swap3A_162 = arith.constant 16 : index
        %swap3A_163 = tpu.vector_load %run_scoped3A[%swap3A_160, %swap3A_161, %swap3A_162] {strides = array<i32>} : memref<157x1x128xf32, #tpu.memory_space<vmem>>, vector<16xf32>,
        tpu.vector_store %run_scoped3A[%swap3A_160, %swap3A_161, %swap3A_162], %broadcast_in_dim3A_3 {strides = array<i32>} : memref<157x1x128xf32, #tpu.memory_space<vmem>>, vector<16xf32>,
        %swap3A_164 = arith.constant 0 : i32
        %swap3A_165 = arith.index_cast %scan3A_148 : i32 to index
        %swap3A_166 = arith.index_cast %swap3A_164 : i32 to index
        %swap3A_167 = arith.constant 16 : index
        %swap3A_168 = tpu.vector_load %run_scoped3A_117[%swap3A_165, %swap3A_166, %swap3A_167] {strides = array<i32>} : memref<157x1x128xf32, #tpu.memory_space<vmem>>, vector<16xf32>,
        tpu.vector_store %run_scoped3A_117[%swap3A_165, %swap3A_166, %swap3A_167], %broadcast_in_dim3A_3 {strides = array<i32>} : memref<157x1x128xf32, #tpu.memory_space<vmem>>, vector<16xf32>,
        %swap3A_169 = arith.constant 0 : i32
        %swap3A_170 = arith.index_cast %scan3A_148 : i32 to index
        %swap3A_171 = arith.index_cast %swap3A_169 : i32 to index
        %swap3A_172 = arith.constant 32 : index
        %swap3A_173 = tpu.vector_load %run_scoped3A[%swap3A_170, %swap3A_171, %swap3A_172] {strides = array<i32>} : memref<157x1x128xf32, #tpu.memory_space<vmem>>, vector<16xf32>,
        tpu.vector_store %run_scoped3A[%swap3A_170, %swap3A_171, %swap3A_172], %broadcast_in_dim3A_3 {strides = array<i32>} : memref<157x1x128xf32, #tpu.memory_space<vmem>>, vector<16xf32>,
        %swap3A_174 = arith.constant 0 : i32
        %swap3A_175 = arith.index_cast %scan3A_148 : i32 to index
        %swap3A_176 = arith.index_cast %swap3A_174 : i32 to index
        %swap3A_177 = arith.constant 32 : index
        %swap3A_178 = tpu.vector_load %run_scoped3A_117[%swap3A_175, %swap3A_176, %swap3A_177] {strides = array<i32>} : memref<157x1x128xf32, #tpu.memory_space<vmem>>, vector<16xf32>,
        tpu.vector_store %run_scoped3A_117[%swap3A_175, %swap3A_176, %swap3A_177], %broadcast_in_dim3A_3 {strides = array<i32>} : memref<157x1x128xf32, #tpu.memory_space<vmem>>, vector<16xf32>,
        %swap3A_179 = arith.constant 0 : i32
        %swap3A_180 = arith.index_cast %scan3A_148 : i32 to index
        %swap3A_181 = arith.index_cast %swap3A_179 : i32 to index
        %swap3A_182 = arith.constant 48 : index
        %swap3A_183 = tpu.vector_load %run_scoped3A[%swap3A_180, %swap3A_181, %swap3A_182] {strides = array<i32>} : memref<157x1x128xf32, #tpu.memory_space<vmem>>, vector<16xf32>,
        tpu.vector_store %run_scoped3A[%swap3A_180, %swap3A_181, %swap3A_182], %broadcast_in_dim3A_3 {strides = array<i32>} : memref<157x1x128xf32, #tpu.memory_space<vmem>>, vector<16xf32>,
        %swap3A_184 = arith.constant 0 : i32
        %swap3A_185 = arith.index_cast %scan3A_148 : i32 to index
        %swap3A_186 = arith.index_cast %swap3A_184 : i32 to index
        %swap3A_187 = arith.constant 48 : index
        %swap3A_188 = tpu.vector_load %run_scoped3A_117[%swap3A_185, %swap3A_186, %swap3A_187] {strides = array<i32>} : memref<157x1x128xf32, #tpu.memory_space<vmem>>, vector<16xf32>,
        tpu.vector_store %run_scoped3A_117[%swap3A_185, %swap3A_186, %swap3A_187], %broadcast_in_dim3A_3 {strides = array<i32>} : memref<157x1x128xf32, #tpu.memory_space<vmem>>, vector<16xf32>,
        %swap3A_189 = arith.constant 0 : i32
        %swap3A_190 = arith.index_cast %scan3A_148 : i32 to index
        %swap3A_191 = arith.index_cast %swap3A_189 : i32 to index
        %swap3A_192 = arith.constant 64 : index
        %swap3A_193 = tpu.vector_load %run_scoped3A[%swap3A_190, %swap3A_191, %swap3A_192] {strides = array<i32>} : memref<157x1x128xf32, #tpu.memory_space<vmem>>, vector<16xf32>,
        tpu.vector_store %run_scoped3A[%swap3A_190, %swap3A_191, %swap3A_192], %broadcast_in_dim3A_3 {strides = array<i32>} : memref<157x1x128xf32, #tpu.memory_space<vmem>>, vector<16xf32>,
        %swap3A_194 = arith.constant 0 : i32
        %swap3A_195 = arith.index_cast %scan3A_148 : i32 to index
        %swap3A_196 = arith.index_cast %swap3A_194 : i32 to index
        %swap3A_197 = arith.constant 64 : index
        %swap3A_198 = tpu.vector_load %run_scoped3A_117[%swap3A_195, %swap3A_196, %swap3A_197] {strides = array<i32>} : memref<157x1x128xf32, #tpu.memory_space<vmem>>, vector<16xf32>,
        tpu.vector_store %run_scoped3A_117[%swap3A_195, %swap3A_196, %swap3A_197], %broadcast_in_dim3A_3 {strides = array<i32>} : memref<157x1x128xf32, #tpu.memory_space<vmem>>, vector<16xf32>,
        %swap3A_199 = arith.constant 0 : i32
        %swap3A_200 = arith.index_cast %scan3A_148 : i32 to index
        %swap3A_201 = arith.index_cast %swap3A_199 : i32 to index
        %swap3A_202 = arith.constant 80 : index
        %swap3A_203 = tpu.vector_load %run_scoped3A[%swap3A_200, %swap3A_201, %swap3A_202] {strides = array<i32>} : memref<157x1x128xf32, #tpu.memory_space<vmem>>, vector<16xf32>,
        tpu.vector_store %run_scoped3A[%swap3A_200, %swap3A_201, %swap3A_202], %broadcast_in_dim3A_3 {strides = array<i32>} : memref<157x1x128xf32, #tpu.memory_space<vmem>>, vector<16xf32>,
        %swap3A_204 = arith.constant 0 : i32
        %swap3A_205 = arith.index_cast %scan3A_148 : i32 to index
        %swap3A_206 = arith.index_cast %swap3A_204 : i32 to index
        %swap3A_207 = arith.constant 80 : index
        %swap3A_208 = tpu.vector_load %run_scoped3A_117[%swap3A_205, %swap3A_206, %swap3A_207] {strides = array<i32>} : memref<157x1x128xf32, #tpu.memory_space<vmem>>, vector<16xf32>,
        tpu.vector_store %run_scoped3A_117[%swap3A_205, %swap3A_206, %swap3A_207], %broadcast_in_dim3A_3 {strides = array<i32>} : memref<157x1x128xf32, #tpu.memory_space<vmem>>, vector<16xf32>,
        %swap3A_209 = arith.constant 0 : i32
        %swap3A_210 = arith.index_cast %scan3A_148 : i32 to index
        %swap3A_211 = arith.index_cast %swap3A_209 : i32 to index
        %swap3A_212 = arith.constant 96 : index
        %swap3A_213 = tpu.vector_load %run_scoped3A[%swap3A_210, %swap3A_211, %swap3A_212] {strides = array<i32>} : memref<157x1x128xf32, #tpu.memory_space<vmem>>, vector<16xf32>,
        tpu.vector_store %run_scoped3A[%swap3A_210, %swap3A_211, %swap3A_212], %broadcast_in_dim3A_3 {strides = array<i32>} : memref<157x1x128xf32, #tpu.memory_space<vmem>>, vector<16xf32>,
        %swap3A_214 = arith.constant 0 : i32
        %swap3A_215 = arith.index_cast %scan3A_148 : i32 to index
        %swap3A_216 = arith.index_cast %swap3A_214 : i32 to index
        %swap3A_217 = arith.constant 96 : index
        %swap3A_218 = tpu.vector_load %run_scoped3A_117[%swap3A_215, %swap3A_216, %swap3A_217] {strides = array<i32>} : memref<157x1x128xf32, #tpu.memory_space<vmem>>, vector<16xf32>,
        tpu.vector_store %run_scoped3A_117[%swap3A_215, %swap3A_216, %swap3A_217], %broadcast_in_dim3A_3 {strides = array<i32>} : memref<157x1x128xf32, #tpu.memory_space<vmem>>, vector<16xf32>,
        %swap3A_219 = arith.constant 0 : i32
        %swap3A_220 = arith.index_cast %scan3A_148 : i32 to index
        %swap3A_221 = arith.index_cast %swap3A_219 : i32 to index
        %swap3A_222 = arith.constant 112 : index
        %swap3A_223 = tpu.vector_load %run_scoped3A[%swap3A_220, %swap3A_221, %swap3A_222] {strides = array<i32>} : memref<157x1x128xf32, #tpu.memory_space<vmem>>, vector<16xf32>,
        tpu.vector_store %run_scoped3A[%swap3A_220, %swap3A_221, %swap3A_222], %broadcast_in_dim3A_3 {strides = array<i32>} : memref<157x1x128xf32, #tpu.memory_space<vmem>>, vector<16xf32>,
        %swap3A_224 = arith.constant 0 : i32
        %swap3A_225 = arith.index_cast %scan3A_148 : i32 to index
        %swap3A_226 = arith.index_cast %swap3A_224 : i32 to index
        %swap3A_227 = arith.constant 112 : index
        %swap3A_228 = tpu.vector_load %run_scoped3A_117[%swap3A_225, %swap3A_226, %swap3A_227] {strides = array<i32>} : memref<157x1x128xf32, #tpu.memory_space<vmem>>, vector<16xf32>,
        tpu.vector_store %run_scoped3A_117[%swap3A_225, %swap3A_226, %swap3A_227], %broadcast_in_dim3A_3 {strides = array<i32>} : memref<157x1x128xf32, #tpu.memory_space<vmem>>, vector<16xf32>,
      }
      %scan3A_123 = arith.constant 157 : i32
      %dma_start3A = arith.constant 0 : i32
      %dma_start3A_124 = tpu.memref_slice %arg2[%mul3A_2, %dma_start3A] : memref<1024x2100xf32, #tpu.memory_space<hbm>> -> memref<2x2100xf32, #tpu.memory_space<hbm>>
      %dma_start3A_125 = arith.constant 0 : i32
      %dma_start3A_126 = tpu.memref_slice %arg2[%mul3A_2, %dma_start3A_125] : memref<1024x2100xf32, #tpu.memory_space<hbm>> -> memref<2x2100xf32, #tpu.memory_space<hbm>>
      tpu.enqueue_dma source(%dma_start3A_126 : memref<2x2100xf32, #tpu.memory_space<hbm>>) target(%arg5 : memref<2x2100xf32, #tpu.memory_space<vmem>>) target_semaphore(%arg17 : memref<!tpu.dma_semaphore, #tpu.memory_space<semaphore_mem>>)
      %scan3A_127 = arith.constant 0 : i32
      %scan3A_128 = arith.constant 0 : i32
      %scan3A_129 = arith.constant 16 : i32
      %scan3A_130 = arith.addi %scan3A_128, %scan3A_129 : i32
      %scan3A_131 = arith.constant 1 : i32
      scf.for %scan3A_148 = %scan3A_128 to %scan3A_130 step %scan3A_131  : i32 {
        %mul3A_149 = arith.constant 2 : i32
        %mul3A_150 = arith.muli %mul3A_149, %scan3A_148 : i32
        %add3A_151 = arith.addi %mul3A_2, %mul3A_150 : i32
        %and3A = arith.constant 1 : i32
        %and3A_152 = arith.andi %scan3A_148, %and3A : i32
        %eq3A = arith.constant 0 : i32
        %eq3A_153 = arith.cmpi eq, %and3A_152, %eq3A : i32
        %convert_element_type3A = arith.extui %eq3A_153 : i1 to i32
        %cond3A = arith.constant 0 : i32
        %cond3A_154 = arith.cmpi ne, %convert_element_type3A, %cond3A : i32
        scf.if %cond3A_154 {
          %dma_wait3A_160 = arith.constant 0 : i32
          %dma_wait3A_161 = arith.constant 0 : i32
          %dma_wait3A_162 = tpu.memref_slice %arg2[%dma_wait3A_160, %dma_wait3A_161] : memref<1024x2100xf32, #tpu.memory_space<hbm>> -> memref<2x2100xf32, #tpu.memory_space<hbm>>
          %dma_wait3A_163 = arith.constant 0 : i32
          %dma_wait3A_164 = arith.constant 0 : i32
          %dma_wait3A_165 = tpu.memref_slice %arg2[%dma_wait3A_163, %dma_wait3A_164] : memref<1024x2100xf32, #tpu.memory_space<hbm>> -> memref<2x2100xf32, #tpu.memory_space<hbm>>
          tpu.wait_dma2 semaphore(%arg17 : memref<!tpu.dma_semaphore, #tpu.memory_space<semaphore_mem>>) src(%dma_wait3A_165 : memref<2x2100xf32, #tpu.memory_space<hbm>>) dst(%arg5 : memref<2x2100xf32, #tpu.memory_space<vmem>>)
          %add3A_166 = arith.constant 1 : i32
          %add3A_167 = arith.addi %scan3A_148, %add3A_166 : i32
          %lt3A = arith.constant 16 : i32
          %lt3A_168 = arith.cmpi slt, %add3A_167, %lt3A : i32
          %convert_element_type3A_169 = arith.extui %lt3A_168 : i1 to i32
          %cond3A_170 = arith.constant 0 : i32
          %cond3A_171 = arith.cmpi ne, %convert_element_type3A_169, %cond3A_170 : i32
          scf.if %cond3A_171 {
            %add3A_361 = arith.constant 2 : i32
            %add3A_362 = arith.addi %add3A_151, %add3A_361 : i32
            %dma_start3A_363 = arith.constant 0 : i32
            %dma_start3A_364 = tpu.memref_slice %arg2[%add3A_362, %dma_start3A_363] : memref<1024x2100xf32, #tpu.memory_space<hbm>> -> memref<2x2100xf32, #tpu.memory_space<hbm>>
            %dma_start3A_365 = arith.constant 0 : i32
            %dma_start3A_366 = tpu.memref_slice %arg2[%add3A_362, %dma_start3A_365] : memref<1024x2100xf32, #tpu.memory_space<hbm>> -> memref<2x2100xf32, #tpu.memory_space<hbm>>
            tpu.enqueue_dma source(%dma_start3A_366 : memref<2x2100xf32, #tpu.memory_space<hbm>>) target(%arg6 : memref<2x2100xf32, #tpu.memory_space<vmem>>) target_semaphore(%arg18 : memref<!tpu.dma_semaphore, #tpu.memory_space<semaphore_mem>>)
          } else {
          }
          %mul3A_172 = arith.constant 2 : i32
          %mul3A_173 = arith.muli %mul3A_172, %scan3A_148 : i32
          %add3A_174 = arith.addi %mul3A_2, %mul3A_173 : i32
          %add3A_175 = arith.constant 0 : i32
          %add3A_176 = vector.broadcast %add3A_175 : i32 to vector<16xi32>
          %add3A_177 = arith.addi %mul3A_6, %add3A_176 : vector<16xi32>
          %gt3A = arith.constant 0 : i32
          %gt3A_178 = arith.cmpi sgt, %scan3A_148, %gt3A : i32
          %convert_element_type3A_179 = arith.extui %gt3A_178 : i1 to i32
          %cond3A_180 = arith.constant 0 : i32
          %cond3A_181 = arith.cmpi ne, %convert_element_type3A_179, %cond3A_180 : i32
          scf.if %cond3A_181 {
            %dma_wait3A_361 = arith.constant 0 : i32
            %dma_wait3A_362 = arith.constant 0 : i32
            %dma_wait3A_363 = arith.constant 0 : i32
            %dma_wait3A_364 = tpu.memref_slice %arg3[%dma_wait3A_361, %dma_wait3A_362, %dma_wait3A_363] : memref<160768x1x128xf32, #tpu.memory_space<hbm>> -> memref<157x1x128xf32, #tpu.memory_space<hbm>>
            %dma_wait3A_365 = arith.constant 0 : i32
            %dma_wait3A_366 = arith.constant 0 : i32
            %dma_wait3A_367 = arith.constant 0 : i32
            %dma_wait3A_368 = tpu.memref_slice %arg3[%dma_wait3A_365, %dma_wait3A_366, %dma_wait3A_367] : memref<160768x1x128xf32, #tpu.memory_space<hbm>> -> memref<157x1x128xf32, #tpu.memory_space<hbm>>
            tpu.wait_dma2 semaphore(%arg12 : memref<!tpu.dma_semaphore, #tpu.memory_space<semaphore_mem>>) src(%run_scoped3A : memref<157x1x128xf32, #tpu.memory_space<vmem>>) dst(%dma_wait3A_368 : memref<157x1x128xf32, #tpu.memory_space<hbm>>)
            %scan3A_369 = arith.constant 0 : i32
            %scan3A_370 = arith.constant 0 : i32
            %scan3A_371 = arith.constant 125 : i32
            %scan3A_372 = arith.addi %scan3A_370, %scan3A_371 : i32
            %scan3A_373 = arith.constant 1 : i32
            scf.for %scan3A_375 = %scan3A_370 to %scan3A_372 step %scan3A_373  : i32 {
              %mul3A_376 = arith.constant 16 : i32
              %mul3A_377 = arith.muli %scan3A_375, %mul3A_376 : i32
              %get3A = arith.index_cast %mul3A_377 : i32 to index
              %get3A_378 = tpu.vector_load %arg9[%get3A] {strides = array<i32>} : memref<2000xi32, #tpu.memory_space<vmem>>, vector<16xi32>,
              %gather3A_379 = tpu.vector_load_idx %arg7[%get3A_378] : memref<112xi32, #tpu.memory_space<vmem>>[vector<16xi32>], vector<16xi32>,
              %get3A_380 = arith.index_cast %mul3A_377 : i32 to index
              %get3A_381 = tpu.vector_load %arg10[%get3A_380] {strides = array<i32>} : memref<2000xi32, #tpu.memory_space<vmem>>, vector<16xi32>,
              %add3A_382 = arith.addi %gather3A_379, %get3A_381 : vector<16xi32>
              %shift_right_logical3A = arith.constant 7 : i32
              %shift_right_logical3A_383 = vector.broadcast %shift_right_logical3A : i32 to vector<16xi32>
              %shift_right_logical3A_384 = arith.shrui %add3A_382, %shift_right_logical3A_383 : vector<16xi32>
              %and3A_385 = arith.constant 127 : i32
              %and3A_386 = vector.broadcast %and3A_385 : i32 to vector<16xi32>
              %and3A_387 = arith.andi %add3A_382, %and3A_386 : vector<16xi32>
              tpu.vector_store_idx %run_scoped3A[%shift_right_logical3A_384, %mul3A_6, %and3A_387], %broadcast_in_dim3A_3 : memref<157x1x128xf32, #tpu.memory_space<vmem>>[vector<16xi32>, vector<16xi32>, vector<16xi32>], vector<16xf32>,
            }
            %scan3A_374 = arith.constant 125 : i32
          } else {
          }
          %add3A_182 = arith.constant 0 : i32
          %add3A_183 = vector.broadcast %add3A_182 : i32 to vector<16xi32>
          %add3A_184 = arith.addi %iota3A, %add3A_183 : vector<16xi32>
          %gather3A = tpu.vector_load_idx %arg5[%add3A_177, %add3A_184] : memref<2x2100xf32, #tpu.memory_space<vmem>>[vector<16xi32>, vector<16xi32>], vector<16xf32>,
          %convert_element_type3A_185 = arith.fptosi %gather3A : vector<16xf32> to vector<16xi32>
          %mul3A_186 = arith.constant 20 : i32
          %mul3A_187 = vector.broadcast %mul3A_186 : i32 to vector<16xi32>
          %mul3A_188 = arith.muli %convert_element_type3A_185, %mul3A_187 : vector<16xi32>
          %swap3A_189 = arith.constant 0 : index
          %swap3A_190 = tpu.vector_load %arg7[%swap3A_189] {strides = array<i32>} : memref<112xi32, #tpu.memory_space<vmem>>, vector<16xi32>,
          tpu.vector_store %arg7[%swap3A_189], %mul3A_188 {strides = array<i32>} : memref<112xi32, #tpu.memory_space<vmem>>, vector<16xi32>,
          %add3A_191 = arith.constant 16 : i32
          %add3A_192 = vector.broadcast %add3A_191 : i32 to vector<16xi32>
          %add3A_193 = arith.addi %iota3A, %add3A_192 : vector<16xi32>
          %gather3A_194 = tpu.vector_load_idx %arg5[%add3A_177, %add3A_193] : memref<2x2100xf32, #tpu.memory_space<vmem>>[vector<16xi32>, vector<16xi32>], vector<16xf32>,
          %convert_element_type3A_195 = arith.fptosi %gather3A_194 : vector<16xf32> to vector<16xi32>
          %mul3A_196 = arith.constant 20 : i32
          %mul3A_197 = vector.broadcast %mul3A_196 : i32 to vector<16xi32>
          %mul3A_198 = arith.muli %convert_element_type3A_195, %mul3A_197 : vector<16xi32>
          %swap3A_199 = arith.constant 16 : index
          %swap3A_200 = tpu.vector_load %arg7[%swap3A_199] {strides = array<i32>} : memref<112xi32, #tpu.memory_space<vmem>>, vector<16xi32>,
          tpu.vector_store %arg7[%swap3A_199], %mul3A_198 {strides = array<i32>} : memref<112xi32, #tpu.memory_space<vmem>>, vector<16xi32>,
          %add3A_201 = arith.constant 32 : i32
          %add3A_202 = vector.broadcast %add3A_201 : i32 to vector<16xi32>
          %add3A_203 = arith.addi %iota3A, %add3A_202 : vector<16xi32>
          %gather3A_204 = tpu.vector_load_idx %arg5[%add3A_177, %add3A_203] : memref<2x2100xf32, #tpu.memory_space<vmem>>[vector<16xi32>, vector<16xi32>], vector<16xf32>,
          %convert_element_type3A_205 = arith.fptosi %gather3A_204 : vector<16xf32> to vector<16xi32>
          %mul3A_206 = arith.constant 20 : i32
          %mul3A_207 = vector.broadcast %mul3A_206 : i32 to vector<16xi32>
          %mul3A_208 = arith.muli %convert_element_type3A_205, %mul3A_207 : vector<16xi32>
          %swap3A_209 = arith.constant 32 : index
          %swap3A_210 = tpu.vector_load %arg7[%swap3A_209] {strides = array<i32>} : memref<112xi32, #tpu.memory_space<vmem>>, vector<16xi32>,
          tpu.vector_store %arg7[%swap3A_209], %mul3A_208 {strides = array<i32>} : memref<112xi32, #tpu.memory_space<vmem>>, vector<16xi32>,
          %add3A_211 = arith.constant 48 : i32
          %add3A_212 = vector.broadcast %add3A_211 : i32 to vector<16xi32>
          %add3A_213 = arith.addi %iota3A, %add3A_212 : vector<16xi32>
          %gather3A_214 = tpu.vector_load_idx %arg5[%add3A_177, %add3A_213] : memref<2x2100xf32, #tpu.memory_space<vmem>>[vector<16xi32>, vector<16xi32>], vector<16xf32>,
          %convert_element_type3A_215 = arith.fptosi %gather3A_214 : vector<16xf32> to vector<16xi32>
          %mul3A_216 = arith.constant 20 : i32
          %mul3A_217 = vector.broadcast %mul3A_216 : i32 to vector<16xi32>
          %mul3A_218 = arith.muli %convert_element_type3A_215, %mul3A_217 : vector<16xi32>
          %swap3A_219 = arith.constant 48 : index
          %swap3A_220 = tpu.vector_load %arg7[%swap3A_219] {strides = array<i32>} : memref<112xi32, #tpu.memory_space<vmem>>, vector<16xi32>,
          tpu.vector_store %arg7[%swap3A_219], %mul3A_218 {strides = array<i32>} : memref<112xi32, #tpu.memory_space<vmem>>, vector<16xi32>,
          %add3A_221 = arith.constant 64 : i32
          %add3A_222 = vector.broadcast %add3A_221 : i32 to vector<16xi32>
          %add3A_223 = arith.addi %iota3A, %add3A_222 : vector<16xi32>
          %gather3A_224 = tpu.vector_load_idx %arg5[%add3A_177, %add3A_223] : memref<2x2100xf32, #tpu.memory_space<vmem>>[vector<16xi32>, vector<16xi32>], vector<16xf32>,
          %convert_element_type3A_225 = arith.fptosi %gather3A_224 : vector<16xf32> to vector<16xi32>
          %mul3A_226 = arith.constant 20 : i32
          %mul3A_227 = vector.broadcast %mul3A_226 : i32 to vector<16xi32>
          %mul3A_228 = arith.muli %convert_element_type3A_225, %mul3A_227 : vector<16xi32>
          %swap3A_229 = arith.constant 64 : index
          %swap3A_230 = tpu.vector_load %arg7[%swap3A_229] {strides = array<i32>} : memref<112xi32, #tpu.memory_space<vmem>>, vector<16xi32>,
          tpu.vector_store %arg7[%swap3A_229], %mul3A_228 {strides = array<i32>} : memref<112xi32, #tpu.memory_space<vmem>>, vector<16xi32>,
          %add3A_231 = arith.constant 80 : i32
          %add3A_232 = vector.broadcast %add3A_231 : i32 to vector<16xi32>
          %add3A_233 = arith.addi %iota3A, %add3A_232 : vector<16xi32>
          %gather3A_234 = tpu.vector_load_idx %arg5[%add3A_177, %add3A_233] : memref<2x2100xf32, #tpu.memory_space<vmem>>[vector<16xi32>, vector<16xi32>], vector<16xf32>,
          %convert_element_type3A_235 = arith.fptosi %gather3A_234 : vector<16xf32> to vector<16xi32>
          %mul3A_236 = arith.constant 20 : i32
          %mul3A_237 = vector.broadcast %mul3A_236 : i32 to vector<16xi32>
          %mul3A_238 = arith.muli %convert_element_type3A_235, %mul3A_237 : vector<16xi32>
          %swap3A_239 = arith.constant 80 : index
          %swap3A_240 = tpu.vector_load %arg7[%swap3A_239] {strides = array<i32>} : memref<112xi32, #tpu.memory_space<vmem>>, vector<16xi32>,
          tpu.vector_store %arg7[%swap3A_239], %mul3A_238 {strides = array<i32>} : memref<112xi32, #tpu.memory_space<vmem>>, vector<16xi32>,
          %add3A_241 = arith.constant 96 : i32
          %add3A_242 = vector.broadcast %add3A_241 : i32 to vector<16xi32>
          %add3A_243 = arith.addi %iota3A, %add3A_242 : vector<16xi32>
          %gather3A_244 = tpu.vector_load_idx %arg5[%add3A_177, %add3A_243] : memref<2x2100xf32, #tpu.memory_space<vmem>>[vector<16xi32>, vector<16xi32>], vector<16xf32>,
          %convert_element_type3A_245 = arith.fptosi %gather3A_244 : vector<16xf32> to vector<16xi32>
          %mul3A_246 = arith.constant 20 : i32
          %mul3A_247 = vector.broadcast %mul3A_246 : i32 to vector<16xi32>
          %mul3A_248 = arith.muli %convert_element_type3A_245, %mul3A_247 : vector<16xi32>
          %swap3A_249 = arith.constant 96 : index
          %swap3A_250 = tpu.vector_load %arg7[%swap3A_249] {strides = array<i32>} : memref<112xi32, #tpu.memory_space<vmem>>, vector<16xi32>,
          tpu.vector_store %arg7[%swap3A_249], %mul3A_248 {strides = array<i32>} : memref<112xi32, #tpu.memory_space<vmem>>, vector<16xi32>,
          %scan3A_251 = arith.constant 0 : i32
          %scan3A_252 = arith.constant 0 : i32
          %scan3A_253 = arith.constant 125 : i32
          %scan3A_254 = arith.addi %scan3A_252, %scan3A_253 : i32
          %scan3A_255 = arith.constant 1 : i32
          scf.for %scan3A_361 = %scan3A_252 to %scan3A_254 step %scan3A_255  : i32 {
            %mul3A_362 = arith.constant 16 : i32
            %mul3A_363 = arith.muli %scan3A_361, %mul3A_362 : i32
            %get3A = arith.index_cast %mul3A_363 : i32 to index
            %get3A_364 = tpu.vector_load %arg9[%get3A] {strides = array<i32>} : memref<2000xi32, #tpu.memory_space<vmem>>, vector<16xi32>,
            %gather3A_365 = tpu.vector_load_idx %arg7[%get3A_364] : memref<112xi32, #tpu.memory_space<vmem>>[vector<16xi32>], vector<16xi32>,
            %get3A_366 = arith.index_cast %mul3A_363 : i32 to index
            %get3A_367 = tpu.vector_load %arg10[%get3A_366] {strides = array<i32>} : memref<2000xi32, #tpu.memory_space<vmem>>, vector<16xi32>,
            %add3A_368 = arith.addi %gather3A_365, %get3A_367 : vector<16xi32>
            %mul3A_369 = arith.constant 16 : i32
            %mul3A_370 = arith.muli %scan3A_361, %mul3A_369 : i32
            %add3A_371 = arith.constant 100 : i32
            %add3A_372 = arith.addi %add3A_371, %mul3A_370 : i32
            %add3A_373 = vector.broadcast %add3A_372 : i32 to vector<16xi32>
            %add3A_374 = arith.addi %iota3A, %add3A_373 : vector<16xi32>
            %gather3A_375 = tpu.vector_load_idx %arg5[%add3A_177, %add3A_374] : memref<2x2100xf32, #tpu.memory_space<vmem>>[vector<16xi32>, vector<16xi32>], vector<16xf32>,
            %shift_right_logical3A = arith.constant 7 : i32
            %shift_right_logical3A_376 = vector.broadcast %shift_right_logical3A : i32 to vector<16xi32>
            %shift_right_logical3A_377 = arith.shrui %add3A_368, %shift_right_logical3A_376 : vector<16xi32>
            %and3A_378 = arith.constant 127 : i32
            %and3A_379 = vector.broadcast %and3A_378 : i32 to vector<16xi32>
            %and3A_380 = arith.andi %add3A_368, %and3A_379 : vector<16xi32>
            tpu.vector_store_idx %run_scoped3A[%shift_right_logical3A_377, %mul3A_6, %and3A_380], %gather3A_375 {add = true} : memref<157x1x128xf32, #tpu.memory_space<vmem>>[vector<16xi32>, vector<16xi32>, vector<16xi32>], vector<16xf32>,
          }
          %scan3A_256 = arith.constant 125 : i32
          %add3A_257 = arith.constant 0 : i32
          %add3A_258 = arith.addi %add3A_174, %add3A_257 : i32
          %mul3A_259 = arith.constant 157 : i32
          %mul3A_260 = arith.muli %add3A_258, %mul3A_259 : i32
          %dma_start3A_261 = arith.constant 0 : i32
          %dma_start3A_262 = arith.constant 0 : i32
          %dma_start3A_263 = tpu.memref_slice %arg3[%mul3A_260, %dma_start3A_261, %dma_start3A_262] : memref<160768x1x128xf32, #tpu.memory_space<hbm>> -> memref<157x1x128xf32, #tpu.memory_space<hbm>>
          %dma_start3A_264 = arith.constant 0 : i32
          %dma_start3A_265 = arith.constant 0 : i32
          %dma_start3A_266 = tpu.memref_slice %arg3[%mul3A_260, %dma_start3A_264, %dma_start3A_265] : memref<160768x1x128xf32, #tpu.memory_space<hbm>> -> memref<157x1x128xf32, #tpu.memory_space<hbm>>
          tpu.enqueue_dma source(%run_scoped3A : memref<157x1x128xf32, #tpu.memory_space<vmem>>) target(%dma_start3A_266 : memref<157x1x128xf32, #tpu.memory_space<hbm>>) target_semaphore(%arg12 : memref<!tpu.dma_semaphore, #tpu.memory_space<semaphore_mem>>)
          %add3A_267 = arith.constant 1 : i32
          %add3A_268 = vector.broadcast %add3A_267 : i32 to vector<16xi32>
          %add3A_269 = arith.addi %mul3A_6, %add3A_268 : vector<16xi32>
          %gt3A_270 = arith.constant 0 : i32
          %gt3A_271 = arith.cmpi sgt, %scan3A_148, %gt3A_270 : i32
          %convert_element_type3A_272 = arith.extui %gt3A_271 : i1 to i32
          %cond3A_273 = arith.constant 0 : i32
          %cond3A_274 = arith.cmpi ne, %convert_element_type3A_272, %cond3A_273 : i32
          scf.if %cond3A_274 {
            %dma_wait3A_361 = arith.constant 0 : i32
            %dma_wait3A_362 = arith.constant 0 : i32
            %dma_wait3A_363 = arith.constant 0 : i32
            %dma_wait3A_364 = tpu.memref_slice %arg3[%dma_wait3A_361, %dma_wait3A_362, %dma_wait3A_363] : memref<160768x1x128xf32, #tpu.memory_space<hbm>> -> memref<157x1x128xf32, #tpu.memory_space<hbm>>
            %dma_wait3A_365 = arith.constant 0 : i32
            %dma_wait3A_366 = arith.constant 0 : i32
            %dma_wait3A_367 = arith.constant 0 : i32
            %dma_wait3A_368 = tpu.memref_slice %arg3[%dma_wait3A_365, %dma_wait3A_366, %dma_wait3A_367] : memref<160768x1x128xf32, #tpu.memory_space<hbm>> -> memref<157x1x128xf32, #tpu.memory_space<hbm>>
            tpu.wait_dma2 semaphore(%arg13 : memref<!tpu.dma_semaphore, #tpu.memory_space<semaphore_mem>>) src(%run_scoped3A_117 : memref<157x1x128xf32, #tpu.memory_space<vmem>>) dst(%dma_wait3A_368 : memref<157x1x128xf32, #tpu.memory_space<hbm>>)
            %scan3A_369 = arith.constant 0 : i32
            %scan3A_370 = arith.constant 0 : i32
            %scan3A_371 = arith.constant 125 : i32
            %scan3A_372 = arith.addi %scan3A_370, %scan3A_371 : i32
            %scan3A_373 = arith.constant 1 : i32
            scf.for %scan3A_375 = %scan3A_370 to %scan3A_372 step %scan3A_373  : i32 {
              %mul3A_376 = arith.constant 16 : i32
              %mul3A_377 = arith.muli %scan3A_375, %mul3A_376 : i32
              %get3A = arith.index_cast %mul3A_377 : i32 to index
              %get3A_378 = tpu.vector_load %arg9[%get3A] {strides = array<i32>} : memref<2000xi32, #tpu.memory_space<vmem>>, vector<16xi32>,
              %gather3A_379 = tpu.vector_load_idx %arg8[%get3A_378] : memref<112xi32, #tpu.memory_space<vmem>>[vector<16xi32>], vector<16xi32>,
              %get3A_380 = arith.index_cast %mul3A_377 : i32 to index
              %get3A_381 = tpu.vector_load %arg10[%get3A_380] {strides = array<i32>} : memref<2000xi32, #tpu.memory_space<vmem>>, vector<16xi32>,
              %add3A_382 = arith.addi %gather3A_379, %get3A_381 : vector<16xi32>
              %shift_right_logical3A = arith.constant 7 : i32
              %shift_right_logical3A_383 = vector.broadcast %shift_right_logical3A : i32 to vector<16xi32>
              %shift_right_logical3A_384 = arith.shrui %add3A_382, %shift_right_logical3A_383 : vector<16xi32>
              %and3A_385 = arith.constant 127 : i32
              %and3A_386 = vector.broadcast %and3A_385 : i32 to vector<16xi32>
              %and3A_387 = arith.andi %add3A_382, %and3A_386 : vector<16xi32>
              tpu.vector_store_idx %run_scoped3A_117[%shift_right_logical3A_384, %mul3A_6, %and3A_387], %broadcast_in_dim3A_3 : memref<157x1x128xf32, #tpu.memory_space<vmem>>[vector<16xi32>, vector<16xi32>, vector<16xi32>], vector<16xf32>,
            }
            %scan3A_374 = arith.constant 125 : i32
          } else {
          }
          %add3A_275 = arith.constant 0 : i32
          %add3A_276 = vector.broadcast %add3A_275 : i32 to vector<16xi32>
          %add3A_277 = arith.addi %iota3A, %add3A_276 : vector<16xi32>
          %gather3A_278 = tpu.vector_load_idx %arg5[%add3A_269, %add3A_277] : memref<2x2100xf32, #tpu.memory_space<vmem>>[vector<16xi32>, vector<16xi32>], vector<16xf32>,
          %convert_element_type3A_279 = arith.fptosi %gather3A_278 : vector<16xf32> to vector<16xi32>
          %mul3A_280 = arith.constant 20 : i32
          %mul3A_281 = vector.broadcast %mul3A_280 : i32 to vector<16xi32>
          %mul3A_282 = arith.muli %convert_element_type3A_279, %mul3A_281 : vector<16xi32>
          %swap3A_283 = arith.constant 0 : index
          %swap3A_284 = tpu.vector_load %arg8[%swap3A_283] {strides = array<i32>} : memref<112xi32, #tpu.memory_space<vmem>>, vector<16xi32>,
          tpu.vector_store %arg8[%swap3A_283], %mul3A_282 {strides = array<i32>} : memref<112xi32, #tpu.memory_space<vmem>>, vector<16xi32>,
          %add3A_285 = arith.constant 16 : i32
          %add3A_286 = vector.broadcast %add3A_285 : i32 to vector<16xi32>
          %add3A_287 = arith.addi %iota3A, %add3A_286 : vector<16xi32>
          %gather3A_288 = tpu.vector_load_idx %arg5[%add3A_269, %add3A_287] : memref<2x2100xf32, #tpu.memory_space<vmem>>[vector<16xi32>, vector<16xi32>], vector<16xf32>,
          %convert_element_type3A_289 = arith.fptosi %gather3A_288 : vector<16xf32> to vector<16xi32>
          %mul3A_290 = arith.constant 20 : i32
          %mul3A_291 = vector.broadcast %mul3A_290 : i32 to vector<16xi32>
          %mul3A_292 = arith.muli %convert_element_type3A_289, %mul3A_291 : vector<16xi32>
          %swap3A_293 = arith.constant 16 : index
          %swap3A_294 = tpu.vector_load %arg8[%swap3A_293] {strides = array<i32>} : memref<112xi32, #tpu.memory_space<vmem>>, vector<16xi32>,
          tpu.vector_store %arg8[%swap3A_293], %mul3A_292 {strides = array<i32>} : memref<112xi32, #tpu.memory_space<vmem>>, vector<16xi32>,
          %add3A_295 = arith.constant 32 : i32
          %add3A_296 = vector.broadcast %add3A_295 : i32 to vector<16xi32>
          %add3A_297 = arith.addi %iota3A, %add3A_296 : vector<16xi32>
          %gather3A_298 = tpu.vector_load_idx %arg5[%add3A_269, %add3A_297] : memref<2x2100xf32, #tpu.memory_space<vmem>>[vector<16xi32>, vector<16xi32>], vector<16xf32>,
          %convert_element_type3A_299 = arith.fptosi %gather3A_298 : vector<16xf32> to vector<16xi32>
          %mul3A_300 = arith.constant 20 : i32
          %mul3A_301 = vector.broadcast %mul3A_300 : i32 to vector<16xi32>
          %mul3A_302 = arith.muli %convert_element_type3A_299, %mul3A_301 : vector<16xi32>
          %swap3A_303 = arith.constant 32 : index
          %swap3A_304 = tpu.vector_load %arg8[%swap3A_303] {strides = array<i32>} : memref<112xi32, #tpu.memory_space<vmem>>, vector<16xi32>,
          tpu.vector_store %arg8[%swap3A_303], %mul3A_302 {strides = array<i32>} : memref<112xi32, #tpu.memory_space<vmem>>, vector<16xi32>,
          %add3A_305 = arith.constant 48 : i32
          %add3A_306 = vector.broadcast %add3A_305 : i32 to vector<16xi32>
          %add3A_307 = arith.addi %iota3A, %add3A_306 : vector<16xi32>
          %gather3A_308 = tpu.vector_load_idx %arg5[%add3A_269, %add3A_307] : memref<2x2100xf32, #tpu.memory_space<vmem>>[vector<16xi32>, vector<16xi32>], vector<16xf32>,
          %convert_element_type3A_309 = arith.fptosi %gather3A_308 : vector<16xf32> to vector<16xi32>
          %mul3A_310 = arith.constant 20 : i32
          %mul3A_311 = vector.broadcast %mul3A_310 : i32 to vector<16xi32>
          %mul3A_312 = arith.muli %convert_element_type3A_309, %mul3A_311 : vector<16xi32>
          %swap3A_313 = arith.constant 48 : index
          %swap3A_314 = tpu.vector_load %arg8[%swap3A_313] {strides = array<i32>} : memref<112xi32, #tpu.memory_space<vmem>>, vector<16xi32>,
          tpu.vector_store %arg8[%swap3A_313], %mul3A_312 {strides = array<i32>} : memref<112xi32, #tpu.memory_space<vmem>>, vector<16xi32>,
          %add3A_315 = arith.constant 64 : i32
          %add3A_316 = vector.broadcast %add3A_315 : i32 to vector<16xi32>
          %add3A_317 = arith.addi %iota3A, %add3A_316 : vector<16xi32>
          %gather3A_318 = tpu.vector_load_idx %arg5[%add3A_269, %add3A_317] : memref<2x2100xf32, #tpu.memory_space<vmem>>[vector<16xi32>, vector<16xi32>], vector<16xf32>,
          %convert_element_type3A_319 = arith.fptosi %gather3A_318 : vector<16xf32> to vector<16xi32>
          %mul3A_320 = arith.constant 20 : i32
          %mul3A_321 = vector.broadcast %mul3A_320 : i32 to vector<16xi32>
          %mul3A_322 = arith.muli %convert_element_type3A_319, %mul3A_321 : vector<16xi32>
          %swap3A_323 = arith.constant 64 : index
          %swap3A_324 = tpu.vector_load %arg8[%swap3A_323] {strides = array<i32>} : memref<112xi32, #tpu.memory_space<vmem>>, vector<16xi32>,
          tpu.vector_store %arg8[%swap3A_323], %mul3A_322 {strides = array<i32>} : memref<112xi32, #tpu.memory_space<vmem>>, vector<16xi32>,
          %add3A_325 = arith.constant 80 : i32
          %add3A_326 = vector.broadcast %add3A_325 : i32 to vector<16xi32>
          %add3A_327 = arith.addi %iota3A, %add3A_326 : vector<16xi32>
          %gather3A_328 = tpu.vector_load_idx %arg5[%add3A_269, %add3A_327] : memref<2x2100xf32, #tpu.memory_space<vmem>>[vector<16xi32>, vector<16xi32>], vector<16xf32>,
          %convert_element_type3A_329 = arith.fptosi %gather3A_328 : vector<16xf32> to vector<16xi32>
          %mul3A_330 = arith.constant 20 : i32
          %mul3A_331 = vector.broadcast %mul3A_330 : i32 to vector<16xi32>
          %mul3A_332 = arith.muli %convert_element_type3A_329, %mul3A_331 : vector<16xi32>
          %swap3A_333 = arith.constant 80 : index
          %swap3A_334 = tpu.vector_load %arg8[%swap3A_333] {strides = array<i32>} : memref<112xi32, #tpu.memory_space<vmem>>, vector<16xi32>,
          tpu.vector_store %arg8[%swap3A_333], %mul3A_332 {strides = array<i32>} : memref<112xi32, #tpu.memory_space<vmem>>, vector<16xi32>,
          %add3A_335 = arith.constant 96 : i32
          %add3A_336 = vector.broadcast %add3A_335 : i32 to vector<16xi32>
          %add3A_337 = arith.addi %iota3A, %add3A_336 : vector<16xi32>
          %gather3A_338 = tpu.vector_load_idx %arg5[%add3A_269, %add3A_337] : memref<2x2100xf32, #tpu.memory_space<vmem>>[vector<16xi32>, vector<16xi32>], vector<16xf32>,
          %convert_element_type3A_339 = arith.fptosi %gather3A_338 : vector<16xf32> to vector<16xi32>
          %mul3A_340 = arith.constant 20 : i32
          %mul3A_341 = vector.broadcast %mul3A_340 : i32 to vector<16xi32>
          %mul3A_342 = arith.muli %convert_element_type3A_339, %mul3A_341 : vector<16xi32>
          %swap3A_343 = arith.constant 96 : index
          %swap3A_344 = tpu.vector_load %arg8[%swap3A_343] {strides = array<i32>} : memref<112xi32, #tpu.memory_space<vmem>>, vector<16xi32>,
          tpu.vector_store %arg8[%swap3A_343], %mul3A_342 {strides = array<i32>} : memref<112xi32, #tpu.memory_space<vmem>>, vector<16xi32>,
          %scan3A_345 = arith.constant 0 : i32
          %scan3A_346 = arith.constant 0 : i32
          %scan3A_347 = arith.constant 125 : i32
          %scan3A_348 = arith.addi %scan3A_346, %scan3A_347 : i32
          %scan3A_349 = arith.constant 1 : i32
          scf.for %scan3A_361 = %scan3A_346 to %scan3A_348 step %scan3A_349  : i32 {
            %mul3A_362 = arith.constant 16 : i32
            %mul3A_363 = arith.muli %scan3A_361, %mul3A_362 : i32
            %get3A = arith.index_cast %mul3A_363 : i32 to index
            %get3A_364 = tpu.vector_load %arg9[%get3A] {strides = array<i32>} : memref<2000xi32, #tpu.memory_space<vmem>>, vector<16xi32>,
            %gather3A_365 = tpu.vector_load_idx %arg8[%get3A_364] : memref<112xi32, #tpu.memory_space<vmem>>[vector<16xi32>], vector<16xi32>,
            %get3A_366 = arith.index_cast %mul3A_363 : i32 to index
            %get3A_367 = tpu.vector_load %arg10[%get3A_366] {strides = array<i32>} : memref<2000xi32, #tpu.memory_space<vmem>>, vector<16xi32>,
            %add3A_368 = arith.addi %gather3A_365, %get3A_367 : vector<16xi32>
            %mul3A_369 = arith.constant 16 : i32
            %mul3A_370 = arith.muli %scan3A_361, %mul3A_369 : i32
            %add3A_371 = arith.constant 100 : i32
            %add3A_372 = arith.addi %add3A_371, %mul3A_370 : i32
            %add3A_373 = vector.broadcast %add3A_372 : i32 to vector<16xi32>
            %add3A_374 = arith.addi %iota3A, %add3A_373 : vector<16xi32>
            %gather3A_375 = tpu.vector_load_idx %arg5[%add3A_269, %add3A_374] : memref<2x2100xf32, #tpu.memory_space<vmem>>[vector<16xi32>, vector<16xi32>], vector<16xf32>,
            %shift_right_logical3A = arith.constant 7 : i32
            %shift_right_logical3A_376 = vector.broadcast %shift_right_logical3A : i32 to vector<16xi32>
            %shift_right_logical3A_377 = arith.shrui %add3A_368, %shift_right_logical3A_376 : vector<16xi32>
            %and3A_378 = arith.constant 127 : i32
            %and3A_379 = vector.broadcast %and3A_378 : i32 to vector<16xi32>
            %and3A_380 = arith.andi %add3A_368, %and3A_379 : vector<16xi32>
            tpu.vector_store_idx %run_scoped3A_117[%shift_right_logical3A_377, %mul3A_6, %and3A_380], %gather3A_375 {add = true} : memref<157x1x128xf32, #tpu.memory_space<vmem>>[vector<16xi32>, vector<16xi32>, vector<16xi32>], vector<16xf32>,
          }
          %scan3A_350 = arith.constant 125 : i32
          %add3A_351 = arith.constant 1 : i32
          %add3A_352 = arith.addi %add3A_174, %add3A_351 : i32
          %mul3A_353 = arith.constant 157 : i32
          %mul3A_354 = arith.muli %add3A_352, %mul3A_353 : i32
          %dma_start3A_355 = arith.constant 0 : i32
          %dma_start3A_356 = arith.constant 0 : i32
          %dma_start3A_357 = tpu.memref_slice %arg3[%mul3A_354, %dma_start3A_355, %dma_start3A_356] : memref<160768x1x128xf32, #tpu.memory_space<hbm>> -> memref<157x1x128xf32, #tpu.memory_space<hbm>>
          %dma_start3A_358 = arith.constant 0 : i32
          %dma_start3A_359 = arith.constant 0 : i32
          %dma_start3A_360 = tpu.memref_slice %arg3[%mul3A_354, %dma_start3A_358, %dma_start3A_359] : memref<160768x1x128xf32, #tpu.memory_space<hbm>> -> memref<157x1x128xf32, #tpu.memory_space<hbm>>
          tpu.enqueue_dma source(%run_scoped3A_117 : memref<157x1x128xf32, #tpu.memory_space<vmem>>) target(%dma_start3A_360 : memref<157x1x128xf32, #tpu.memory_space<hbm>>) target_semaphore(%arg13 : memref<!tpu.dma_semaphore, #tpu.memory_space<semaphore_mem>>)
        } else {
        }
        %eq3A_155 = arith.constant 1 : i32
        %eq3A_156 = arith.cmpi eq, %and3A_152, %eq3A_155 : i32
        %convert_element_type3A_157 = arith.extui %eq3A_156 : i1 to i32
        %cond3A_158 = arith.constant 0 : i32
        %cond3A_159 = arith.cmpi ne, %convert_element_type3A_157, %cond3A_158 : i32
        scf.if %cond3A_159 {
          %dma_wait3A_160 = arith.constant 0 : i32
          %dma_wait3A_161 = arith.constant 0 : i32
          %dma_wait3A_162 = tpu.memref_slice %arg2[%dma_wait3A_160, %dma_wait3A_161] : memref<1024x2100xf32, #tpu.memory_space<hbm>> -> memref<2x2100xf32, #tpu.memory_space<hbm>>
          %dma_wait3A_163 = arith.constant 0 : i32
          %dma_wait3A_164 = arith.constant 0 : i32
          %dma_wait3A_165 = tpu.memref_slice %arg2[%dma_wait3A_163, %dma_wait3A_164] : memref<1024x2100xf32, #tpu.memory_space<hbm>> -> memref<2x2100xf32, #tpu.memory_space<hbm>>
          tpu.wait_dma2 semaphore(%arg18 : memref<!tpu.dma_semaphore, #tpu.memory_space<semaphore_mem>>) src(%dma_wait3A_165 : memref<2x2100xf32, #tpu.memory_space<hbm>>) dst(%arg6 : memref<2x2100xf32, #tpu.memory_space<vmem>>)
          %add3A_166 = arith.constant 1 : i32
          %add3A_167 = arith.addi %scan3A_148, %add3A_166 : i32
          %lt3A = arith.constant 16 : i32
          %lt3A_168 = arith.cmpi slt, %add3A_167, %lt3A : i32
          %convert_element_type3A_169 = arith.extui %lt3A_168 : i1 to i32
          %cond3A_170 = arith.constant 0 : i32
          %cond3A_171 = arith.cmpi ne, %convert_element_type3A_169, %cond3A_170 : i32
          scf.if %cond3A_171 {
            %add3A_361 = arith.constant 2 : i32
            %add3A_362 = arith.addi %add3A_151, %add3A_361 : i32
            %dma_start3A_363 = arith.constant 0 : i32
            %dma_start3A_364 = tpu.memref_slice %arg2[%add3A_362, %dma_start3A_363] : memref<1024x2100xf32, #tpu.memory_space<hbm>> -> memref<2x2100xf32, #tpu.memory_space<hbm>>
            %dma_start3A_365 = arith.constant 0 : i32
            %dma_start3A_366 = tpu.memref_slice %arg2[%add3A_362, %dma_start3A_365] : memref<1024x2100xf32, #tpu.memory_space<hbm>> -> memref<2x2100xf32, #tpu.memory_space<hbm>>
            tpu.enqueue_dma source(%dma_start3A_366 : memref<2x2100xf32, #tpu.memory_space<hbm>>) target(%arg5 : memref<2x2100xf32, #tpu.memory_space<vmem>>) target_semaphore(%arg17 : memref<!tpu.dma_semaphore, #tpu.memory_space<semaphore_mem>>)
          } else {
          }
          %mul3A_172 = arith.constant 2 : i32
          %mul3A_173 = arith.muli %mul3A_172, %scan3A_148 : i32
          %add3A_174 = arith.addi %mul3A_2, %mul3A_173 : i32
          %add3A_175 = arith.constant 0 : i32
          %add3A_176 = vector.broadcast %add3A_175 : i32 to vector<16xi32>
          %add3A_177 = arith.addi %mul3A_6, %add3A_176 : vector<16xi32>
          %gt3A = arith.constant 0 : i32
          %gt3A_178 = arith.cmpi sgt, %scan3A_148, %gt3A : i32
          %convert_element_type3A_179 = arith.extui %gt3A_178 : i1 to i32
          %cond3A_180 = arith.constant 0 : i32
          %cond3A_181 = arith.cmpi ne, %convert_element_type3A_179, %cond3A_180 : i32
          scf.if %cond3A_181 {
            %dma_wait3A_361 = arith.constant 0 : i32
            %dma_wait3A_362 = arith.constant 0 : i32
            %dma_wait3A_363 = arith.constant 0 : i32
            %dma_wait3A_364 = tpu.memref_slice %arg3[%dma_wait3A_361, %dma_wait3A_362, %dma_wait3A_363] : memref<160768x1x128xf32, #tpu.memory_space<hbm>> -> memref<157x1x128xf32, #tpu.memory_space<hbm>>
            %dma_wait3A_365 = arith.constant 0 : i32
            %dma_wait3A_366 = arith.constant 0 : i32
            %dma_wait3A_367 = arith.constant 0 : i32
            %dma_wait3A_368 = tpu.memref_slice %arg3[%dma_wait3A_365, %dma_wait3A_366, %dma_wait3A_367] : memref<160768x1x128xf32, #tpu.memory_space<hbm>> -> memref<157x1x128xf32, #tpu.memory_space<hbm>>
            tpu.wait_dma2 semaphore(%arg12 : memref<!tpu.dma_semaphore, #tpu.memory_space<semaphore_mem>>) src(%run_scoped3A : memref<157x1x128xf32, #tpu.memory_space<vmem>>) dst(%dma_wait3A_368 : memref<157x1x128xf32, #tpu.memory_space<hbm>>)
            %scan3A_369 = arith.constant 0 : i32
            %scan3A_370 = arith.constant 0 : i32
            %scan3A_371 = arith.constant 125 : i32
            %scan3A_372 = arith.addi %scan3A_370, %scan3A_371 : i32
            %scan3A_373 = arith.constant 1 : i32
            scf.for %scan3A_375 = %scan3A_370 to %scan3A_372 step %scan3A_373  : i32 {
              %mul3A_376 = arith.constant 16 : i32
              %mul3A_377 = arith.muli %scan3A_375, %mul3A_376 : i32
              %get3A = arith.index_cast %mul3A_377 : i32 to index
              %get3A_378 = tpu.vector_load %arg9[%get3A] {strides = array<i32>} : memref<2000xi32, #tpu.memory_space<vmem>>, vector<16xi32>,
              %gather3A_379 = tpu.vector_load_idx %arg7[%get3A_378] : memref<112xi32, #tpu.memory_space<vmem>>[vector<16xi32>], vector<16xi32>,
              %get3A_380 = arith.index_cast %mul3A_377 : i32 to index
              %get3A_381 = tpu.vector_load %arg10[%get3A_380] {strides = array<i32>} : memref<2000xi32, #tpu.memory_space<vmem>>, vector<16xi32>,
              %add3A_382 = arith.addi %gather3A_379, %get3A_381 : vector<16xi32>
              %shift_right_logical3A = arith.constant 7 : i32
              %shift_right_logical3A_383 = vector.broadcast %shift_right_logical3A : i32 to vector<16xi32>
              %shift_right_logical3A_384 = arith.shrui %add3A_382, %shift_right_logical3A_383 : vector<16xi32>
              %and3A_385 = arith.constant 127 : i32
              %and3A_386 = vector.broadcast %and3A_385 : i32 to vector<16xi32>
              %and3A_387 = arith.andi %add3A_382, %and3A_386 : vector<16xi32>
              tpu.vector_store_idx %run_scoped3A[%shift_right_logical3A_384, %mul3A_6, %and3A_387], %broadcast_in_dim3A_3 : memref<157x1x128xf32, #tpu.memory_space<vmem>>[vector<16xi32>, vector<16xi32>, vector<16xi32>], vector<16xf32>,
            }
            %scan3A_374 = arith.constant 125 : i32
          } else {
          }
          %add3A_182 = arith.constant 0 : i32
          %add3A_183 = vector.broadcast %add3A_182 : i32 to vector<16xi32>
          %add3A_184 = arith.addi %iota3A, %add3A_183 : vector<16xi32>
          %gather3A = tpu.vector_load_idx %arg6[%add3A_177, %add3A_184] : memref<2x2100xf32, #tpu.memory_space<vmem>>[vector<16xi32>, vector<16xi32>], vector<16xf32>,
          %convert_element_type3A_185 = arith.fptosi %gather3A : vector<16xf32> to vector<16xi32>
          %mul3A_186 = arith.constant 20 : i32
          %mul3A_187 = vector.broadcast %mul3A_186 : i32 to vector<16xi32>
          %mul3A_188 = arith.muli %convert_element_type3A_185, %mul3A_187 : vector<16xi32>
          %swap3A_189 = arith.constant 0 : index
          %swap3A_190 = tpu.vector_load %arg7[%swap3A_189] {strides = array<i32>} : memref<112xi32, #tpu.memory_space<vmem>>, vector<16xi32>,
          tpu.vector_store %arg7[%swap3A_189], %mul3A_188 {strides = array<i32>} : memref<112xi32, #tpu.memory_space<vmem>>, vector<16xi32>,
          %add3A_191 = arith.constant 16 : i32
          %add3A_192 = vector.broadcast %add3A_191 : i32 to vector<16xi32>
          %add3A_193 = arith.addi %iota3A, %add3A_192 : vector<16xi32>
          %gather3A_194 = tpu.vector_load_idx %arg6[%add3A_177, %add3A_193] : memref<2x2100xf32, #tpu.memory_space<vmem>>[vector<16xi32>, vector<16xi32>], vector<16xf32>,
          %convert_element_type3A_195 = arith.fptosi %gather3A_194 : vector<16xf32> to vector<16xi32>
          %mul3A_196 = arith.constant 20 : i32
          %mul3A_197 = vector.broadcast %mul3A_196 : i32 to vector<16xi32>
          %mul3A_198 = arith.muli %convert_element_type3A_195, %mul3A_197 : vector<16xi32>
          %swap3A_199 = arith.constant 16 : index
          %swap3A_200 = tpu.vector_load %arg7[%swap3A_199] {strides = array<i32>} : memref<112xi32, #tpu.memory_space<vmem>>, vector<16xi32>,
          tpu.vector_store %arg7[%swap3A_199], %mul3A_198 {strides = array<i32>} : memref<112xi32, #tpu.memory_space<vmem>>, vector<16xi32>,
          %add3A_201 = arith.constant 32 : i32
          %add3A_202 = vector.broadcast %add3A_201 : i32 to vector<16xi32>
          %add3A_203 = arith.addi %iota3A, %add3A_202 : vector<16xi32>
          %gather3A_204 = tpu.vector_load_idx %arg6[%add3A_177, %add3A_203] : memref<2x2100xf32, #tpu.memory_space<vmem>>[vector<16xi32>, vector<16xi32>], vector<16xf32>,
          %convert_element_type3A_205 = arith.fptosi %gather3A_204 : vector<16xf32> to vector<16xi32>
          %mul3A_206 = arith.constant 20 : i32
          %mul3A_207 = vector.broadcast %mul3A_206 : i32 to vector<16xi32>
          %mul3A_208 = arith.muli %convert_element_type3A_205, %mul3A_207 : vector<16xi32>
          %swap3A_209 = arith.constant 32 : index
          %swap3A_210 = tpu.vector_load %arg7[%swap3A_209] {strides = array<i32>} : memref<112xi32, #tpu.memory_space<vmem>>, vector<16xi32>,
          tpu.vector_store %arg7[%swap3A_209], %mul3A_208 {strides = array<i32>} : memref<112xi32, #tpu.memory_space<vmem>>, vector<16xi32>,
          %add3A_211 = arith.constant 48 : i32
          %add3A_212 = vector.broadcast %add3A_211 : i32 to vector<16xi32>
          %add3A_213 = arith.addi %iota3A, %add3A_212 : vector<16xi32>
          %gather3A_214 = tpu.vector_load_idx %arg6[%add3A_177, %add3A_213] : memref<2x2100xf32, #tpu.memory_space<vmem>>[vector<16xi32>, vector<16xi32>], vector<16xf32>,
          %convert_element_type3A_215 = arith.fptosi %gather3A_214 : vector<16xf32> to vector<16xi32>
          %mul3A_216 = arith.constant 20 : i32
          %mul3A_217 = vector.broadcast %mul3A_216 : i32 to vector<16xi32>
          %mul3A_218 = arith.muli %convert_element_type3A_215, %mul3A_217 : vector<16xi32>
          %swap3A_219 = arith.constant 48 : index
          %swap3A_220 = tpu.vector_load %arg7[%swap3A_219] {strides = array<i32>} : memref<112xi32, #tpu.memory_space<vmem>>, vector<16xi32>,
          tpu.vector_store %arg7[%swap3A_219], %mul3A_218 {strides = array<i32>} : memref<112xi32, #tpu.memory_space<vmem>>, vector<16xi32>,
          %add3A_221 = arith.constant 64 : i32
          %add3A_222 = vector.broadcast %add3A_221 : i32 to vector<16xi32>
          %add3A_223 = arith.addi %iota3A, %add3A_222 : vector<16xi32>
          %gather3A_224 = tpu.vector_load_idx %arg6[%add3A_177, %add3A_223] : memref<2x2100xf32, #tpu.memory_space<vmem>>[vector<16xi32>, vector<16xi32>], vector<16xf32>,
          %convert_element_type3A_225 = arith.fptosi %gather3A_224 : vector<16xf32> to vector<16xi32>
          %mul3A_226 = arith.constant 20 : i32
          %mul3A_227 = vector.broadcast %mul3A_226 : i32 to vector<16xi32>
          %mul3A_228 = arith.muli %convert_element_type3A_225, %mul3A_227 : vector<16xi32>
          %swap3A_229 = arith.constant 64 : index
          %swap3A_230 = tpu.vector_load %arg7[%swap3A_229] {strides = array<i32>} : memref<112xi32, #tpu.memory_space<vmem>>, vector<16xi32>,
          tpu.vector_store %arg7[%swap3A_229], %mul3A_228 {strides = array<i32>} : memref<112xi32, #tpu.memory_space<vmem>>, vector<16xi32>,
          %add3A_231 = arith.constant 80 : i32
          %add3A_232 = vector.broadcast %add3A_231 : i32 to vector<16xi32>
          %add3A_233 = arith.addi %iota3A, %add3A_232 : vector<16xi32>
          %gather3A_234 = tpu.vector_load_idx %arg6[%add3A_177, %add3A_233] : memref<2x2100xf32, #tpu.memory_space<vmem>>[vector<16xi32>, vector<16xi32>], vector<16xf32>,
          %convert_element_type3A_235 = arith.fptosi %gather3A_234 : vector<16xf32> to vector<16xi32>
          %mul3A_236 = arith.constant 20 : i32
          %mul3A_237 = vector.broadcast %mul3A_236 : i32 to vector<16xi32>
          %mul3A_238 = arith.muli %convert_element_type3A_235, %mul3A_237 : vector<16xi32>
          %swap3A_239 = arith.constant 80 : index
          %swap3A_240 = tpu.vector_load %arg7[%swap3A_239] {strides = array<i32>} : memref<112xi32, #tpu.memory_space<vmem>>, vector<16xi32>,
          tpu.vector_store %arg7[%swap3A_239], %mul3A_238 {strides = array<i32>} : memref<112xi32, #tpu.memory_space<vmem>>, vector<16xi32>,
          %add3A_241 = arith.constant 96 : i32
          %add3A_242 = vector.broadcast %add3A_241 : i32 to vector<16xi32>
          %add3A_243 = arith.addi %iota3A, %add3A_242 : vector<16xi32>
          %gather3A_244 = tpu.vector_load_idx %arg6[%add3A_177, %add3A_243] : memref<2x2100xf32, #tpu.memory_space<vmem>>[vector<16xi32>, vector<16xi32>], vector<16xf32>,
          %convert_element_type3A_245 = arith.fptosi %gather3A_244 : vector<16xf32> to vector<16xi32>
          %mul3A_246 = arith.constant 20 : i32
          %mul3A_247 = vector.broadcast %mul3A_246 : i32 to vector<16xi32>
          %mul3A_248 = arith.muli %convert_element_type3A_245, %mul3A_247 : vector<16xi32>
          %swap3A_249 = arith.constant 96 : index
          %swap3A_250 = tpu.vector_load %arg7[%swap3A_249] {strides = array<i32>} : memref<112xi32, #tpu.memory_space<vmem>>, vector<16xi32>,
          tpu.vector_store %arg7[%swap3A_249], %mul3A_248 {strides = array<i32>} : memref<112xi32, #tpu.memory_space<vmem>>, vector<16xi32>,
          %scan3A_251 = arith.constant 0 : i32
          %scan3A_252 = arith.constant 0 : i32
          %scan3A_253 = arith.constant 125 : i32
          %scan3A_254 = arith.addi %scan3A_252, %scan3A_253 : i32
          %scan3A_255 = arith.constant 1 : i32
          scf.for %scan3A_361 = %scan3A_252 to %scan3A_254 step %scan3A_255  : i32 {
            %mul3A_362 = arith.constant 16 : i32
            %mul3A_363 = arith.muli %scan3A_361, %mul3A_362 : i32
            %get3A = arith.index_cast %mul3A_363 : i32 to index
            %get3A_364 = tpu.vector_load %arg9[%get3A] {strides = array<i32>} : memref<2000xi32, #tpu.memory_space<vmem>>, vector<16xi32>,
            %gather3A_365 = tpu.vector_load_idx %arg7[%get3A_364] : memref<112xi32, #tpu.memory_space<vmem>>[vector<16xi32>], vector<16xi32>,
            %get3A_366 = arith.index_cast %mul3A_363 : i32 to index
            %get3A_367 = tpu.vector_load %arg10[%get3A_366] {strides = array<i32>} : memref<2000xi32, #tpu.memory_space<vmem>>, vector<16xi32>,
            %add3A_368 = arith.addi %gather3A_365, %get3A_367 : vector<16xi32>
            %mul3A_369 = arith.constant 16 : i32
            %mul3A_370 = arith.muli %scan3A_361, %mul3A_369 : i32
            %add3A_371 = arith.constant 100 : i32
            %add3A_372 = arith.addi %add3A_371, %mul3A_370 : i32
            %add3A_373 = vector.broadcast %add3A_372 : i32 to vector<16xi32>
            %add3A_374 = arith.addi %iota3A, %add3A_373 : vector<16xi32>
            %gather3A_375 = tpu.vector_load_idx %arg6[%add3A_177, %add3A_374] : memref<2x2100xf32, #tpu.memory_space<vmem>>[vector<16xi32>, vector<16xi32>], vector<16xf32>,
            %shift_right_logical3A = arith.constant 7 : i32
            %shift_right_logical3A_376 = vector.broadcast %shift_right_logical3A : i32 to vector<16xi32>
            %shift_right_logical3A_377 = arith.shrui %add3A_368, %shift_right_logical3A_376 : vector<16xi32>
            %and3A_378 = arith.constant 127 : i32
            %and3A_379 = vector.broadcast %and3A_378 : i32 to vector<16xi32>
            %and3A_380 = arith.andi %add3A_368, %and3A_379 : vector<16xi32>
            tpu.vector_store_idx %run_scoped3A[%shift_right_logical3A_377, %mul3A_6, %and3A_380], %gather3A_375 {add = true} : memref<157x1x128xf32, #tpu.memory_space<vmem>>[vector<16xi32>, vector<16xi32>, vector<16xi32>], vector<16xf32>,
          }
          %scan3A_256 = arith.constant 125 : i32
          %add3A_257 = arith.constant 0 : i32
          %add3A_258 = arith.addi %add3A_174, %add3A_257 : i32
          %mul3A_259 = arith.constant 157 : i32
          %mul3A_260 = arith.muli %add3A_258, %mul3A_259 : i32
          %dma_start3A_261 = arith.constant 0 : i32
          %dma_start3A_262 = arith.constant 0 : i32
          %dma_start3A_263 = tpu.memref_slice %arg3[%mul3A_260, %dma_start3A_261, %dma_start3A_262] : memref<160768x1x128xf32, #tpu.memory_space<hbm>> -> memref<157x1x128xf32, #tpu.memory_space<hbm>>
          %dma_start3A_264 = arith.constant 0 : i32
          %dma_start3A_265 = arith.constant 0 : i32
          %dma_start3A_266 = tpu.memref_slice %arg3[%mul3A_260, %dma_start3A_264, %dma_start3A_265] : memref<160768x1x128xf32, #tpu.memory_space<hbm>> -> memref<157x1x128xf32, #tpu.memory_space<hbm>>
          tpu.enqueue_dma source(%run_scoped3A : memref<157x1x128xf32, #tpu.memory_space<vmem>>) target(%dma_start3A_266 : memref<157x1x128xf32, #tpu.memory_space<hbm>>) target_semaphore(%arg12 : memref<!tpu.dma_semaphore, #tpu.memory_space<semaphore_mem>>)
          %add3A_267 = arith.constant 1 : i32
          %add3A_268 = vector.broadcast %add3A_267 : i32 to vector<16xi32>
          %add3A_269 = arith.addi %mul3A_6, %add3A_268 : vector<16xi32>
          %gt3A_270 = arith.constant 0 : i32
          %gt3A_271 = arith.cmpi sgt, %scan3A_148, %gt3A_270 : i32
          %convert_element_type3A_272 = arith.extui %gt3A_271 : i1 to i32
          %cond3A_273 = arith.constant 0 : i32
          %cond3A_274 = arith.cmpi ne, %convert_element_type3A_272, %cond3A_273 : i32
          scf.if %cond3A_274 {
            %dma_wait3A_361 = arith.constant 0 : i32
            %dma_wait3A_362 = arith.constant 0 : i32
            %dma_wait3A_363 = arith.constant 0 : i32
            %dma_wait3A_364 = tpu.memref_slice %arg3[%dma_wait3A_361, %dma_wait3A_362, %dma_wait3A_363] : memref<160768x1x128xf32, #tpu.memory_space<hbm>> -> memref<157x1x128xf32, #tpu.memory_space<hbm>>
            %dma_wait3A_365 = arith.constant 0 : i32
            %dma_wait3A_366 = arith.constant 0 : i32
            %dma_wait3A_367 = arith.constant 0 : i32
            %dma_wait3A_368 = tpu.memref_slice %arg3[%dma_wait3A_365, %dma_wait3A_366, %dma_wait3A_367] : memref<160768x1x128xf32, #tpu.memory_space<hbm>> -> memref<157x1x128xf32, #tpu.memory_space<hbm>>
            tpu.wait_dma2 semaphore(%arg13 : memref<!tpu.dma_semaphore, #tpu.memory_space<semaphore_mem>>) src(%run_scoped3A_117 : memref<157x1x128xf32, #tpu.memory_space<vmem>>) dst(%dma_wait3A_368 : memref<157x1x128xf32, #tpu.memory_space<hbm>>)
            %scan3A_369 = arith.constant 0 : i32
            %scan3A_370 = arith.constant 0 : i32
            %scan3A_371 = arith.constant 125 : i32
            %scan3A_372 = arith.addi %scan3A_370, %scan3A_371 : i32
            %scan3A_373 = arith.constant 1 : i32
            scf.for %scan3A_375 = %scan3A_370 to %scan3A_372 step %scan3A_373  : i32 {
              %mul3A_376 = arith.constant 16 : i32
              %mul3A_377 = arith.muli %scan3A_375, %mul3A_376 : i32
              %get3A = arith.index_cast %mul3A_377 : i32 to index
              %get3A_378 = tpu.vector_load %arg9[%get3A] {strides = array<i32>} : memref<2000xi32, #tpu.memory_space<vmem>>, vector<16xi32>,
              %gather3A_379 = tpu.vector_load_idx %arg8[%get3A_378] : memref<112xi32, #tpu.memory_space<vmem>>[vector<16xi32>], vector<16xi32>,
              %get3A_380 = arith.index_cast %mul3A_377 : i32 to index
              %get3A_381 = tpu.vector_load %arg10[%get3A_380] {strides = array<i32>} : memref<2000xi32, #tpu.memory_space<vmem>>, vector<16xi32>,
              %add3A_382 = arith.addi %gather3A_379, %get3A_381 : vector<16xi32>
              %shift_right_logical3A = arith.constant 7 : i32
              %shift_right_logical3A_383 = vector.broadcast %shift_right_logical3A : i32 to vector<16xi32>
              %shift_right_logical3A_384 = arith.shrui %add3A_382, %shift_right_logical3A_383 : vector<16xi32>
              %and3A_385 = arith.constant 127 : i32
              %and3A_386 = vector.broadcast %and3A_385 : i32 to vector<16xi32>
              %and3A_387 = arith.andi %add3A_382, %and3A_386 : vector<16xi32>
              tpu.vector_store_idx %run_scoped3A_117[%shift_right_logical3A_384, %mul3A_6, %and3A_387], %broadcast_in_dim3A_3 : memref<157x1x128xf32, #tpu.memory_space<vmem>>[vector<16xi32>, vector<16xi32>, vector<16xi32>], vector<16xf32>,
            }
            %scan3A_374 = arith.constant 125 : i32
          } else {
          }
          %add3A_275 = arith.constant 0 : i32
          %add3A_276 = vector.broadcast %add3A_275 : i32 to vector<16xi32>
          %add3A_277 = arith.addi %iota3A, %add3A_276 : vector<16xi32>
          %gather3A_278 = tpu.vector_load_idx %arg6[%add3A_269, %add3A_277] : memref<2x2100xf32, #tpu.memory_space<vmem>>[vector<16xi32>, vector<16xi32>], vector<16xf32>,
          %convert_element_type3A_279 = arith.fptosi %gather3A_278 : vector<16xf32> to vector<16xi32>
          %mul3A_280 = arith.constant 20 : i32
          %mul3A_281 = vector.broadcast %mul3A_280 : i32 to vector<16xi32>
          %mul3A_282 = arith.muli %convert_element_type3A_279, %mul3A_281 : vector<16xi32>
          %swap3A_283 = arith.constant 0 : index
          %swap3A_284 = tpu.vector_load %arg8[%swap3A_283] {strides = array<i32>} : memref<112xi32, #tpu.memory_space<vmem>>, vector<16xi32>,
          tpu.vector_store %arg8[%swap3A_283], %mul3A_282 {strides = array<i32>} : memref<112xi32, #tpu.memory_space<vmem>>, vector<16xi32>,
          %add3A_285 = arith.constant 16 : i32
          %add3A_286 = vector.broadcast %add3A_285 : i32 to vector<16xi32>
          %add3A_287 = arith.addi %iota3A, %add3A_286 : vector<16xi32>
          %gather3A_288 = tpu.vector_load_idx %arg6[%add3A_269, %add3A_287] : memref<2x2100xf32, #tpu.memory_space<vmem>>[vector<16xi32>, vector<16xi32>], vector<16xf32>,
          %convert_element_type3A_289 = arith.fptosi %gather3A_288 : vector<16xf32> to vector<16xi32>
          %mul3A_290 = arith.constant 20 : i32
          %mul3A_291 = vector.broadcast %mul3A_290 : i32 to vector<16xi32>
          %mul3A_292 = arith.muli %convert_element_type3A_289, %mul3A_291 : vector<16xi32>
          %swap3A_293 = arith.constant 16 : index
          %swap3A_294 = tpu.vector_load %arg8[%swap3A_293] {strides = array<i32>} : memref<112xi32, #tpu.memory_space<vmem>>, vector<16xi32>,
          tpu.vector_store %arg8[%swap3A_293], %mul3A_292 {strides = array<i32>} : memref<112xi32, #tpu.memory_space<vmem>>, vector<16xi32>,
          %add3A_295 = arith.constant 32 : i32
          %add3A_296 = vector.broadcast %add3A_295 : i32 to vector<16xi32>
          %add3A_297 = arith.addi %iota3A, %add3A_296 : vector<16xi32>
          %gather3A_298 = tpu.vector_load_idx %arg6[%add3A_269, %add3A_297] : memref<2x2100xf32, #tpu.memory_space<vmem>>[vector<16xi32>, vector<16xi32>], vector<16xf32>,
          %convert_element_type3A_299 = arith.fptosi %gather3A_298 : vector<16xf32> to vector<16xi32>
          %mul3A_300 = arith.constant 20 : i32
          %mul3A_301 = vector.broadcast %mul3A_300 : i32 to vector<16xi32>
          %mul3A_302 = arith.muli %convert_element_type3A_299, %mul3A_301 : vector<16xi32>
          %swap3A_303 = arith.constant 32 : index
          %swap3A_304 = tpu.vector_load %arg8[%swap3A_303] {strides = array<i32>} : memref<112xi32, #tpu.memory_space<vmem>>, vector<16xi32>,
          tpu.vector_store %arg8[%swap3A_303], %mul3A_302 {strides = array<i32>} : memref<112xi32, #tpu.memory_space<vmem>>, vector<16xi32>,
          %add3A_305 = arith.constant 48 : i32
          %add3A_306 = vector.broadcast %add3A_305 : i32 to vector<16xi32>
          %add3A_307 = arith.addi %iota3A, %add3A_306 : vector<16xi32>
          %gather3A_308 = tpu.vector_load_idx %arg6[%add3A_269, %add3A_307] : memref<2x2100xf32, #tpu.memory_space<vmem>>[vector<16xi32>, vector<16xi32>], vector<16xf32>,
          %convert_element_type3A_309 = arith.fptosi %gather3A_308 : vector<16xf32> to vector<16xi32>
          %mul3A_310 = arith.constant 20 : i32
          %mul3A_311 = vector.broadcast %mul3A_310 : i32 to vector<16xi32>
          %mul3A_312 = arith.muli %convert_element_type3A_309, %mul3A_311 : vector<16xi32>
          %swap3A_313 = arith.constant 48 : index
          %swap3A_314 = tpu.vector_load %arg8[%swap3A_313] {strides = array<i32>} : memref<112xi32, #tpu.memory_space<vmem>>, vector<16xi32>,
          tpu.vector_store %arg8[%swap3A_313], %mul3A_312 {strides = array<i32>} : memref<112xi32, #tpu.memory_space<vmem>>, vector<16xi32>,
          %add3A_315 = arith.constant 64 : i32
          %add3A_316 = vector.broadcast %add3A_315 : i32 to vector<16xi32>
          %add3A_317 = arith.addi %iota3A, %add3A_316 : vector<16xi32>
          %gather3A_318 = tpu.vector_load_idx %arg6[%add3A_269, %add3A_317] : memref<2x2100xf32, #tpu.memory_space<vmem>>[vector<16xi32>, vector<16xi32>], vector<16xf32>,
          %convert_element_type3A_319 = arith.fptosi %gather3A_318 : vector<16xf32> to vector<16xi32>
          %mul3A_320 = arith.constant 20 : i32
          %mul3A_321 = vector.broadcast %mul3A_320 : i32 to vector<16xi32>
          %mul3A_322 = arith.muli %convert_element_type3A_319, %mul3A_321 : vector<16xi32>
          %swap3A_323 = arith.constant 64 : index
          %swap3A_324 = tpu.vector_load %arg8[%swap3A_323] {strides = array<i32>} : memref<112xi32, #tpu.memory_space<vmem>>, vector<16xi32>,
          tpu.vector_store %arg8[%swap3A_323], %mul3A_322 {strides = array<i32>} : memref<112xi32, #tpu.memory_space<vmem>>, vector<16xi32>,
          %add3A_325 = arith.constant 80 : i32
          %add3A_326 = vector.broadcast %add3A_325 : i32 to vector<16xi32>
          %add3A_327 = arith.addi %iota3A, %add3A_326 : vector<16xi32>
          %gather3A_328 = tpu.vector_load_idx %arg6[%add3A_269, %add3A_327] : memref<2x2100xf32, #tpu.memory_space<vmem>>[vector<16xi32>, vector<16xi32>], vector<16xf32>,
          %convert_element_type3A_329 = arith.fptosi %gather3A_328 : vector<16xf32> to vector<16xi32>
          %mul3A_330 = arith.constant 20 : i32
          %mul3A_331 = vector.broadcast %mul3A_330 : i32 to vector<16xi32>
          %mul3A_332 = arith.muli %convert_element_type3A_329, %mul3A_331 : vector<16xi32>
          %swap3A_333 = arith.constant 80 : index
          %swap3A_334 = tpu.vector_load %arg8[%swap3A_333] {strides = array<i32>} : memref<112xi32, #tpu.memory_space<vmem>>, vector<16xi32>,
          tpu.vector_store %arg8[%swap3A_333], %mul3A_332 {strides = array<i32>} : memref<112xi32, #tpu.memory_space<vmem>>, vector<16xi32>,
          %add3A_335 = arith.constant 96 : i32
          %add3A_336 = vector.broadcast %add3A_335 : i32 to vector<16xi32>
          %add3A_337 = arith.addi %iota3A, %add3A_336 : vector<16xi32>
          %gather3A_338 = tpu.vector_load_idx %arg6[%add3A_269, %add3A_337] : memref<2x2100xf32, #tpu.memory_space<vmem>>[vector<16xi32>, vector<16xi32>], vector<16xf32>,
          %convert_element_type3A_339 = arith.fptosi %gather3A_338 : vector<16xf32> to vector<16xi32>
          %mul3A_340 = arith.constant 20 : i32
          %mul3A_341 = vector.broadcast %mul3A_340 : i32 to vector<16xi32>
          %mul3A_342 = arith.muli %convert_element_type3A_339, %mul3A_341 : vector<16xi32>
          %swap3A_343 = arith.constant 96 : index
          %swap3A_344 = tpu.vector_load %arg8[%swap3A_343] {strides = array<i32>} : memref<112xi32, #tpu.memory_space<vmem>>, vector<16xi32>,
          tpu.vector_store %arg8[%swap3A_343], %mul3A_342 {strides = array<i32>} : memref<112xi32, #tpu.memory_space<vmem>>, vector<16xi32>,
          %scan3A_345 = arith.constant 0 : i32
          %scan3A_346 = arith.constant 0 : i32
          %scan3A_347 = arith.constant 125 : i32
          %scan3A_348 = arith.addi %scan3A_346, %scan3A_347 : i32
          %scan3A_349 = arith.constant 1 : i32
          scf.for %scan3A_361 = %scan3A_346 to %scan3A_348 step %scan3A_349  : i32 {
            %mul3A_362 = arith.constant 16 : i32
            %mul3A_363 = arith.muli %scan3A_361, %mul3A_362 : i32
            %get3A = arith.index_cast %mul3A_363 : i32 to index
            %get3A_364 = tpu.vector_load %arg9[%get3A] {strides = array<i32>} : memref<2000xi32, #tpu.memory_space<vmem>>, vector<16xi32>,
            %gather3A_365 = tpu.vector_load_idx %arg8[%get3A_364] : memref<112xi32, #tpu.memory_space<vmem>>[vector<16xi32>], vector<16xi32>,
            %get3A_366 = arith.index_cast %mul3A_363 : i32 to index
            %get3A_367 = tpu.vector_load %arg10[%get3A_366] {strides = array<i32>} : memref<2000xi32, #tpu.memory_space<vmem>>, vector<16xi32>,
            %add3A_368 = arith.addi %gather3A_365, %get3A_367 : vector<16xi32>
            %mul3A_369 = arith.constant 16 : i32
            %mul3A_370 = arith.muli %scan3A_361, %mul3A_369 : i32
            %add3A_371 = arith.constant 100 : i32
            %add3A_372 = arith.addi %add3A_371, %mul3A_370 : i32
            %add3A_373 = vector.broadcast %add3A_372 : i32 to vector<16xi32>
            %add3A_374 = arith.addi %iota3A, %add3A_373 : vector<16xi32>
            %gather3A_375 = tpu.vector_load_idx %arg6[%add3A_269, %add3A_374] : memref<2x2100xf32, #tpu.memory_space<vmem>>[vector<16xi32>, vector<16xi32>], vector<16xf32>,
            %shift_right_logical3A = arith.constant 7 : i32
            %shift_right_logical3A_376 = vector.broadcast %shift_right_logical3A : i32 to vector<16xi32>
            %shift_right_logical3A_377 = arith.shrui %add3A_368, %shift_right_logical3A_376 : vector<16xi32>
            %and3A_378 = arith.constant 127 : i32
            %and3A_379 = vector.broadcast %and3A_378 : i32 to vector<16xi32>
            %and3A_380 = arith.andi %add3A_368, %and3A_379 : vector<16xi32>
            tpu.vector_store_idx %run_scoped3A_117[%shift_right_logical3A_377, %mul3A_6, %and3A_380], %gather3A_375 {add = true} : memref<157x1x128xf32, #tpu.memory_space<vmem>>[vector<16xi32>, vector<16xi32>, vector<16xi32>], vector<16xf32>,
          }
          %scan3A_350 = arith.constant 125 : i32
          %add3A_351 = arith.constant 1 : i32
          %add3A_352 = arith.addi %add3A_174, %add3A_351 : i32
          %mul3A_353 = arith.constant 157 : i32
          %mul3A_354 = arith.muli %add3A_352, %mul3A_353 : i32
          %dma_start3A_355 = arith.constant 0 : i32
          %dma_start3A_356 = arith.constant 0 : i32
          %dma_start3A_357 = tpu.memref_slice %arg3[%mul3A_354, %dma_start3A_355, %dma_start3A_356] : memref<160768x1x128xf32, #tpu.memory_space<hbm>> -> memref<157x1x128xf32, #tpu.memory_space<hbm>>
          %dma_start3A_358 = arith.constant 0 : i32
          %dma_start3A_359 = arith.constant 0 : i32
          %dma_start3A_360 = tpu.memref_slice %arg3[%mul3A_354, %dma_start3A_358, %dma_start3A_359] : memref<160768x1x128xf32, #tpu.memory_space<hbm>> -> memref<157x1x128xf32, #tpu.memory_space<hbm>>
          tpu.enqueue_dma source(%run_scoped3A_117 : memref<157x1x128xf32, #tpu.memory_space<vmem>>) target(%dma_start3A_360 : memref<157x1x128xf32, #tpu.memory_space<hbm>>) target_semaphore(%arg13 : memref<!tpu.dma_semaphore, #tpu.memory_space<semaphore_mem>>)
        } else {
        }
      }
      %scan3A_132 = arith.constant 16 : i32
      %dma_wait3A = arith.constant 0 : i32
      %dma_wait3A_133 = arith.constant 0 : i32
      %dma_wait3A_134 = arith.constant 0 : i32
      %dma_wait3A_135 = tpu.memref_slice %arg3[%dma_wait3A, %dma_wait3A_133, %dma_wait3A_134] : memref<160768x1x128xf32, #tpu.memory_space<hbm>> -> memref<157x1x128xf32, #tpu.memory_space<hbm>>
      %dma_wait3A_136 = arith.constant 0 : i32
      %dma_wait3A_137 = arith.constant 0 : i32
      %dma_wait3A_138 = arith.constant 0 : i32
      %dma_wait3A_139 = tpu.memref_slice %arg3[%dma_wait3A_136, %dma_wait3A_137, %dma_wait3A_138] : memref<160768x1x128xf32, #tpu.memory_space<hbm>> -> memref<157x1x128xf32, #tpu.memory_space<hbm>>
      tpu.wait_dma2 semaphore(%arg12 : memref<!tpu.dma_semaphore, #tpu.memory_space<semaphore_mem>>) src(%run_scoped3A : memref<157x1x128xf32, #tpu.memory_space<vmem>>) dst(%dma_wait3A_139 : memref<157x1x128xf32, #tpu.memory_space<hbm>>)
      %dma_wait3A_140 = arith.constant 0 : i32
      %dma_wait3A_141 = arith.constant 0 : i32
      %dma_wait3A_142 = arith.constant 0 : i32
      %dma_wait3A_143 = tpu.memref_slice %arg3[%dma_wait3A_140, %dma_wait3A_141, %dma_wait3A_142] : memref<160768x1x128xf32, #tpu.memory_space<hbm>> -> memref<157x1x128xf32, #tpu.memory_space<hbm>>
      %dma_wait3A_144 = arith.constant 0 : i32
      %dma_wait3A_145 = arith.constant 0 : i32
      %dma_wait3A_146 = arith.constant 0 : i32
      %dma_wait3A_147 = tpu.memref_slice %arg3[%dma_wait3A_144, %dma_wait3A_145, %dma_wait3A_146] : memref<160768x1x128xf32, #tpu.memory_space<hbm>> -> memref<157x1x128xf32, #tpu.memory_space<hbm>>
      tpu.wait_dma2 semaphore(%arg13 : memref<!tpu.dma_semaphore, #tpu.memory_space<semaphore_mem>>) src(%run_scoped3A_117 : memref<157x1x128xf32, #tpu.memory_space<vmem>>) dst(%dma_wait3A_147 : memref<157x1x128xf32, #tpu.memory_space<hbm>>)
      tpu.yield
    }) : () -> ()
    %barrier3A = arith.constant 0 : index
    tpu.barrier barrier_id(%barrier3A)
    "tpu.region"() ({
      %run_scoped3A = memref.alloca() : memref<128x1x128xf32, #tpu.memory_space<vmem>>
      %run_scoped3A_117 = memref.alloca() : memref<128x1x128xf32, #tpu.memory_space<vmem>>
      %run_scoped3A_118 = memref.alloca() : memref<128x1x128xf32, #tpu.memory_space<vmem>>
      %run_scoped3A_119 = memref.alloca() : memref<128x1x128xf32, #tpu.memory_space<vmem>>
      %mul3A_120 = arith.constant 10 : i32
      %mul3A_121 = arith.muli %arg1, %mul3A_120 : i32
      %add3A_122 = arith.constant 0 : i32
      %add3A_123 = arith.addi %mul3A_121, %add3A_122 : i32
      %mul3A_124 = arith.constant 4 : i32
      %mul3A_125 = arith.muli %arg0, %mul3A_124 : i32
      %add3A_126 = arith.constant 0 : i32
      %add3A_127 = arith.addi %mul3A_125, %add3A_126 : i32
      %mul3A_128 = arith.constant 128 : i32
      %mul3A_129 = arith.muli %add3A_127, %mul3A_128 : i32
      %add3A_130 = arith.constant 0 : i32
      %add3A_131 = arith.addi %mul3A_129, %add3A_130 : i32
      %add3A_132 = vector.broadcast %add3A_131 : i32 to vector<16xi32>
      %add3A_133 = arith.addi %iota3A, %add3A_132 : vector<16xi32>
      %mul3A_134 = arith.constant 157 : i32
      %mul3A_135 = vector.broadcast %mul3A_134 : i32 to vector<16xi32>
      %mul3A_136 = arith.muli %add3A_133, %mul3A_135 : vector<16xi32>
      %add3A_137 = vector.broadcast %add3A_123 : i32 to vector<16xi32>
      %add3A_138 = arith.addi %mul3A_136, %add3A_137 : vector<16xi32>
      %swap3A_139 = arith.constant 0 : index
      %swap3A_140 = tpu.vector_load %arg11[%swap3A_139] {strides = array<i32>} : memref<128xi32, #tpu.memory_space<vmem>>, vector<16xi32>,
      tpu.vector_store %arg11[%swap3A_139], %add3A_138 {strides = array<i32>} : memref<128xi32, #tpu.memory_space<vmem>>, vector<16xi32>,
      %add3A_141 = arith.constant 16 : i32
      %add3A_142 = arith.addi %mul3A_129, %add3A_141 : i32
      %add3A_143 = vector.broadcast %add3A_142 : i32 to vector<16xi32>
      %add3A_144 = arith.addi %iota3A, %add3A_143 : vector<16xi32>
      %mul3A_145 = arith.constant 157 : i32
      %mul3A_146 = vector.broadcast %mul3A_145 : i32 to vector<16xi32>
      %mul3A_147 = arith.muli %add3A_144, %mul3A_146 : vector<16xi32>
      %add3A_148 = vector.broadcast %add3A_123 : i32 to vector<16xi32>
      %add3A_149 = arith.addi %mul3A_147, %add3A_148 : vector<16xi32>
      %swap3A_150 = arith.constant 16 : index
      %swap3A_151 = tpu.vector_load %arg11[%swap3A_150] {strides = array<i32>} : memref<128xi32, #tpu.memory_space<vmem>>, vector<16xi32>,
      tpu.vector_store %arg11[%swap3A_150], %add3A_149 {strides = array<i32>} : memref<128xi32, #tpu.memory_space<vmem>>, vector<16xi32>,
      %add3A_152 = arith.constant 32 : i32
      %add3A_153 = arith.addi %mul3A_129, %add3A_152 : i32
      %add3A_154 = vector.broadcast %add3A_153 : i32 to vector<16xi32>
      %add3A_155 = arith.addi %iota3A, %add3A_154 : vector<16xi32>
      %mul3A_156 = arith.constant 157 : i32
      %mul3A_157 = vector.broadcast %mul3A_156 : i32 to vector<16xi32>
      %mul3A_158 = arith.muli %add3A_155, %mul3A_157 : vector<16xi32>
      %add3A_159 = vector.broadcast %add3A_123 : i32 to vector<16xi32>
      %add3A_160 = arith.addi %mul3A_158, %add3A_159 : vector<16xi32>
      %swap3A_161 = arith.constant 32 : index
      %swap3A_162 = tpu.vector_load %arg11[%swap3A_161] {strides = array<i32>} : memref<128xi32, #tpu.memory_space<vmem>>, vector<16xi32>,
      tpu.vector_store %arg11[%swap3A_161], %add3A_160 {strides = array<i32>} : memref<128xi32, #tpu.memory_space<vmem>>, vector<16xi32>,
      %add3A_163 = arith.constant 48 : i32
      %add3A_164 = arith.addi %mul3A_129, %add3A_163 : i32
      %add3A_165 = vector.broadcast %add3A_164 : i32 to vector<16xi32>
      %add3A_166 = arith.addi %iota3A, %add3A_165 : vector<16xi32>
      %mul3A_167 = arith.constant 157 : i32
      %mul3A_168 = vector.broadcast %mul3A_167 : i32 to vector<16xi32>
      %mul3A_169 = arith.muli %add3A_166, %mul3A_168 : vector<16xi32>
      %add3A_170 = vector.broadcast %add3A_123 : i32 to vector<16xi32>
      %add3A_171 = arith.addi %mul3A_169, %add3A_170 : vector<16xi32>
      %swap3A_172 = arith.constant 48 : index
      %swap3A_173 = tpu.vector_load %arg11[%swap3A_172] {strides = array<i32>} : memref<128xi32, #tpu.memory_space<vmem>>, vector<16xi32>,
      tpu.vector_store %arg11[%swap3A_172], %add3A_171 {strides = array<i32>} : memref<128xi32, #tpu.memory_space<vmem>>, vector<16xi32>,
      %add3A_174 = arith.constant 64 : i32
      %add3A_175 = arith.addi %mul3A_129, %add3A_174 : i32
      %add3A_176 = vector.broadcast %add3A_175 : i32 to vector<16xi32>
      %add3A_177 = arith.addi %iota3A, %add3A_176 : vector<16xi32>
      %mul3A_178 = arith.constant 157 : i32
      %mul3A_179 = vector.broadcast %mul3A_178 : i32 to vector<16xi32>
      %mul3A_180 = arith.muli %add3A_177, %mul3A_179 : vector<16xi32>
      %add3A_181 = vector.broadcast %add3A_123 : i32 to vector<16xi32>
      %add3A_182 = arith.addi %mul3A_180, %add3A_181 : vector<16xi32>
      %swap3A_183 = arith.constant 64 : index
      %swap3A_184 = tpu.vector_load %arg11[%swap3A_183] {strides = array<i32>} : memref<128xi32, #tpu.memory_space<vmem>>, vector<16xi32>,
      tpu.vector_store %arg11[%swap3A_183], %add3A_182 {strides = array<i32>} : memref<128xi32, #tpu.memory_space<vmem>>, vector<16xi32>,
      %add3A_185 = arith.constant 80 : i32
      %add3A_186 = arith.addi %mul3A_129, %add3A_185 : i32
      %add3A_187 = vector.broadcast %add3A_186 : i32 to vector<16xi32>
      %add3A_188 = arith.addi %iota3A, %add3A_187 : vector<16xi32>
      %mul3A_189 = arith.constant 157 : i32
      %mul3A_190 = vector.broadcast %mul3A_189 : i32 to vector<16xi32>
      %mul3A_191 = arith.muli %add3A_188, %mul3A_190 : vector<16xi32>
      %add3A_192 = vector.broadcast %add3A_123 : i32 to vector<16xi32>
      %add3A_193 = arith.addi %mul3A_191, %add3A_192 : vector<16xi32>
      %swap3A_194 = arith.constant 80 : index
      %swap3A_195 = tpu.vector_load %arg11[%swap3A_194] {strides = array<i32>} : memref<128xi32, #tpu.memory_space<vmem>>, vector<16xi32>,
      tpu.vector_store %arg11[%swap3A_194], %add3A_193 {strides = array<i32>} : memref<128xi32, #tpu.memory_space<vmem>>, vector<16xi32>,
      %add3A_196 = arith.constant 96 : i32
      %add3A_197 = arith.addi %mul3A_129, %add3A_196 : i32
      %add3A_198 = vector.broadcast %add3A_197 : i32 to vector<16xi32>
      %add3A_199 = arith.addi %iota3A, %add3A_198 : vector<16xi32>
      %mul3A_200 = arith.constant 157 : i32
      %mul3A_201 = vector.broadcast %mul3A_200 : i32 to vector<16xi32>
      %mul3A_202 = arith.muli %add3A_199, %mul3A_201 : vector<16xi32>
      %add3A_203 = vector.broadcast %add3A_123 : i32 to vector<16xi32>
      %add3A_204 = arith.addi %mul3A_202, %add3A_203 : vector<16xi32>
      %swap3A_205 = arith.constant 96 : index
      %swap3A_206 = tpu.vector_load %arg11[%swap3A_205] {strides = array<i32>} : memref<128xi32, #tpu.memory_space<vmem>>, vector<16xi32>,
      tpu.vector_store %arg11[%swap3A_205], %add3A_204 {strides = array<i32>} : memref<128xi32, #tpu.memory_space<vmem>>, vector<16xi32>,
      %add3A_207 = arith.constant 112 : i32
      %add3A_208 = arith.addi %mul3A_129, %add3A_207 : i32
      %add3A_209 = vector.broadcast %add3A_208 : i32 to vector<16xi32>
      %add3A_210 = arith.addi %iota3A, %add3A_209 : vector<16xi32>
      %mul3A_211 = arith.constant 157 : i32
      %mul3A_212 = vector.broadcast %mul3A_211 : i32 to vector<16xi32>
      %mul3A_213 = arith.muli %add3A_210, %mul3A_212 : vector<16xi32>
      %add3A_214 = vector.broadcast %add3A_123 : i32 to vector<16xi32>
      %add3A_215 = arith.addi %mul3A_213, %add3A_214 : vector<16xi32>
      %swap3A_216 = arith.constant 112 : index
      %swap3A_217 = tpu.vector_load %arg11[%swap3A_216] {strides = array<i32>} : memref<128xi32, #tpu.memory_space<vmem>>, vector<16xi32>,
      tpu.vector_store %arg11[%swap3A_216], %add3A_215 {strides = array<i32>} : memref<128xi32, #tpu.memory_space<vmem>>, vector<16xi32>,
      %dma_start3A = arith.constant 0 : i32
      %dma_start3A_218 = arith.constant 0 : i32
      %dma_start3A_219 = arith.constant 0 : i32
      %dma_start3A_220 = tpu.memref_slice %arg3[%dma_start3A, %dma_start3A_218, %dma_start3A_219] : memref<160768x1x128xf32, #tpu.memory_space<hbm>> -> memref<160768x1x128xf32, #tpu.memory_space<hbm>>
      tpu.enqueue_indirect_dma source(%dma_start3A_220 : memref<160768x1x128xf32, #tpu.memory_space<hbm>>) target(%run_scoped3A : memref<128x1x128xf32, #tpu.memory_space<vmem>>) offsets(%arg11 : memref<128xi32, #tpu.memory_space<vmem>>) semaphore(%arg14 : memref<!tpu.dma_semaphore, #tpu.memory_space<semaphore_mem>>)
      %scan3A_221 = arith.constant 0 : i32
      %scan3A_222 = arith.constant 0 : i32
      %scan3A_223 = arith.constant 4 : i32
      %scan3A_224 = arith.addi %scan3A_222, %scan3A_223 : i32
      %scan3A_225 = arith.constant 1 : i32
      scf.for %scan3A_233 = %scan3A_222 to %scan3A_224 step %scan3A_225  : i32 {
        %scan3A_234 = arith.constant 0 : i32
        %scan3A_235 = arith.constant 10 : i32
        %scan3A_236 = arith.addi %scan3A_234, %scan3A_235 : i32
        %scan3A_237 = arith.constant 1 : i32
        scf.for %scan3A_239 = %scan3A_234 to %scan3A_236 step %scan3A_237  : i32 {
          %and3A = arith.constant 1 : i32
          %and3A_240 = arith.andi %scan3A_239, %and3A : i32
          %eq3A_241 = arith.constant 0 : i32
          %eq3A_242 = arith.cmpi eq, %and3A_240, %eq3A_241 : i32
          %convert_element_type3A_243 = arith.extui %eq3A_242 : i1 to i32
          %cond3A_244 = arith.constant 0 : i32
          %cond3A_245 = arith.cmpi ne, %convert_element_type3A_243, %cond3A_244 : i32
          scf.if %cond3A_245 {
            %mul3A_253 = arith.constant 10 : i32
            %mul3A_254 = arith.muli %arg1, %mul3A_253 : i32
            %add3A_255 = arith.addi %mul3A_254, %scan3A_239 : i32
            %mul3A_256 = arith.constant 10 : i32
            %mul3A_257 = arith.muli %scan3A_233, %mul3A_256 : i32
            %add3A_258 = arith.addi %mul3A_257, %scan3A_239 : i32
            %lt3A_259 = arith.constant 157 : i32
            %lt3A_260 = arith.cmpi slt, %add3A_255, %lt3A_259 : i32
            %convert_element_type3A_261 = arith.extui %lt3A_260 : i1 to i32
            %cond3A_262 = arith.constant 0 : i32
            %cond3A_263 = arith.cmpi ne, %convert_element_type3A_261, %cond3A_262 : i32
            scf.if %cond3A_263 {
              %ge3A_264 = arith.constant 2 : i32
              %ge3A_265 = arith.cmpi sge, %add3A_258, %ge3A_264 : i32
              %convert_element_type3A_266 = arith.extui %ge3A_265 : i1 to i32
              %cond3A_267 = arith.constant 0 : i32
              %cond3A_268 = arith.cmpi ne, %convert_element_type3A_266, %cond3A_267 : i32
              scf.if %cond3A_268 {
                %gt3A = arith.constant 0 : i32
                %gt3A_305 = arith.cmpi sgt, %scan3A_239, %gt3A : i32
                %lt3A_306 = arith.constant 15 : i32
                %lt3A_307 = arith.cmpi slt, %arg1, %lt3A_306 : i32
                %or3A = arith.ori %gt3A_305, %lt3A_307 : i1
                %convert_element_type3A_308 = arith.extui %or3A : i1 to i32
                %cond3A_309 = arith.constant 0 : i32
                %cond3A_310 = arith.cmpi ne, %convert_element_type3A_308, %cond3A_309 : i32
                scf.if %cond3A_310 {
                  %dma_wait3A_319 = arith.constant 0 : i32
                  %dma_wait3A_320 = arith.constant 0 : i32
                  %dma_wait3A_321 = arith.constant 0 : i32
                  %dma_wait3A_322 = tpu.memref_slice %arg4[%dma_wait3A_319, %dma_wait3A_320, %dma_wait3A_321] : memref<20000x8x128xf32, #tpu.memory_space<hbm>> -> memref<128x1x128xf32, #tpu.memory_space<hbm>>
                  %dma_wait3A_323 = arith.constant 0 : i32
                  %dma_wait3A_324 = arith.constant 0 : i32
                  %dma_wait3A_325 = arith.constant 0 : i32
                  %dma_wait3A_326 = tpu.memref_slice %arg4[%dma_wait3A_323, %dma_wait3A_324, %dma_wait3A_325] : memref<20000x8x128xf32, #tpu.memory_space<hbm>> -> memref<128x1x128xf32, #tpu.memory_space<hbm>>
                  tpu.wait_dma2 semaphore(%arg15 : memref<!tpu.dma_semaphore, #tpu.memory_space<semaphore_mem>>) src(%run_scoped3A_118 : memref<128x1x128xf32, #tpu.memory_space<vmem>>) dst(%dma_wait3A_326 : memref<128x1x128xf32, #tpu.memory_space<hbm>>)
                } else {
                }
                %eq3A_311 = arith.constant 0 : i32
                %eq3A_312 = arith.cmpi eq, %scan3A_239, %eq3A_311 : i32
                %eq3A_313 = arith.constant 15 : i32
                %eq3A_314 = arith.cmpi eq, %arg1, %eq3A_313 : i32
                %and3A_315 = arith.andi %eq3A_312, %eq3A_314 : i1
                %convert_element_type3A_316 = arith.extui %and3A_315 : i1 to i32
                %cond3A_317 = arith.constant 0 : i32
                %cond3A_318 = arith.cmpi ne, %convert_element_type3A_316, %cond3A_317 : i32
                scf.if %cond3A_318 {
                  %dma_wait3A_319 = arith.constant 0 : i32
                  %dma_wait3A_320 = arith.constant 0 : i32
                  %dma_wait3A_321 = arith.constant 0 : i32
                  %dma_wait3A_322 = tpu.memref_slice %run_scoped3A_118[%dma_wait3A_319, %dma_wait3A_320, %dma_wait3A_321] : memref<128x1x128xf32, #tpu.memory_space<vmem>> -> memref<32x1x128xf32, #tpu.memory_space<vmem>>
                  %dma_wait3A_323 = arith.constant 0 : i32
                  %dma_wait3A_324 = arith.constant 0 : i32
                  %dma_wait3A_325 = arith.constant 0 : i32
                  %dma_wait3A_326 = tpu.memref_slice %arg4[%dma_wait3A_323, %dma_wait3A_324, %dma_wait3A_325] : memref<20000x8x128xf32, #tpu.memory_space<hbm>> -> memref<32x1x128xf32, #tpu.memory_space<hbm>>
                  %dma_wait3A_327 = arith.constant 0 : i32
                  %dma_wait3A_328 = arith.constant 0 : i32
                  %dma_wait3A_329 = arith.constant 0 : i32
                  %dma_wait3A_330 = tpu.memref_slice %arg4[%dma_wait3A_327, %dma_wait3A_328, %dma_wait3A_329] : memref<20000x8x128xf32, #tpu.memory_space<hbm>> -> memref<32x1x128xf32, #tpu.memory_space<hbm>>
                  %dma_wait3A_331 = arith.constant 0 : i32
                  %dma_wait3A_332 = arith.constant 0 : i32
                  %dma_wait3A_333 = arith.constant 0 : i32
                  %dma_wait3A_334 = tpu.memref_slice %run_scoped3A_118[%dma_wait3A_331, %dma_wait3A_332, %dma_wait3A_333] : memref<128x1x128xf32, #tpu.memory_space<vmem>> -> memref<32x1x128xf32, #tpu.memory_space<vmem>>
                  tpu.wait_dma2 semaphore(%arg15 : memref<!tpu.dma_semaphore, #tpu.memory_space<semaphore_mem>>) src(%dma_wait3A_334 : memref<32x1x128xf32, #tpu.memory_space<vmem>>) dst(%dma_wait3A_330 : memref<32x1x128xf32, #tpu.memory_space<hbm>>)
                } else {
                }
              } else {
              }
              %dma_wait3A = arith.constant 0 : i32
              %dma_wait3A_269 = arith.constant 0 : i32
              %dma_wait3A_270 = arith.constant 0 : i32
              %dma_wait3A_271 = tpu.memref_slice %arg3[%dma_wait3A, %dma_wait3A_269, %dma_wait3A_270] : memref<160768x1x128xf32, #tpu.memory_space<hbm>> -> memref<160768x1x128xf32, #tpu.memory_space<hbm>>
              tpu.wait_indirect_dma semaphore(%arg14 : memref<!tpu.dma_semaphore, #tpu.memory_space<semaphore_mem>>) src(%dma_wait3A_271 : memref<160768x1x128xf32, #tpu.memory_space<hbm>>) dst(%run_scoped3A : memref<128x1x128xf32, #tpu.memory_space<vmem>>)
              %lt3A_272 = arith.constant 9 : i32
              %lt3A_273 = arith.cmpi slt, %scan3A_239, %lt3A_272 : i32
              %add3A_274 = arith.constant 1 : i32
              %add3A_275 = arith.addi %add3A_255, %add3A_274 : i32
              %lt3A_276 = arith.constant 157 : i32
              %lt3A_277 = arith.cmpi slt, %add3A_275, %lt3A_276 : i32
              %and3A_278 = arith.andi %lt3A_273, %lt3A_277 : i1
              %convert_element_type3A_279 = arith.extui %and3A_278 : i1 to i32
              %cond3A_280 = arith.constant 0 : i32
              %cond3A_281 = arith.cmpi ne, %convert_element_type3A_279, %cond3A_280 : i32
              scf.if %cond3A_281 {
                %add3A_305 = arith.constant 1 : i32
                %add3A_306 = arith.addi %scan3A_239, %add3A_305 : i32
                %mul3A_307 = arith.constant 10 : i32
                %mul3A_308 = arith.muli %arg1, %mul3A_307 : i32
                %add3A_309 = arith.addi %mul3A_308, %add3A_306 : i32
                %mul3A_310 = arith.constant 4 : i32
                %mul3A_311 = arith.muli %arg0, %mul3A_310 : i32
                %add3A_312 = arith.addi %mul3A_311, %scan3A_233 : i32
                %mul3A_313 = arith.constant 128 : i32
                %mul3A_314 = arith.muli %add3A_312, %mul3A_313 : i32
                %add3A_315 = arith.constant 0 : i32
                %add3A_316 = arith.addi %mul3A_314, %add3A_315 : i32
                %add3A_317 = vector.broadcast %add3A_316 : i32 to vector<16xi32>
                %add3A_318 = arith.addi %iota3A, %add3A_317 : vector<16xi32>
                %mul3A_319 = arith.constant 157 : i32
                %mul3A_320 = vector.broadcast %mul3A_319 : i32 to vector<16xi32>
                %mul3A_321 = arith.muli %add3A_318, %mul3A_320 : vector<16xi32>
                %add3A_322 = vector.broadcast %add3A_309 : i32 to vector<16xi32>
                %add3A_323 = arith.addi %mul3A_321, %add3A_322 : vector<16xi32>
                %swap3A_324 = arith.constant 0 : index
                %swap3A_325 = tpu.vector_load %arg11[%swap3A_324] {strides = array<i32>} : memref<128xi32, #tpu.memory_space<vmem>>, vector<16xi32>,
                tpu.vector_store %arg11[%swap3A_324], %add3A_323 {strides = array<i32>} : memref<128xi32, #tpu.memory_space<vmem>>, vector<16xi32>,
                %add3A_326 = arith.constant 16 : i32
                %add3A_327 = arith.addi %mul3A_314, %add3A_326 : i32
                %add3A_328 = vector.broadcast %add3A_327 : i32 to vector<16xi32>
                %add3A_329 = arith.addi %iota3A, %add3A_328 : vector<16xi32>
                %mul3A_330 = arith.constant 157 : i32
                %mul3A_331 = vector.broadcast %mul3A_330 : i32 to vector<16xi32>
                %mul3A_332 = arith.muli %add3A_329, %mul3A_331 : vector<16xi32>
                %add3A_333 = vector.broadcast %add3A_309 : i32 to vector<16xi32>
                %add3A_334 = arith.addi %mul3A_332, %add3A_333 : vector<16xi32>
                %swap3A_335 = arith.constant 16 : index
                %swap3A_336 = tpu.vector_load %arg11[%swap3A_335] {strides = array<i32>} : memref<128xi32, #tpu.memory_space<vmem>>, vector<16xi32>,
                tpu.vector_store %arg11[%swap3A_335], %add3A_334 {strides = array<i32>} : memref<128xi32, #tpu.memory_space<vmem>>, vector<16xi32>,
                %add3A_337 = arith.constant 32 : i32
                %add3A_338 = arith.addi %mul3A_314, %add3A_337 : i32
                %add3A_339 = vector.broadcast %add3A_338 : i32 to vector<16xi32>
                %add3A_340 = arith.addi %iota3A, %add3A_339 : vector<16xi32>
                %mul3A_341 = arith.constant 157 : i32
                %mul3A_342 = vector.broadcast %mul3A_341 : i32 to vector<16xi32>
                %mul3A_343 = arith.muli %add3A_340, %mul3A_342 : vector<16xi32>
                %add3A_344 = vector.broadcast %add3A_309 : i32 to vector<16xi32>
                %add3A_345 = arith.addi %mul3A_343, %add3A_344 : vector<16xi32>
                %swap3A_346 = arith.constant 32 : index
                %swap3A_347 = tpu.vector_load %arg11[%swap3A_346] {strides = array<i32>} : memref<128xi32, #tpu.memory_space<vmem>>, vector<16xi32>,
                tpu.vector_store %arg11[%swap3A_346], %add3A_345 {strides = array<i32>} : memref<128xi32, #tpu.memory_space<vmem>>, vector<16xi32>,
                %add3A_348 = arith.constant 48 : i32
                %add3A_349 = arith.addi %mul3A_314, %add3A_348 : i32
                %add3A_350 = vector.broadcast %add3A_349 : i32 to vector<16xi32>
                %add3A_351 = arith.addi %iota3A, %add3A_350 : vector<16xi32>
                %mul3A_352 = arith.constant 157 : i32
                %mul3A_353 = vector.broadcast %mul3A_352 : i32 to vector<16xi32>
                %mul3A_354 = arith.muli %add3A_351, %mul3A_353 : vector<16xi32>
                %add3A_355 = vector.broadcast %add3A_309 : i32 to vector<16xi32>
                %add3A_356 = arith.addi %mul3A_354, %add3A_355 : vector<16xi32>
                %swap3A_357 = arith.constant 48 : index
                %swap3A_358 = tpu.vector_load %arg11[%swap3A_357] {strides = array<i32>} : memref<128xi32, #tpu.memory_space<vmem>>, vector<16xi32>,
                tpu.vector_store %arg11[%swap3A_357], %add3A_356 {strides = array<i32>} : memref<128xi32, #tpu.memory_space<vmem>>, vector<16xi32>,
                %add3A_359 = arith.constant 64 : i32
                %add3A_360 = arith.addi %mul3A_314, %add3A_359 : i32
                %add3A_361 = vector.broadcast %add3A_360 : i32 to vector<16xi32>
                %add3A_362 = arith.addi %iota3A, %add3A_361 : vector<16xi32>
                %mul3A_363 = arith.constant 157 : i32
                %mul3A_364 = vector.broadcast %mul3A_363 : i32 to vector<16xi32>
                %mul3A_365 = arith.muli %add3A_362, %mul3A_364 : vector<16xi32>
                %add3A_366 = vector.broadcast %add3A_309 : i32 to vector<16xi32>
                %add3A_367 = arith.addi %mul3A_365, %add3A_366 : vector<16xi32>
                %swap3A_368 = arith.constant 64 : index
                %swap3A_369 = tpu.vector_load %arg11[%swap3A_368] {strides = array<i32>} : memref<128xi32, #tpu.memory_space<vmem>>, vector<16xi32>,
                tpu.vector_store %arg11[%swap3A_368], %add3A_367 {strides = array<i32>} : memref<128xi32, #tpu.memory_space<vmem>>, vector<16xi32>,
                %add3A_370 = arith.constant 80 : i32
                %add3A_371 = arith.addi %mul3A_314, %add3A_370 : i32
                %add3A_372 = vector.broadcast %add3A_371 : i32 to vector<16xi32>
                %add3A_373 = arith.addi %iota3A, %add3A_372 : vector<16xi32>
                %mul3A_374 = arith.constant 157 : i32
                %mul3A_375 = vector.broadcast %mul3A_374 : i32 to vector<16xi32>
                %mul3A_376 = arith.muli %add3A_373, %mul3A_375 : vector<16xi32>
                %add3A_377 = vector.broadcast %add3A_309 : i32 to vector<16xi32>
                %add3A_378 = arith.addi %mul3A_376, %add3A_377 : vector<16xi32>
                %swap3A_379 = arith.constant 80 : index
                %swap3A_380 = tpu.vector_load %arg11[%swap3A_379] {strides = array<i32>} : memref<128xi32, #tpu.memory_space<vmem>>, vector<16xi32>,
                tpu.vector_store %arg11[%swap3A_379], %add3A_378 {strides = array<i32>} : memref<128xi32, #tpu.memory_space<vmem>>, vector<16xi32>,
                %add3A_381 = arith.constant 96 : i32
                %add3A_382 = arith.addi %mul3A_314, %add3A_381 : i32
                %add3A_383 = vector.broadcast %add3A_382 : i32 to vector<16xi32>
                %add3A_384 = arith.addi %iota3A, %add3A_383 : vector<16xi32>
                %mul3A_385 = arith.constant 157 : i32
                %mul3A_386 = vector.broadcast %mul3A_385 : i32 to vector<16xi32>
                %mul3A_387 = arith.muli %add3A_384, %mul3A_386 : vector<16xi32>
                %add3A_388 = vector.broadcast %add3A_309 : i32 to vector<16xi32>
                %add3A_389 = arith.addi %mul3A_387, %add3A_388 : vector<16xi32>
                %swap3A_390 = arith.constant 96 : index
                %swap3A_391 = tpu.vector_load %arg11[%swap3A_390] {strides = array<i32>} : memref<128xi32, #tpu.memory_space<vmem>>, vector<16xi32>,
                tpu.vector_store %arg11[%swap3A_390], %add3A_389 {strides = array<i32>} : memref<128xi32, #tpu.memory_space<vmem>>, vector<16xi32>,
                %add3A_392 = arith.constant 112 : i32
                %add3A_393 = arith.addi %mul3A_314, %add3A_392 : i32
                %add3A_394 = vector.broadcast %add3A_393 : i32 to vector<16xi32>
                %add3A_395 = arith.addi %iota3A, %add3A_394 : vector<16xi32>
                %mul3A_396 = arith.constant 157 : i32
                %mul3A_397 = vector.broadcast %mul3A_396 : i32 to vector<16xi32>
                %mul3A_398 = arith.muli %add3A_395, %mul3A_397 : vector<16xi32>
                %add3A_399 = vector.broadcast %add3A_309 : i32 to vector<16xi32>
                %add3A_400 = arith.addi %mul3A_398, %add3A_399 : vector<16xi32>
                %swap3A_401 = arith.constant 112 : index
                %swap3A_402 = tpu.vector_load %arg11[%swap3A_401] {strides = array<i32>} : memref<128xi32, #tpu.memory_space<vmem>>, vector<16xi32>,
                tpu.vector_store %arg11[%swap3A_401], %add3A_400 {strides = array<i32>} : memref<128xi32, #tpu.memory_space<vmem>>, vector<16xi32>,
                %dma_start3A_403 = arith.constant 0 : i32
                %dma_start3A_404 = arith.constant 0 : i32
                %dma_start3A_405 = arith.constant 0 : i32
                %dma_start3A_406 = tpu.memref_slice %arg3[%dma_start3A_403, %dma_start3A_404, %dma_start3A_405] : memref<160768x1x128xf32, #tpu.memory_space<hbm>> -> memref<160768x1x128xf32, #tpu.memory_space<hbm>>
                tpu.enqueue_indirect_dma source(%dma_start3A_406 : memref<160768x1x128xf32, #tpu.memory_space<hbm>>) target(%run_scoped3A_117 : memref<128x1x128xf32, #tpu.memory_space<vmem>>) offsets(%arg11 : memref<128xi32, #tpu.memory_space<vmem>>) semaphore(%arg14 : memref<!tpu.dma_semaphore, #tpu.memory_space<semaphore_mem>>)
              } else {
              }
              %scan3A_282 = arith.constant 0 : i32
              %scan3A_283 = arith.constant 0 : i32
              %scan3A_284 = arith.constant 128 : i32
              %scan3A_285 = arith.addi %scan3A_283, %scan3A_284 : i32
              %scan3A_286 = arith.constant 1 : i32
              scf.for %scan3A_305 = %scan3A_283 to %scan3A_285 step %scan3A_286  : i32 {
                %add3A_306 = vector.broadcast %scan3A_305 : i32 to vector<16xi32>
                %add3A_307 = arith.addi %mul3A_6, %add3A_306 : vector<16xi32>
                %add3A_308 = arith.constant 0 : i32
                %add3A_309 = vector.broadcast %add3A_308 : i32 to vector<16xi32>
                %add3A_310 = arith.addi %iota3A, %add3A_309 : vector<16xi32>
                %gather3A = tpu.vector_load_idx %run_scoped3A[%add3A_310, %mul3A_6, %add3A_307] : memref<128x1x128xf32, #tpu.memory_space<vmem>>[vector<16xi32>, vector<16xi32>, vector<16xi32>], vector<16xf32>,
                %swap3A_311 = arith.constant 0 : i32
                %swap3A_312 = arith.index_cast %scan3A_305 : i32 to index
                %swap3A_313 = arith.index_cast %swap3A_311 : i32 to index
                %swap3A_314 = arith.constant 0 : index
                %swap3A_315 = tpu.vector_load %run_scoped3A_118[%swap3A_312, %swap3A_313, %swap3A_314] {strides = array<i32>} : memref<128x1x128xf32, #tpu.memory_space<vmem>>, vector<16xf32>,
                tpu.vector_store %run_scoped3A_118[%swap3A_312, %swap3A_313, %swap3A_314], %gather3A {strides = array<i32>} : memref<128x1x128xf32, #tpu.memory_space<vmem>>, vector<16xf32>,
                %add3A_316 = arith.constant 16 : i32
                %add3A_317 = vector.broadcast %add3A_316 : i32 to vector<16xi32>
                %add3A_318 = arith.addi %iota3A, %add3A_317 : vector<16xi32>
                %gather3A_319 = tpu.vector_load_idx %run_scoped3A[%add3A_318, %mul3A_6, %add3A_307] : memref<128x1x128xf32, #tpu.memory_space<vmem>>[vector<16xi32>, vector<16xi32>, vector<16xi32>], vector<16xf32>,
                %swap3A_320 = arith.constant 0 : i32
                %swap3A_321 = arith.index_cast %scan3A_305 : i32 to index
                %swap3A_322 = arith.index_cast %swap3A_320 : i32 to index
                %swap3A_323 = arith.constant 16 : index
                %swap3A_324 = tpu.vector_load %run_scoped3A_118[%swap3A_321, %swap3A_322, %swap3A_323] {strides = array<i32>} : memref<128x1x128xf32, #tpu.memory_space<vmem>>, vector<16xf32>,
                tpu.vector_store %run_scoped3A_118[%swap3A_321, %swap3A_322, %swap3A_323], %gather3A_319 {strides = array<i32>} : memref<128x1x128xf32, #tpu.memory_space<vmem>>, vector<16xf32>,
                %add3A_325 = arith.constant 32 : i32
                %add3A_326 = vector.broadcast %add3A_325 : i32 to vector<16xi32>
                %add3A_327 = arith.addi %iota3A, %add3A_326 : vector<16xi32>
                %gather3A_328 = tpu.vector_load_idx %run_scoped3A[%add3A_327, %mul3A_6, %add3A_307] : memref<128x1x128xf32, #tpu.memory_space<vmem>>[vector<16xi32>, vector<16xi32>, vector<16xi32>], vector<16xf32>,
                %swap3A_329 = arith.constant 0 : i32
                %swap3A_330 = arith.index_cast %scan3A_305 : i32 to index
                %swap3A_331 = arith.index_cast %swap3A_329 : i32 to index
                %swap3A_332 = arith.constant 32 : index
                %swap3A_333 = tpu.vector_load %run_scoped3A_118[%swap3A_330, %swap3A_331, %swap3A_332] {strides = array<i32>} : memref<128x1x128xf32, #tpu.memory_space<vmem>>, vector<16xf32>,
                tpu.vector_store %run_scoped3A_118[%swap3A_330, %swap3A_331, %swap3A_332], %gather3A_328 {strides = array<i32>} : memref<128x1x128xf32, #tpu.memory_space<vmem>>, vector<16xf32>,
                %add3A_334 = arith.constant 48 : i32
                %add3A_335 = vector.broadcast %add3A_334 : i32 to vector<16xi32>
                %add3A_336 = arith.addi %iota3A, %add3A_335 : vector<16xi32>
                %gather3A_337 = tpu.vector_load_idx %run_scoped3A[%add3A_336, %mul3A_6, %add3A_307] : memref<128x1x128xf32, #tpu.memory_space<vmem>>[vector<16xi32>, vector<16xi32>, vector<16xi32>], vector<16xf32>,
                %swap3A_338 = arith.constant 0 : i32
                %swap3A_339 = arith.index_cast %scan3A_305 : i32 to index
                %swap3A_340 = arith.index_cast %swap3A_338 : i32 to index
                %swap3A_341 = arith.constant 48 : index
                %swap3A_342 = tpu.vector_load %run_scoped3A_118[%swap3A_339, %swap3A_340, %swap3A_341] {strides = array<i32>} : memref<128x1x128xf32, #tpu.memory_space<vmem>>, vector<16xf32>,
                tpu.vector_store %run_scoped3A_118[%swap3A_339, %swap3A_340, %swap3A_341], %gather3A_337 {strides = array<i32>} : memref<128x1x128xf32, #tpu.memory_space<vmem>>, vector<16xf32>,
                %add3A_343 = arith.constant 64 : i32
                %add3A_344 = vector.broadcast %add3A_343 : i32 to vector<16xi32>
                %add3A_345 = arith.addi %iota3A, %add3A_344 : vector<16xi32>
                %gather3A_346 = tpu.vector_load_idx %run_scoped3A[%add3A_345, %mul3A_6, %add3A_307] : memref<128x1x128xf32, #tpu.memory_space<vmem>>[vector<16xi32>, vector<16xi32>, vector<16xi32>], vector<16xf32>,
                %swap3A_347 = arith.constant 0 : i32
                %swap3A_348 = arith.index_cast %scan3A_305 : i32 to index
                %swap3A_349 = arith.index_cast %swap3A_347 : i32 to index
                %swap3A_350 = arith.constant 64 : index
                %swap3A_351 = tpu.vector_load %run_scoped3A_118[%swap3A_348, %swap3A_349, %swap3A_350] {strides = array<i32>} : memref<128x1x128xf32, #tpu.memory_space<vmem>>, vector<16xf32>,
                tpu.vector_store %run_scoped3A_118[%swap3A_348, %swap3A_349, %swap3A_350], %gather3A_346 {strides = array<i32>} : memref<128x1x128xf32, #tpu.memory_space<vmem>>, vector<16xf32>,
                %add3A_352 = arith.constant 80 : i32
                %add3A_353 = vector.broadcast %add3A_352 : i32 to vector<16xi32>
                %add3A_354 = arith.addi %iota3A, %add3A_353 : vector<16xi32>
                %gather3A_355 = tpu.vector_load_idx %run_scoped3A[%add3A_354, %mul3A_6, %add3A_307] : memref<128x1x128xf32, #tpu.memory_space<vmem>>[vector<16xi32>, vector<16xi32>, vector<16xi32>], vector<16xf32>,
                %swap3A_356 = arith.constant 0 : i32
                %swap3A_357 = arith.index_cast %scan3A_305 : i32 to index
                %swap3A_358 = arith.index_cast %swap3A_356 : i32 to index
                %swap3A_359 = arith.constant 80 : index
                %swap3A_360 = tpu.vector_load %run_scoped3A_118[%swap3A_357, %swap3A_358, %swap3A_359] {strides = array<i32>} : memref<128x1x128xf32, #tpu.memory_space<vmem>>, vector<16xf32>,
                tpu.vector_store %run_scoped3A_118[%swap3A_357, %swap3A_358, %swap3A_359], %gather3A_355 {strides = array<i32>} : memref<128x1x128xf32, #tpu.memory_space<vmem>>, vector<16xf32>,
                %add3A_361 = arith.constant 96 : i32
                %add3A_362 = vector.broadcast %add3A_361 : i32 to vector<16xi32>
                %add3A_363 = arith.addi %iota3A, %add3A_362 : vector<16xi32>
                %gather3A_364 = tpu.vector_load_idx %run_scoped3A[%add3A_363, %mul3A_6, %add3A_307] : memref<128x1x128xf32, #tpu.memory_space<vmem>>[vector<16xi32>, vector<16xi32>, vector<16xi32>], vector<16xf32>,
                %swap3A_365 = arith.constant 0 : i32
                %swap3A_366 = arith.index_cast %scan3A_305 : i32 to index
                %swap3A_367 = arith.index_cast %swap3A_365 : i32 to index
                %swap3A_368 = arith.constant 96 : index
                %swap3A_369 = tpu.vector_load %run_scoped3A_118[%swap3A_366, %swap3A_367, %swap3A_368] {strides = array<i32>} : memref<128x1x128xf32, #tpu.memory_space<vmem>>, vector<16xf32>,
                tpu.vector_store %run_scoped3A_118[%swap3A_366, %swap3A_367, %swap3A_368], %gather3A_364 {strides = array<i32>} : memref<128x1x128xf32, #tpu.memory_space<vmem>>, vector<16xf32>,
                %add3A_370 = arith.constant 112 : i32
                %add3A_371 = vector.broadcast %add3A_370 : i32 to vector<16xi32>
                %add3A_372 = arith.addi %iota3A, %add3A_371 : vector<16xi32>
                %gather3A_373 = tpu.vector_load_idx %run_scoped3A[%add3A_372, %mul3A_6, %add3A_307] : memref<128x1x128xf32, #tpu.memory_space<vmem>>[vector<16xi32>, vector<16xi32>, vector<16xi32>], vector<16xf32>,
                %swap3A_374 = arith.constant 0 : i32
                %swap3A_375 = arith.index_cast %scan3A_305 : i32 to index
                %swap3A_376 = arith.index_cast %swap3A_374 : i32 to index
                %swap3A_377 = arith.constant 112 : index
                %swap3A_378 = tpu.vector_load %run_scoped3A_118[%swap3A_375, %swap3A_376, %swap3A_377] {strides = array<i32>} : memref<128x1x128xf32, #tpu.memory_space<vmem>>, vector<16xf32>,
                tpu.vector_store %run_scoped3A_118[%swap3A_375, %swap3A_376, %swap3A_377], %gather3A_373 {strides = array<i32>} : memref<128x1x128xf32, #tpu.memory_space<vmem>>, vector<16xf32>,
              }
              %scan3A_287 = arith.constant 128 : i32
              %not3A = arith.constant true
              %not3A_288 = arith.xori %and3A_278, %not3A : i1
              %lt3A_289 = arith.constant 3 : i32
              %lt3A_290 = arith.cmpi slt, %scan3A_233, %lt3A_289 : i32
              %and3A_291 = arith.andi %not3A_288, %lt3A_290 : i1
              %convert_element_type3A_292 = arith.extui %and3A_291 : i1 to i32
              %cond3A_293 = arith.constant 0 : i32
              %cond3A_294 = arith.cmpi ne, %convert_element_type3A_292, %cond3A_293 : i32
              scf.if %cond3A_294 {
                %add3A_305 = arith.constant 1 : i32
                %add3A_306 = arith.addi %scan3A_233, %add3A_305 : i32
                %mul3A_307 = arith.constant 10 : i32
                %mul3A_308 = arith.muli %arg1, %mul3A_307 : i32
                %add3A_309 = arith.constant 0 : i32
                %add3A_310 = arith.addi %mul3A_308, %add3A_309 : i32
                %mul3A_311 = arith.constant 4 : i32
                %mul3A_312 = arith.muli %arg0, %mul3A_311 : i32
                %add3A_313 = arith.addi %mul3A_312, %add3A_306 : i32
                %mul3A_314 = arith.constant 128 : i32
                %mul3A_315 = arith.muli %add3A_313, %mul3A_314 : i32
                %add3A_316 = arith.constant 0 : i32
                %add3A_317 = arith.addi %mul3A_315, %add3A_316 : i32
                %add3A_318 = vector.broadcast %add3A_317 : i32 to vector<16xi32>
                %add3A_319 = arith.addi %iota3A, %add3A_318 : vector<16xi32>
                %mul3A_320 = arith.constant 157 : i32
                %mul3A_321 = vector.broadcast %mul3A_320 : i32 to vector<16xi32>
                %mul3A_322 = arith.muli %add3A_319, %mul3A_321 : vector<16xi32>
                %add3A_323 = vector.broadcast %add3A_310 : i32 to vector<16xi32>
                %add3A_324 = arith.addi %mul3A_322, %add3A_323 : vector<16xi32>
                %swap3A_325 = arith.constant 0 : index
                %swap3A_326 = tpu.vector_load %arg11[%swap3A_325] {strides = array<i32>} : memref<128xi32, #tpu.memory_space<vmem>>, vector<16xi32>,
                tpu.vector_store %arg11[%swap3A_325], %add3A_324 {strides = array<i32>} : memref<128xi32, #tpu.memory_space<vmem>>, vector<16xi32>,
                %add3A_327 = arith.constant 16 : i32
                %add3A_328 = arith.addi %mul3A_315, %add3A_327 : i32
                %add3A_329 = vector.broadcast %add3A_328 : i32 to vector<16xi32>
                %add3A_330 = arith.addi %iota3A, %add3A_329 : vector<16xi32>
                %mul3A_331 = arith.constant 157 : i32
                %mul3A_332 = vector.broadcast %mul3A_331 : i32 to vector<16xi32>
                %mul3A_333 = arith.muli %add3A_330, %mul3A_332 : vector<16xi32>
                %add3A_334 = vector.broadcast %add3A_310 : i32 to vector<16xi32>
                %add3A_335 = arith.addi %mul3A_333, %add3A_334 : vector<16xi32>
                %swap3A_336 = arith.constant 16 : index
                %swap3A_337 = tpu.vector_load %arg11[%swap3A_336] {strides = array<i32>} : memref<128xi32, #tpu.memory_space<vmem>>, vector<16xi32>,
                tpu.vector_store %arg11[%swap3A_336], %add3A_335 {strides = array<i32>} : memref<128xi32, #tpu.memory_space<vmem>>, vector<16xi32>,
                %add3A_338 = arith.constant 32 : i32
                %add3A_339 = arith.addi %mul3A_315, %add3A_338 : i32
                %add3A_340 = vector.broadcast %add3A_339 : i32 to vector<16xi32>
                %add3A_341 = arith.addi %iota3A, %add3A_340 : vector<16xi32>
                %mul3A_342 = arith.constant 157 : i32
                %mul3A_343 = vector.broadcast %mul3A_342 : i32 to vector<16xi32>
                %mul3A_344 = arith.muli %add3A_341, %mul3A_343 : vector<16xi32>
                %add3A_345 = vector.broadcast %add3A_310 : i32 to vector<16xi32>
                %add3A_346 = arith.addi %mul3A_344, %add3A_345 : vector<16xi32>
                %swap3A_347 = arith.constant 32 : index
                %swap3A_348 = tpu.vector_load %arg11[%swap3A_347] {strides = array<i32>} : memref<128xi32, #tpu.memory_space<vmem>>, vector<16xi32>,
                tpu.vector_store %arg11[%swap3A_347], %add3A_346 {strides = array<i32>} : memref<128xi32, #tpu.memory_space<vmem>>, vector<16xi32>,
                %add3A_349 = arith.constant 48 : i32
                %add3A_350 = arith.addi %mul3A_315, %add3A_349 : i32
                %add3A_351 = vector.broadcast %add3A_350 : i32 to vector<16xi32>
                %add3A_352 = arith.addi %iota3A, %add3A_351 : vector<16xi32>
                %mul3A_353 = arith.constant 157 : i32
                %mul3A_354 = vector.broadcast %mul3A_353 : i32 to vector<16xi32>
                %mul3A_355 = arith.muli %add3A_352, %mul3A_354 : vector<16xi32>
                %add3A_356 = vector.broadcast %add3A_310 : i32 to vector<16xi32>
                %add3A_357 = arith.addi %mul3A_355, %add3A_356 : vector<16xi32>
                %swap3A_358 = arith.constant 48 : index
                %swap3A_359 = tpu.vector_load %arg11[%swap3A_358] {strides = array<i32>} : memref<128xi32, #tpu.memory_space<vmem>>, vector<16xi32>,
                tpu.vector_store %arg11[%swap3A_358], %add3A_357 {strides = array<i32>} : memref<128xi32, #tpu.memory_space<vmem>>, vector<16xi32>,
                %add3A_360 = arith.constant 64 : i32
                %add3A_361 = arith.addi %mul3A_315, %add3A_360 : i32
                %add3A_362 = vector.broadcast %add3A_361 : i32 to vector<16xi32>
                %add3A_363 = arith.addi %iota3A, %add3A_362 : vector<16xi32>
                %mul3A_364 = arith.constant 157 : i32
                %mul3A_365 = vector.broadcast %mul3A_364 : i32 to vector<16xi32>
                %mul3A_366 = arith.muli %add3A_363, %mul3A_365 : vector<16xi32>
                %add3A_367 = vector.broadcast %add3A_310 : i32 to vector<16xi32>
                %add3A_368 = arith.addi %mul3A_366, %add3A_367 : vector<16xi32>
                %swap3A_369 = arith.constant 64 : index
                %swap3A_370 = tpu.vector_load %arg11[%swap3A_369] {strides = array<i32>} : memref<128xi32, #tpu.memory_space<vmem>>, vector<16xi32>,
                tpu.vector_store %arg11[%swap3A_369], %add3A_368 {strides = array<i32>} : memref<128xi32, #tpu.memory_space<vmem>>, vector<16xi32>,
                %add3A_371 = arith.constant 80 : i32
                %add3A_372 = arith.addi %mul3A_315, %add3A_371 : i32
                %add3A_373 = vector.broadcast %add3A_372 : i32 to vector<16xi32>
                %add3A_374 = arith.addi %iota3A, %add3A_373 : vector<16xi32>
                %mul3A_375 = arith.constant 157 : i32
                %mul3A_376 = vector.broadcast %mul3A_375 : i32 to vector<16xi32>
                %mul3A_377 = arith.muli %add3A_374, %mul3A_376 : vector<16xi32>
                %add3A_378 = vector.broadcast %add3A_310 : i32 to vector<16xi32>
                %add3A_379 = arith.addi %mul3A_377, %add3A_378 : vector<16xi32>
                %swap3A_380 = arith.constant 80 : index
                %swap3A_381 = tpu.vector_load %arg11[%swap3A_380] {strides = array<i32>} : memref<128xi32, #tpu.memory_space<vmem>>, vector<16xi32>,
                tpu.vector_store %arg11[%swap3A_380], %add3A_379 {strides = array<i32>} : memref<128xi32, #tpu.memory_space<vmem>>, vector<16xi32>,
                %add3A_382 = arith.constant 96 : i32
                %add3A_383 = arith.addi %mul3A_315, %add3A_382 : i32
                %add3A_384 = vector.broadcast %add3A_383 : i32 to vector<16xi32>
                %add3A_385 = arith.addi %iota3A, %add3A_384 : vector<16xi32>
                %mul3A_386 = arith.constant 157 : i32
                %mul3A_387 = vector.broadcast %mul3A_386 : i32 to vector<16xi32>
                %mul3A_388 = arith.muli %add3A_385, %mul3A_387 : vector<16xi32>
                %add3A_389 = vector.broadcast %add3A_310 : i32 to vector<16xi32>
                %add3A_390 = arith.addi %mul3A_388, %add3A_389 : vector<16xi32>
                %swap3A_391 = arith.constant 96 : index
                %swap3A_392 = tpu.vector_load %arg11[%swap3A_391] {strides = array<i32>} : memref<128xi32, #tpu.memory_space<vmem>>, vector<16xi32>,
                tpu.vector_store %arg11[%swap3A_391], %add3A_390 {strides = array<i32>} : memref<128xi32, #tpu.memory_space<vmem>>, vector<16xi32>,
                %add3A_393 = arith.constant 112 : i32
                %add3A_394 = arith.addi %mul3A_315, %add3A_393 : i32
                %add3A_395 = vector.broadcast %add3A_394 : i32 to vector<16xi32>
                %add3A_396 = arith.addi %iota3A, %add3A_395 : vector<16xi32>
                %mul3A_397 = arith.constant 157 : i32
                %mul3A_398 = vector.broadcast %mul3A_397 : i32 to vector<16xi32>
                %mul3A_399 = arith.muli %add3A_396, %mul3A_398 : vector<16xi32>
                %add3A_400 = vector.broadcast %add3A_310 : i32 to vector<16xi32>
                %add3A_401 = arith.addi %mul3A_399, %add3A_400 : vector<16xi32>
                %swap3A_402 = arith.constant 112 : index
                %swap3A_403 = tpu.vector_load %arg11[%swap3A_402] {strides = array<i32>} : memref<128xi32, #tpu.memory_space<vmem>>, vector<16xi32>,
                tpu.vector_store %arg11[%swap3A_402], %add3A_401 {strides = array<i32>} : memref<128xi32, #tpu.memory_space<vmem>>, vector<16xi32>,
                %dma_start3A_404 = arith.constant 0 : i32
                %dma_start3A_405 = arith.constant 0 : i32
                %dma_start3A_406 = arith.constant 0 : i32
                %dma_start3A_407 = tpu.memref_slice %arg3[%dma_start3A_404, %dma_start3A_405, %dma_start3A_406] : memref<160768x1x128xf32, #tpu.memory_space<hbm>> -> memref<160768x1x128xf32, #tpu.memory_space<hbm>>
                tpu.enqueue_indirect_dma source(%dma_start3A_407 : memref<160768x1x128xf32, #tpu.memory_space<hbm>>) target(%run_scoped3A : memref<128x1x128xf32, #tpu.memory_space<vmem>>) offsets(%arg11 : memref<128xi32, #tpu.memory_space<vmem>>) semaphore(%arg14 : memref<!tpu.dma_semaphore, #tpu.memory_space<semaphore_mem>>)
              } else {
              }
              %lt3A_295 = arith.constant 156 : i32
              %lt3A_296 = arith.cmpi slt, %add3A_255, %lt3A_295 : i32
              %convert_element_type3A_297 = arith.extui %lt3A_296 : i1 to i32
              %cond3A_298 = arith.constant 0 : i32
              %cond3A_299 = arith.cmpi ne, %convert_element_type3A_297, %cond3A_298 : i32
              scf.if %cond3A_299 {
                %mul3A_305 = arith.constant 128 : i32
                %mul3A_306 = arith.muli %add3A_255, %mul3A_305 : i32
                %mul3A_307 = arith.constant 4 : i32
                %mul3A_308 = arith.muli %arg0, %mul3A_307 : i32
                %add3A_309 = arith.addi %mul3A_308, %scan3A_233 : i32
                %dma_start3A_310 = arith.constant 0 : i32
                %dma_start3A_311 = tpu.memref_slice %arg4[%mul3A_306, %add3A_309, %dma_start3A_310] : memref<20000x8x128xf32, #tpu.memory_space<hbm>> -> memref<128x1x128xf32, #tpu.memory_space<hbm>>
                %dma_start3A_312 = arith.constant 0 : i32
                %dma_start3A_313 = tpu.memref_slice %arg4[%mul3A_306, %add3A_309, %dma_start3A_312] : memref<20000x8x128xf32, #tpu.memory_space<hbm>> -> memref<128x1x128xf32, #tpu.memory_space<hbm>>
                tpu.enqueue_dma source(%run_scoped3A_118 : memref<128x1x128xf32, #tpu.memory_space<vmem>>) target(%dma_start3A_313 : memref<128x1x128xf32, #tpu.memory_space<hbm>>) target_semaphore(%arg15 : memref<!tpu.dma_semaphore, #tpu.memory_space<semaphore_mem>>)
              } else {
              }
              %eq3A_300 = arith.constant 156 : i32
              %eq3A_301 = arith.cmpi eq, %add3A_255, %eq3A_300 : i32
              %convert_element_type3A_302 = arith.extui %eq3A_301 : i1 to i32
              %cond3A_303 = arith.constant 0 : i32
              %cond3A_304 = arith.cmpi ne, %convert_element_type3A_302, %cond3A_303 : i32
              scf.if %cond3A_304 {
                %mul3A_305 = arith.constant 4 : i32
                %mul3A_306 = arith.muli %arg0, %mul3A_305 : i32
                %add3A_307 = arith.addi %mul3A_306, %scan3A_233 : i32
                %dma_start3A_308 = arith.constant 0 : i32
                %dma_start3A_309 = arith.constant 0 : i32
                %dma_start3A_310 = arith.constant 0 : i32
                %dma_start3A_311 = tpu.memref_slice %run_scoped3A_118[%dma_start3A_308, %dma_start3A_309, %dma_start3A_310] : memref<128x1x128xf32, #tpu.memory_space<vmem>> -> memref<32x1x128xf32, #tpu.memory_space<vmem>>
                %dma_start3A_312 = arith.constant 19968 : i32
                %dma_start3A_313 = arith.constant 0 : i32
                %dma_start3A_314 = tpu.memref_slice %arg4[%dma_start3A_312, %add3A_307, %dma_start3A_313] : memref<20000x8x128xf32, #tpu.memory_space<hbm>> -> memref<32x1x128xf32, #tpu.memory_space<hbm>>
                %dma_start3A_315 = arith.constant 19968 : i32
                %dma_start3A_316 = arith.constant 0 : i32
                %dma_start3A_317 = tpu.memref_slice %arg4[%dma_start3A_315, %add3A_307, %dma_start3A_316] : memref<20000x8x128xf32, #tpu.memory_space<hbm>> -> memref<32x1x128xf32, #tpu.memory_space<hbm>>
                %dma_start3A_318 = arith.constant 0 : i32
                %dma_start3A_319 = arith.constant 0 : i32
                %dma_start3A_320 = arith.constant 0 : i32
                %dma_start3A_321 = tpu.memref_slice %run_scoped3A_118[%dma_start3A_318, %dma_start3A_319, %dma_start3A_320] : memref<128x1x128xf32, #tpu.memory_space<vmem>> -> memref<32x1x128xf32, #tpu.memory_space<vmem>>
                tpu.enqueue_dma source(%dma_start3A_321 : memref<32x1x128xf32, #tpu.memory_space<vmem>>) target(%dma_start3A_317 : memref<32x1x128xf32, #tpu.memory_space<hbm>>) target_semaphore(%arg15 : memref<!tpu.dma_semaphore, #tpu.memory_space<semaphore_mem>>)
              } else {
              }
            } else {
            }
          } else {
          }
          %and3A_246 = arith.constant 1 : i32
          %and3A_247 = arith.andi %scan3A_239, %and3A_246 : i32
          %eq3A_248 = arith.constant 1 : i32
          %eq3A_249 = arith.cmpi eq, %and3A_247, %eq3A_248 : i32
          %convert_element_type3A_250 = arith.extui %eq3A_249 : i1 to i32
          %cond3A_251 = arith.constant 0 : i32
          %cond3A_252 = arith.cmpi ne, %convert_element_type3A_250, %cond3A_251 : i32
          scf.if %cond3A_252 {
            %mul3A_253 = arith.constant 10 : i32
            %mul3A_254 = arith.muli %arg1, %mul3A_253 : i32
            %add3A_255 = arith.addi %mul3A_254, %scan3A_239 : i32
            %mul3A_256 = arith.constant 10 : i32
            %mul3A_257 = arith.muli %scan3A_233, %mul3A_256 : i32
            %add3A_258 = arith.addi %mul3A_257, %scan3A_239 : i32
            %lt3A_259 = arith.constant 157 : i32
            %lt3A_260 = arith.cmpi slt, %add3A_255, %lt3A_259 : i32
            %convert_element_type3A_261 = arith.extui %lt3A_260 : i1 to i32
            %cond3A_262 = arith.constant 0 : i32
            %cond3A_263 = arith.cmpi ne, %convert_element_type3A_261, %cond3A_262 : i32
            scf.if %cond3A_263 {
              %ge3A_264 = arith.constant 2 : i32
              %ge3A_265 = arith.cmpi sge, %add3A_258, %ge3A_264 : i32
              %convert_element_type3A_266 = arith.extui %ge3A_265 : i1 to i32
              %cond3A_267 = arith.constant 0 : i32
              %cond3A_268 = arith.cmpi ne, %convert_element_type3A_266, %cond3A_267 : i32
              scf.if %cond3A_268 {
                %gt3A = arith.constant 0 : i32
                %gt3A_307 = arith.cmpi sgt, %scan3A_239, %gt3A : i32
                %lt3A_308 = arith.constant 15 : i32
                %lt3A_309 = arith.cmpi slt, %arg1, %lt3A_308 : i32
                %or3A_310 = arith.ori %gt3A_307, %lt3A_309 : i1
                %convert_element_type3A_311 = arith.extui %or3A_310 : i1 to i32
                %cond3A_312 = arith.constant 0 : i32
                %cond3A_313 = arith.cmpi ne, %convert_element_type3A_311, %cond3A_312 : i32
                scf.if %cond3A_313 {
                  %dma_wait3A_322 = arith.constant 0 : i32
                  %dma_wait3A_323 = arith.constant 0 : i32
                  %dma_wait3A_324 = arith.constant 0 : i32
                  %dma_wait3A_325 = tpu.memref_slice %arg4[%dma_wait3A_322, %dma_wait3A_323, %dma_wait3A_324] : memref<20000x8x128xf32, #tpu.memory_space<hbm>> -> memref<128x1x128xf32, #tpu.memory_space<hbm>>
                  %dma_wait3A_326 = arith.constant 0 : i32
                  %dma_wait3A_327 = arith.constant 0 : i32
                  %dma_wait3A_328 = arith.constant 0 : i32
                  %dma_wait3A_329 = tpu.memref_slice %arg4[%dma_wait3A_326, %dma_wait3A_327, %dma_wait3A_328] : memref<20000x8x128xf32, #tpu.memory_space<hbm>> -> memref<128x1x128xf32, #tpu.memory_space<hbm>>
                  tpu.wait_dma2 semaphore(%arg16 : memref<!tpu.dma_semaphore, #tpu.memory_space<semaphore_mem>>) src(%run_scoped3A_119 : memref<128x1x128xf32, #tpu.memory_space<vmem>>) dst(%dma_wait3A_329 : memref<128x1x128xf32, #tpu.memory_space<hbm>>)
                } else {
                }
                %eq3A_314 = arith.constant 0 : i32
                %eq3A_315 = arith.cmpi eq, %scan3A_239, %eq3A_314 : i32
                %eq3A_316 = arith.constant 15 : i32
                %eq3A_317 = arith.cmpi eq, %arg1, %eq3A_316 : i32
                %and3A_318 = arith.andi %eq3A_315, %eq3A_317 : i1
                %convert_element_type3A_319 = arith.extui %and3A_318 : i1 to i32
                %cond3A_320 = arith.constant 0 : i32
                %cond3A_321 = arith.cmpi ne, %convert_element_type3A_319, %cond3A_320 : i32
                scf.if %cond3A_321 {
                  %dma_wait3A_322 = arith.constant 0 : i32
                  %dma_wait3A_323 = arith.constant 0 : i32
                  %dma_wait3A_324 = arith.constant 0 : i32
                  %dma_wait3A_325 = tpu.memref_slice %run_scoped3A_119[%dma_wait3A_322, %dma_wait3A_323, %dma_wait3A_324] : memref<128x1x128xf32, #tpu.memory_space<vmem>> -> memref<32x1x128xf32, #tpu.memory_space<vmem>>
                  %dma_wait3A_326 = arith.constant 0 : i32
                  %dma_wait3A_327 = arith.constant 0 : i32
                  %dma_wait3A_328 = arith.constant 0 : i32
                  %dma_wait3A_329 = tpu.memref_slice %arg4[%dma_wait3A_326, %dma_wait3A_327, %dma_wait3A_328] : memref<20000x8x128xf32, #tpu.memory_space<hbm>> -> memref<32x1x128xf32, #tpu.memory_space<hbm>>
                  %dma_wait3A_330 = arith.constant 0 : i32
                  %dma_wait3A_331 = arith.constant 0 : i32
                  %dma_wait3A_332 = arith.constant 0 : i32
                  %dma_wait3A_333 = tpu.memref_slice %arg4[%dma_wait3A_330, %dma_wait3A_331, %dma_wait3A_332] : memref<20000x8x128xf32, #tpu.memory_space<hbm>> -> memref<32x1x128xf32, #tpu.memory_space<hbm>>
                  %dma_wait3A_334 = arith.constant 0 : i32
                  %dma_wait3A_335 = arith.constant 0 : i32
                  %dma_wait3A_336 = arith.constant 0 : i32
                  %dma_wait3A_337 = tpu.memref_slice %run_scoped3A_119[%dma_wait3A_334, %dma_wait3A_335, %dma_wait3A_336] : memref<128x1x128xf32, #tpu.memory_space<vmem>> -> memref<32x1x128xf32, #tpu.memory_space<vmem>>
                  tpu.wait_dma2 semaphore(%arg16 : memref<!tpu.dma_semaphore, #tpu.memory_space<semaphore_mem>>) src(%dma_wait3A_337 : memref<32x1x128xf32, #tpu.memory_space<vmem>>) dst(%dma_wait3A_333 : memref<32x1x128xf32, #tpu.memory_space<hbm>>)
                } else {
                }
              } else {
              }
              %dma_wait3A = arith.constant 0 : i32
              %dma_wait3A_269 = arith.constant 0 : i32
              %dma_wait3A_270 = arith.constant 0 : i32
              %dma_wait3A_271 = tpu.memref_slice %arg3[%dma_wait3A, %dma_wait3A_269, %dma_wait3A_270] : memref<160768x1x128xf32, #tpu.memory_space<hbm>> -> memref<160768x1x128xf32, #tpu.memory_space<hbm>>
              tpu.wait_indirect_dma semaphore(%arg14 : memref<!tpu.dma_semaphore, #tpu.memory_space<semaphore_mem>>) src(%dma_wait3A_271 : memref<160768x1x128xf32, #tpu.memory_space<hbm>>) dst(%run_scoped3A_117 : memref<128x1x128xf32, #tpu.memory_space<vmem>>)
              %lt3A_272 = arith.constant 9 : i32
              %lt3A_273 = arith.cmpi slt, %scan3A_239, %lt3A_272 : i32
              %add3A_274 = arith.constant 1 : i32
              %add3A_275 = arith.addi %add3A_255, %add3A_274 : i32
              %lt3A_276 = arith.constant 157 : i32
              %lt3A_277 = arith.cmpi slt, %add3A_275, %lt3A_276 : i32
              %and3A_278 = arith.andi %lt3A_273, %lt3A_277 : i1
              %add3A_279 = arith.constant 1 : i32
              %add3A_280 = arith.addi %scan3A_233, %add3A_279 : i32
              %select_n3A_281 = arith.select %and3A_278, %scan3A_233, %add3A_280 : i32
              %add3A_282 = arith.constant 1 : i32
              %add3A_283 = arith.addi %scan3A_239, %add3A_282 : i32
              %jit3A_284 = arith.constant 0 : i32
              %select_n3A_285 = arith.select %and3A_278, %add3A_283, %jit3A_284 : i32
              %lt3A_286 = arith.constant 3 : i32
              %lt3A_287 = arith.cmpi slt, %scan3A_233, %lt3A_286 : i32
              %or3A = arith.ori %and3A_278, %lt3A_287 : i1
              %convert_element_type3A_288 = arith.extui %or3A : i1 to i32
              %cond3A_289 = arith.constant 0 : i32
              %cond3A_290 = arith.cmpi ne, %convert_element_type3A_288, %cond3A_289 : i32
              scf.if %cond3A_290 {
                %mul3A_307 = arith.constant 10 : i32
                %mul3A_308 = arith.muli %arg1, %mul3A_307 : i32
                %add3A_309 = arith.addi %mul3A_308, %select_n3A_285 : i32
                %mul3A_310 = arith.constant 4 : i32
                %mul3A_311 = arith.muli %arg0, %mul3A_310 : i32
                %add3A_312 = arith.addi %mul3A_311, %select_n3A_281 : i32
                %mul3A_313 = arith.constant 128 : i32
                %mul3A_314 = arith.muli %add3A_312, %mul3A_313 : i32
                %add3A_315 = arith.constant 0 : i32
                %add3A_316 = arith.addi %mul3A_314, %add3A_315 : i32
                %add3A_317 = vector.broadcast %add3A_316 : i32 to vector<16xi32>
                %add3A_318 = arith.addi %iota3A, %add3A_317 : vector<16xi32>
                %mul3A_319 = arith.constant 157 : i32
                %mul3A_320 = vector.broadcast %mul3A_319 : i32 to vector<16xi32>
                %mul3A_321 = arith.muli %add3A_318, %mul3A_320 : vector<16xi32>
                %add3A_322 = vector.broadcast %add3A_309 : i32 to vector<16xi32>
                %add3A_323 = arith.addi %mul3A_321, %add3A_322 : vector<16xi32>
                %swap3A_324 = arith.constant 0 : index
                %swap3A_325 = tpu.vector_load %arg11[%swap3A_324] {strides = array<i32>} : memref<128xi32, #tpu.memory_space<vmem>>, vector<16xi32>,
                tpu.vector_store %arg11[%swap3A_324], %add3A_323 {strides = array<i32>} : memref<128xi32, #tpu.memory_space<vmem>>, vector<16xi32>,
                %add3A_326 = arith.constant 16 : i32
                %add3A_327 = arith.addi %mul3A_314, %add3A_326 : i32
                %add3A_328 = vector.broadcast %add3A_327 : i32 to vector<16xi32>
                %add3A_329 = arith.addi %iota3A, %add3A_328 : vector<16xi32>
                %mul3A_330 = arith.constant 157 : i32
                %mul3A_331 = vector.broadcast %mul3A_330 : i32 to vector<16xi32>
                %mul3A_332 = arith.muli %add3A_329, %mul3A_331 : vector<16xi32>
                %add3A_333 = vector.broadcast %add3A_309 : i32 to vector<16xi32>
                %add3A_334 = arith.addi %mul3A_332, %add3A_333 : vector<16xi32>
                %swap3A_335 = arith.constant 16 : index
                %swap3A_336 = tpu.vector_load %arg11[%swap3A_335] {strides = array<i32>} : memref<128xi32, #tpu.memory_space<vmem>>, vector<16xi32>,
                tpu.vector_store %arg11[%swap3A_335], %add3A_334 {strides = array<i32>} : memref<128xi32, #tpu.memory_space<vmem>>, vector<16xi32>,
                %add3A_337 = arith.constant 32 : i32
                %add3A_338 = arith.addi %mul3A_314, %add3A_337 : i32
                %add3A_339 = vector.broadcast %add3A_338 : i32 to vector<16xi32>
                %add3A_340 = arith.addi %iota3A, %add3A_339 : vector<16xi32>
                %mul3A_341 = arith.constant 157 : i32
                %mul3A_342 = vector.broadcast %mul3A_341 : i32 to vector<16xi32>
                %mul3A_343 = arith.muli %add3A_340, %mul3A_342 : vector<16xi32>
                %add3A_344 = vector.broadcast %add3A_309 : i32 to vector<16xi32>
                %add3A_345 = arith.addi %mul3A_343, %add3A_344 : vector<16xi32>
                %swap3A_346 = arith.constant 32 : index
                %swap3A_347 = tpu.vector_load %arg11[%swap3A_346] {strides = array<i32>} : memref<128xi32, #tpu.memory_space<vmem>>, vector<16xi32>,
                tpu.vector_store %arg11[%swap3A_346], %add3A_345 {strides = array<i32>} : memref<128xi32, #tpu.memory_space<vmem>>, vector<16xi32>,
                %add3A_348 = arith.constant 48 : i32
                %add3A_349 = arith.addi %mul3A_314, %add3A_348 : i32
                %add3A_350 = vector.broadcast %add3A_349 : i32 to vector<16xi32>
                %add3A_351 = arith.addi %iota3A, %add3A_350 : vector<16xi32>
                %mul3A_352 = arith.constant 157 : i32
                %mul3A_353 = vector.broadcast %mul3A_352 : i32 to vector<16xi32>
                %mul3A_354 = arith.muli %add3A_351, %mul3A_353 : vector<16xi32>
                %add3A_355 = vector.broadcast %add3A_309 : i32 to vector<16xi32>
                %add3A_356 = arith.addi %mul3A_354, %add3A_355 : vector<16xi32>
                %swap3A_357 = arith.constant 48 : index
                %swap3A_358 = tpu.vector_load %arg11[%swap3A_357] {strides = array<i32>} : memref<128xi32, #tpu.memory_space<vmem>>, vector<16xi32>,
                tpu.vector_store %arg11[%swap3A_357], %add3A_356 {strides = array<i32>} : memref<128xi32, #tpu.memory_space<vmem>>, vector<16xi32>,
                %add3A_359 = arith.constant 64 : i32
                %add3A_360 = arith.addi %mul3A_314, %add3A_359 : i32
                %add3A_361 = vector.broadcast %add3A_360 : i32 to vector<16xi32>
                %add3A_362 = arith.addi %iota3A, %add3A_361 : vector<16xi32>
                %mul3A_363 = arith.constant 157 : i32
                %mul3A_364 = vector.broadcast %mul3A_363 : i32 to vector<16xi32>
                %mul3A_365 = arith.muli %add3A_362, %mul3A_364 : vector<16xi32>
                %add3A_366 = vector.broadcast %add3A_309 : i32 to vector<16xi32>
                %add3A_367 = arith.addi %mul3A_365, %add3A_366 : vector<16xi32>
                %swap3A_368 = arith.constant 64 : index
                %swap3A_369 = tpu.vector_load %arg11[%swap3A_368] {strides = array<i32>} : memref<128xi32, #tpu.memory_space<vmem>>, vector<16xi32>,
                tpu.vector_store %arg11[%swap3A_368], %add3A_367 {strides = array<i32>} : memref<128xi32, #tpu.memory_space<vmem>>, vector<16xi32>,
                %add3A_370 = arith.constant 80 : i32
                %add3A_371 = arith.addi %mul3A_314, %add3A_370 : i32
                %add3A_372 = vector.broadcast %add3A_371 : i32 to vector<16xi32>
                %add3A_373 = arith.addi %iota3A, %add3A_372 : vector<16xi32>
                %mul3A_374 = arith.constant 157 : i32
                %mul3A_375 = vector.broadcast %mul3A_374 : i32 to vector<16xi32>
                %mul3A_376 = arith.muli %add3A_373, %mul3A_375 : vector<16xi32>
                %add3A_377 = vector.broadcast %add3A_309 : i32 to vector<16xi32>
                %add3A_378 = arith.addi %mul3A_376, %add3A_377 : vector<16xi32>
                %swap3A_379 = arith.constant 80 : index
                %swap3A_380 = tpu.vector_load %arg11[%swap3A_379] {strides = array<i32>} : memref<128xi32, #tpu.memory_space<vmem>>, vector<16xi32>,
                tpu.vector_store %arg11[%swap3A_379], %add3A_378 {strides = array<i32>} : memref<128xi32, #tpu.memory_space<vmem>>, vector<16xi32>,
                %add3A_381 = arith.constant 96 : i32
                %add3A_382 = arith.addi %mul3A_314, %add3A_381 : i32
                %add3A_383 = vector.broadcast %add3A_382 : i32 to vector<16xi32>
                %add3A_384 = arith.addi %iota3A, %add3A_383 : vector<16xi32>
                %mul3A_385 = arith.constant 157 : i32
                %mul3A_386 = vector.broadcast %mul3A_385 : i32 to vector<16xi32>
                %mul3A_387 = arith.muli %add3A_384, %mul3A_386 : vector<16xi32>
                %add3A_388 = vector.broadcast %add3A_309 : i32 to vector<16xi32>
                %add3A_389 = arith.addi %mul3A_387, %add3A_388 : vector<16xi32>
                %swap3A_390 = arith.constant 96 : index
                %swap3A_391 = tpu.vector_load %arg11[%swap3A_390] {strides = array<i32>} : memref<128xi32, #tpu.memory_space<vmem>>, vector<16xi32>,
                tpu.vector_store %arg11[%swap3A_390], %add3A_389 {strides = array<i32>} : memref<128xi32, #tpu.memory_space<vmem>>, vector<16xi32>,
                %add3A_392 = arith.constant 112 : i32
                %add3A_393 = arith.addi %mul3A_314, %add3A_392 : i32
                %add3A_394 = vector.broadcast %add3A_393 : i32 to vector<16xi32>
                %add3A_395 = arith.addi %iota3A, %add3A_394 : vector<16xi32>
                %mul3A_396 = arith.constant 157 : i32
                %mul3A_397 = vector.broadcast %mul3A_396 : i32 to vector<16xi32>
                %mul3A_398 = arith.muli %add3A_395, %mul3A_397 : vector<16xi32>
                %add3A_399 = vector.broadcast %add3A_309 : i32 to vector<16xi32>
                %add3A_400 = arith.addi %mul3A_398, %add3A_399 : vector<16xi32>
                %swap3A_401 = arith.constant 112 : index
                %swap3A_402 = tpu.vector_load %arg11[%swap3A_401] {strides = array<i32>} : memref<128xi32, #tpu.memory_space<vmem>>, vector<16xi32>,
                tpu.vector_store %arg11[%swap3A_401], %add3A_400 {strides = array<i32>} : memref<128xi32, #tpu.memory_space<vmem>>, vector<16xi32>,
                %dma_start3A_403 = arith.constant 0 : i32
                %dma_start3A_404 = arith.constant 0 : i32
                %dma_start3A_405 = arith.constant 0 : i32
                %dma_start3A_406 = tpu.memref_slice %arg3[%dma_start3A_403, %dma_start3A_404, %dma_start3A_405] : memref<160768x1x128xf32, #tpu.memory_space<hbm>> -> memref<160768x1x128xf32, #tpu.memory_space<hbm>>
                tpu.enqueue_indirect_dma source(%dma_start3A_406 : memref<160768x1x128xf32, #tpu.memory_space<hbm>>) target(%run_scoped3A : memref<128x1x128xf32, #tpu.memory_space<vmem>>) offsets(%arg11 : memref<128xi32, #tpu.memory_space<vmem>>) semaphore(%arg14 : memref<!tpu.dma_semaphore, #tpu.memory_space<semaphore_mem>>)
              } else {
              }
              %scan3A_291 = arith.constant 0 : i32
              %scan3A_292 = arith.constant 0 : i32
              %scan3A_293 = arith.constant 128 : i32
              %scan3A_294 = arith.addi %scan3A_292, %scan3A_293 : i32
              %scan3A_295 = arith.constant 1 : i32
              scf.for %scan3A_307 = %scan3A_292 to %scan3A_294 step %scan3A_295  : i32 {
                %add3A_308 = vector.broadcast %scan3A_307 : i32 to vector<16xi32>
                %add3A_309 = arith.addi %mul3A_6, %add3A_308 : vector<16xi32>
                %add3A_310 = arith.constant 0 : i32
                %add3A_311 = vector.broadcast %add3A_310 : i32 to vector<16xi32>
                %add3A_312 = arith.addi %iota3A, %add3A_311 : vector<16xi32>
                %gather3A = tpu.vector_load_idx %run_scoped3A_117[%add3A_312, %mul3A_6, %add3A_309] : memref<128x1x128xf32, #tpu.memory_space<vmem>>[vector<16xi32>, vector<16xi32>, vector<16xi32>], vector<16xf32>,
                %swap3A_313 = arith.constant 0 : i32
                %swap3A_314 = arith.index_cast %scan3A_307 : i32 to index
                %swap3A_315 = arith.index_cast %swap3A_313 : i32 to index
                %swap3A_316 = arith.constant 0 : index
                %swap3A_317 = tpu.vector_load %run_scoped3A_119[%swap3A_314, %swap3A_315, %swap3A_316] {strides = array<i32>} : memref<128x1x128xf32, #tpu.memory_space<vmem>>, vector<16xf32>,
                tpu.vector_store %run_scoped3A_119[%swap3A_314, %swap3A_315, %swap3A_316], %gather3A {strides = array<i32>} : memref<128x1x128xf32, #tpu.memory_space<vmem>>, vector<16xf32>,
                %add3A_318 = arith.constant 16 : i32
                %add3A_319 = vector.broadcast %add3A_318 : i32 to vector<16xi32>
                %add3A_320 = arith.addi %iota3A, %add3A_319 : vector<16xi32>
                %gather3A_321 = tpu.vector_load_idx %run_scoped3A_117[%add3A_320, %mul3A_6, %add3A_309] : memref<128x1x128xf32, #tpu.memory_space<vmem>>[vector<16xi32>, vector<16xi32>, vector<16xi32>], vector<16xf32>,
                %swap3A_322 = arith.constant 0 : i32
                %swap3A_323 = arith.index_cast %scan3A_307 : i32 to index
                %swap3A_324 = arith.index_cast %swap3A_322 : i32 to index
                %swap3A_325 = arith.constant 16 : index
                %swap3A_326 = tpu.vector_load %run_scoped3A_119[%swap3A_323, %swap3A_324, %swap3A_325] {strides = array<i32>} : memref<128x1x128xf32, #tpu.memory_space<vmem>>, vector<16xf32>,
                tpu.vector_store %run_scoped3A_119[%swap3A_323, %swap3A_324, %swap3A_325], %gather3A_321 {strides = array<i32>} : memref<128x1x128xf32, #tpu.memory_space<vmem>>, vector<16xf32>,
                %add3A_327 = arith.constant 32 : i32
                %add3A_328 = vector.broadcast %add3A_327 : i32 to vector<16xi32>
                %add3A_329 = arith.addi %iota3A, %add3A_328 : vector<16xi32>
                %gather3A_330 = tpu.vector_load_idx %run_scoped3A_117[%add3A_329, %mul3A_6, %add3A_309] : memref<128x1x128xf32, #tpu.memory_space<vmem>>[vector<16xi32>, vector<16xi32>, vector<16xi32>], vector<16xf32>,
                %swap3A_331 = arith.constant 0 : i32
                %swap3A_332 = arith.index_cast %scan3A_307 : i32 to index
                %swap3A_333 = arith.index_cast %swap3A_331 : i32 to index
                %swap3A_334 = arith.constant 32 : index
                %swap3A_335 = tpu.vector_load %run_scoped3A_119[%swap3A_332, %swap3A_333, %swap3A_334] {strides = array<i32>} : memref<128x1x128xf32, #tpu.memory_space<vmem>>, vector<16xf32>,
                tpu.vector_store %run_scoped3A_119[%swap3A_332, %swap3A_333, %swap3A_334], %gather3A_330 {strides = array<i32>} : memref<128x1x128xf32, #tpu.memory_space<vmem>>, vector<16xf32>,
                %add3A_336 = arith.constant 48 : i32
                %add3A_337 = vector.broadcast %add3A_336 : i32 to vector<16xi32>
                %add3A_338 = arith.addi %iota3A, %add3A_337 : vector<16xi32>
                %gather3A_339 = tpu.vector_load_idx %run_scoped3A_117[%add3A_338, %mul3A_6, %add3A_309] : memref<128x1x128xf32, #tpu.memory_space<vmem>>[vector<16xi32>, vector<16xi32>, vector<16xi32>], vector<16xf32>,
                %swap3A_340 = arith.constant 0 : i32
                %swap3A_341 = arith.index_cast %scan3A_307 : i32 to index
                %swap3A_342 = arith.index_cast %swap3A_340 : i32 to index
                %swap3A_343 = arith.constant 48 : index
                %swap3A_344 = tpu.vector_load %run_scoped3A_119[%swap3A_341, %swap3A_342, %swap3A_343] {strides = array<i32>} : memref<128x1x128xf32, #tpu.memory_space<vmem>>, vector<16xf32>,
                tpu.vector_store %run_scoped3A_119[%swap3A_341, %swap3A_342, %swap3A_343], %gather3A_339 {strides = array<i32>} : memref<128x1x128xf32, #tpu.memory_space<vmem>>, vector<16xf32>,
                %add3A_345 = arith.constant 64 : i32
                %add3A_346 = vector.broadcast %add3A_345 : i32 to vector<16xi32>
                %add3A_347 = arith.addi %iota3A, %add3A_346 : vector<16xi32>
                %gather3A_348 = tpu.vector_load_idx %run_scoped3A_117[%add3A_347, %mul3A_6, %add3A_309] : memref<128x1x128xf32, #tpu.memory_space<vmem>>[vector<16xi32>, vector<16xi32>, vector<16xi32>], vector<16xf32>,
                %swap3A_349 = arith.constant 0 : i32
                %swap3A_350 = arith.index_cast %scan3A_307 : i32 to index
                %swap3A_351 = arith.index_cast %swap3A_349 : i32 to index
                %swap3A_352 = arith.constant 64 : index
                %swap3A_353 = tpu.vector_load %run_scoped3A_119[%swap3A_350, %swap3A_351, %swap3A_352] {strides = array<i32>} : memref<128x1x128xf32, #tpu.memory_space<vmem>>, vector<16xf32>,
                tpu.vector_store %run_scoped3A_119[%swap3A_350, %swap3A_351, %swap3A_352], %gather3A_348 {strides = array<i32>} : memref<128x1x128xf32, #tpu.memory_space<vmem>>, vector<16xf32>,
                %add3A_354 = arith.constant 80 : i32
                %add3A_355 = vector.broadcast %add3A_354 : i32 to vector<16xi32>
                %add3A_356 = arith.addi %iota3A, %add3A_355 : vector<16xi32>
                %gather3A_357 = tpu.vector_load_idx %run_scoped3A_117[%add3A_356, %mul3A_6, %add3A_309] : memref<128x1x128xf32, #tpu.memory_space<vmem>>[vector<16xi32>, vector<16xi32>, vector<16xi32>], vector<16xf32>,
                %swap3A_358 = arith.constant 0 : i32
                %swap3A_359 = arith.index_cast %scan3A_307 : i32 to index
                %swap3A_360 = arith.index_cast %swap3A_358 : i32 to index
                %swap3A_361 = arith.constant 80 : index
                %swap3A_362 = tpu.vector_load %run_scoped3A_119[%swap3A_359, %swap3A_360, %swap3A_361] {strides = array<i32>} : memref<128x1x128xf32, #tpu.memory_space<vmem>>, vector<16xf32>,
                tpu.vector_store %run_scoped3A_119[%swap3A_359, %swap3A_360, %swap3A_361], %gather3A_357 {strides = array<i32>} : memref<128x1x128xf32, #tpu.memory_space<vmem>>, vector<16xf32>,
                %add3A_363 = arith.constant 96 : i32
                %add3A_364 = vector.broadcast %add3A_363 : i32 to vector<16xi32>
                %add3A_365 = arith.addi %iota3A, %add3A_364 : vector<16xi32>
                %gather3A_366 = tpu.vector_load_idx %run_scoped3A_117[%add3A_365, %mul3A_6, %add3A_309] : memref<128x1x128xf32, #tpu.memory_space<vmem>>[vector<16xi32>, vector<16xi32>, vector<16xi32>], vector<16xf32>,
                %swap3A_367 = arith.constant 0 : i32
                %swap3A_368 = arith.index_cast %scan3A_307 : i32 to index
                %swap3A_369 = arith.index_cast %swap3A_367 : i32 to index
                %swap3A_370 = arith.constant 96 : index
                %swap3A_371 = tpu.vector_load %run_scoped3A_119[%swap3A_368, %swap3A_369, %swap3A_370] {strides = array<i32>} : memref<128x1x128xf32, #tpu.memory_space<vmem>>, vector<16xf32>,
                tpu.vector_store %run_scoped3A_119[%swap3A_368, %swap3A_369, %swap3A_370], %gather3A_366 {strides = array<i32>} : memref<128x1x128xf32, #tpu.memory_space<vmem>>, vector<16xf32>,
                %add3A_372 = arith.constant 112 : i32
                %add3A_373 = vector.broadcast %add3A_372 : i32 to vector<16xi32>
                %add3A_374 = arith.addi %iota3A, %add3A_373 : vector<16xi32>
                %gather3A_375 = tpu.vector_load_idx %run_scoped3A_117[%add3A_374, %mul3A_6, %add3A_309] : memref<128x1x128xf32, #tpu.memory_space<vmem>>[vector<16xi32>, vector<16xi32>, vector<16xi32>], vector<16xf32>,
                %swap3A_376 = arith.constant 0 : i32
                %swap3A_377 = arith.index_cast %scan3A_307 : i32 to index
                %swap3A_378 = arith.index_cast %swap3A_376 : i32 to index
                %swap3A_379 = arith.constant 112 : index
                %swap3A_380 = tpu.vector_load %run_scoped3A_119[%swap3A_377, %swap3A_378, %swap3A_379] {strides = array<i32>} : memref<128x1x128xf32, #tpu.memory_space<vmem>>, vector<16xf32>,
                tpu.vector_store %run_scoped3A_119[%swap3A_377, %swap3A_378, %swap3A_379], %gather3A_375 {strides = array<i32>} : memref<128x1x128xf32, #tpu.memory_space<vmem>>, vector<16xf32>,
              }
              %scan3A_296 = arith.constant 128 : i32
              %lt3A_297 = arith.constant 156 : i32
              %lt3A_298 = arith.cmpi slt, %add3A_255, %lt3A_297 : i32
              %convert_element_type3A_299 = arith.extui %lt3A_298 : i1 to i32
              %cond3A_300 = arith.constant 0 : i32
              %cond3A_301 = arith.cmpi ne, %convert_element_type3A_299, %cond3A_300 : i32
              scf.if %cond3A_301 {
                %mul3A_307 = arith.constant 128 : i32
                %mul3A_308 = arith.muli %add3A_255, %mul3A_307 : i32
                %mul3A_309 = arith.constant 4 : i32
                %mul3A_310 = arith.muli %arg0, %mul3A_309 : i32
                %add3A_311 = arith.addi %mul3A_310, %scan3A_233 : i32
                %dma_start3A_312 = arith.constant 0 : i32
                %dma_start3A_313 = tpu.memref_slice %arg4[%mul3A_308, %add3A_311, %dma_start3A_312] : memref<20000x8x128xf32, #tpu.memory_space<hbm>> -> memref<128x1x128xf32, #tpu.memory_space<hbm>>
                %dma_start3A_314 = arith.constant 0 : i32
                %dma_start3A_315 = tpu.memref_slice %arg4[%mul3A_308, %add3A_311, %dma_start3A_314] : memref<20000x8x128xf32, #tpu.memory_space<hbm>> -> memref<128x1x128xf32, #tpu.memory_space<hbm>>
                tpu.enqueue_dma source(%run_scoped3A_119 : memref<128x1x128xf32, #tpu.memory_space<vmem>>) target(%dma_start3A_315 : memref<128x1x128xf32, #tpu.memory_space<hbm>>) target_semaphore(%arg16 : memref<!tpu.dma_semaphore, #tpu.memory_space<semaphore_mem>>)
              } else {
              }
              %eq3A_302 = arith.constant 156 : i32
              %eq3A_303 = arith.cmpi eq, %add3A_255, %eq3A_302 : i32
              %convert_element_type3A_304 = arith.extui %eq3A_303 : i1 to i32
              %cond3A_305 = arith.constant 0 : i32
              %cond3A_306 = arith.cmpi ne, %convert_element_type3A_304, %cond3A_305 : i32
              scf.if %cond3A_306 {
                %mul3A_307 = arith.constant 4 : i32
                %mul3A_308 = arith.muli %arg0, %mul3A_307 : i32
                %add3A_309 = arith.addi %mul3A_308, %scan3A_233 : i32
                %dma_start3A_310 = arith.constant 0 : i32
                %dma_start3A_311 = arith.constant 0 : i32
                %dma_start3A_312 = arith.constant 0 : i32
                %dma_start3A_313 = tpu.memref_slice %run_scoped3A_119[%dma_start3A_310, %dma_start3A_311, %dma_start3A_312] : memref<128x1x128xf32, #tpu.memory_space<vmem>> -> memref<32x1x128xf32, #tpu.memory_space<vmem>>
                %dma_start3A_314 = arith.constant 19968 : i32
                %dma_start3A_315 = arith.constant 0 : i32
                %dma_start3A_316 = tpu.memref_slice %arg4[%dma_start3A_314, %add3A_309, %dma_start3A_315] : memref<20000x8x128xf32, #tpu.memory_space<hbm>> -> memref<32x1x128xf32, #tpu.memory_space<hbm>>
                %dma_start3A_317 = arith.constant 19968 : i32
                %dma_start3A_318 = arith.constant 0 : i32
                %dma_start3A_319 = tpu.memref_slice %arg4[%dma_start3A_317, %add3A_309, %dma_start3A_318] : memref<20000x8x128xf32, #tpu.memory_space<hbm>> -> memref<32x1x128xf32, #tpu.memory_space<hbm>>
                %dma_start3A_320 = arith.constant 0 : i32
                %dma_start3A_321 = arith.constant 0 : i32
                %dma_start3A_322 = arith.constant 0 : i32
                %dma_start3A_323 = tpu.memref_slice %run_scoped3A_119[%dma_start3A_320, %dma_start3A_321, %dma_start3A_322] : memref<128x1x128xf32, #tpu.memory_space<vmem>> -> memref<32x1x128xf32, #tpu.memory_space<vmem>>
                tpu.enqueue_dma source(%dma_start3A_323 : memref<32x1x128xf32, #tpu.memory_space<vmem>>) target(%dma_start3A_319 : memref<32x1x128xf32, #tpu.memory_space<hbm>>) target_semaphore(%arg16 : memref<!tpu.dma_semaphore, #tpu.memory_space<semaphore_mem>>)
              } else {
              }
            } else {
            }
          } else {
          }
        }
        %scan3A_238 = arith.constant 10 : i32
      }
      %scan3A_226 = arith.constant 4 : i32
      %lt3A = arith.constant 15 : i32
      %lt3A_227 = arith.cmpi slt, %arg1, %lt3A : i32
      %convert_element_type3A = arith.extui %lt3A_227 : i1 to i32
      %cond3A = arith.constant 0 : i32
      %cond3A_228 = arith.cmpi ne, %convert_element_type3A, %cond3A : i32
      scf.if %cond3A_228 {
        %dma_wait3A = arith.constant 0 : i32
        %dma_wait3A_233 = arith.constant 0 : i32
        %dma_wait3A_234 = arith.constant 0 : i32
        %dma_wait3A_235 = tpu.memref_slice %arg4[%dma_wait3A, %dma_wait3A_233, %dma_wait3A_234] : memref<20000x8x128xf32, #tpu.memory_space<hbm>> -> memref<128x1x128xf32, #tpu.memory_space<hbm>>
        %dma_wait3A_236 = arith.constant 0 : i32
        %dma_wait3A_237 = arith.constant 0 : i32
        %dma_wait3A_238 = arith.constant 0 : i32
        %dma_wait3A_239 = tpu.memref_slice %arg4[%dma_wait3A_236, %dma_wait3A_237, %dma_wait3A_238] : memref<20000x8x128xf32, #tpu.memory_space<hbm>> -> memref<128x1x128xf32, #tpu.memory_space<hbm>>
        tpu.wait_dma2 semaphore(%arg15 : memref<!tpu.dma_semaphore, #tpu.memory_space<semaphore_mem>>) src(%run_scoped3A_118 : memref<128x1x128xf32, #tpu.memory_space<vmem>>) dst(%dma_wait3A_239 : memref<128x1x128xf32, #tpu.memory_space<hbm>>)
        %dma_wait3A_240 = arith.constant 0 : i32
        %dma_wait3A_241 = arith.constant 0 : i32
        %dma_wait3A_242 = arith.constant 0 : i32
        %dma_wait3A_243 = tpu.memref_slice %arg4[%dma_wait3A_240, %dma_wait3A_241, %dma_wait3A_242] : memref<20000x8x128xf32, #tpu.memory_space<hbm>> -> memref<128x1x128xf32, #tpu.memory_space<hbm>>
        %dma_wait3A_244 = arith.constant 0 : i32
        %dma_wait3A_245 = arith.constant 0 : i32
        %dma_wait3A_246 = arith.constant 0 : i32
        %dma_wait3A_247 = tpu.memref_slice %arg4[%dma_wait3A_244, %dma_wait3A_245, %dma_wait3A_246] : memref<20000x8x128xf32, #tpu.memory_space<hbm>> -> memref<128x1x128xf32, #tpu.memory_space<hbm>>
        tpu.wait_dma2 semaphore(%arg16 : memref<!tpu.dma_semaphore, #tpu.memory_space<semaphore_mem>>) src(%run_scoped3A_119 : memref<128x1x128xf32, #tpu.memory_space<vmem>>) dst(%dma_wait3A_247 : memref<128x1x128xf32, #tpu.memory_space<hbm>>)
      } else {
      }
      %eq3A = arith.constant 15 : i32
      %eq3A_229 = arith.cmpi eq, %arg1, %eq3A : i32
      %convert_element_type3A_230 = arith.extui %eq3A_229 : i1 to i32
      %cond3A_231 = arith.constant 0 : i32
      %cond3A_232 = arith.cmpi ne, %convert_element_type3A_230, %cond3A_231 : i32
      scf.if %cond3A_232 {
        %dma_wait3A = arith.constant 0 : i32
        %dma_wait3A_233 = arith.constant 0 : i32
        %dma_wait3A_234 = arith.constant 0 : i32
        %dma_wait3A_235 = tpu.memref_slice %run_scoped3A_118[%dma_wait3A, %dma_wait3A_233, %dma_wait3A_234] : memref<128x1x128xf32, #tpu.memory_space<vmem>> -> memref<32x1x128xf32, #tpu.memory_space<vmem>>
        %dma_wait3A_236 = arith.constant 0 : i32
        %dma_wait3A_237 = arith.constant 0 : i32
        %dma_wait3A_238 = arith.constant 0 : i32
        %dma_wait3A_239 = tpu.memref_slice %arg4[%dma_wait3A_236, %dma_wait3A_237, %dma_wait3A_238] : memref<20000x8x128xf32, #tpu.memory_space<hbm>> -> memref<32x1x128xf32, #tpu.memory_space<hbm>>
        %dma_wait3A_240 = arith.constant 0 : i32
        %dma_wait3A_241 = arith.constant 0 : i32
        %dma_wait3A_242 = arith.constant 0 : i32
        %dma_wait3A_243 = tpu.memref_slice %arg4[%dma_wait3A_240, %dma_wait3A_241, %dma_wait3A_242] : memref<20000x8x128xf32, #tpu.memory_space<hbm>> -> memref<32x1x128xf32, #tpu.memory_space<hbm>>
        %dma_wait3A_244 = arith.constant 0 : i32
        %dma_wait3A_245 = arith.constant 0 : i32
        %dma_wait3A_246 = arith.constant 0 : i32
        %dma_wait3A_247 = tpu.memref_slice %run_scoped3A_118[%dma_wait3A_244, %dma_wait3A_245, %dma_wait3A_246] : memref<128x1x128xf32, #tpu.memory_space<vmem>> -> memref<32x1x128xf32, #tpu.memory_space<vmem>>
        tpu.wait_dma2 semaphore(%arg15 : memref<!tpu.dma_semaphore, #tpu.memory_space<semaphore_mem>>) src(%dma_wait3A_247 : memref<32x1x128xf32, #tpu.memory_space<vmem>>) dst(%dma_wait3A_243 : memref<32x1x128xf32, #tpu.memory_space<hbm>>)
        %dma_wait3A_248 = arith.constant 0 : i32
        %dma_wait3A_249 = arith.constant 0 : i32
        %dma_wait3A_250 = arith.constant 0 : i32
        %dma_wait3A_251 = tpu.memref_slice %arg4[%dma_wait3A_248, %dma_wait3A_249, %dma_wait3A_250] : memref<20000x8x128xf32, #tpu.memory_space<hbm>> -> memref<128x1x128xf32, #tpu.memory_space<hbm>>
        %dma_wait3A_252 = arith.constant 0 : i32
        %dma_wait3A_253 = arith.constant 0 : i32
        %dma_wait3A_254 = arith.constant 0 : i32
        %dma_wait3A_255 = tpu.memref_slice %arg4[%dma_wait3A_252, %dma_wait3A_253, %dma_wait3A_254] : memref<20000x8x128xf32, #tpu.memory_space<hbm>> -> memref<128x1x128xf32, #tpu.memory_space<hbm>>
        tpu.wait_dma2 semaphore(%arg16 : memref<!tpu.dma_semaphore, #tpu.memory_space<semaphore_mem>>) src(%run_scoped3A_119 : memref<128x1x128xf32, #tpu.memory_space<vmem>>) dst(%dma_wait3A_255 : memref<128x1x128xf32, #tpu.memory_space<hbm>>)
      } else {
      }
      tpu.yield
    }) : () -> ()
    return
  }
}

</mosaic_0001>

<sc_bundles>
// kernel: kernel.3.cloned.1.call-start
scs
__scs_entry_jumppad:
0x0: {  	(pc) =	sbr.rel $0x88, $3  }
0x1: {  	(tag) =	ssettag $0x0;
	lr =	simm.s32 $0x1  }
0x2: {  	[smem:$0x3FA0] =	sst lr;
	_ =	strace $0xD0000000  }
0x3: {  	_ = 	snop  }
0x4: {  	_ = 	snop  }
0x5: {  	_ = 	snop  }
0x6: {  	_ = 	snop  }
0x7: {  	_ = 	snop  }
__scs_overlays_trampoline_lowered:
0x8: {  	[smem:$0x3FAF] =	sst s0  }
0x9: {  	[smem:$0x3FB0] =	sst s1  }
0xa: {  	[smem:$0x3FB1] =	sst s2  }
0xb: {  	[smem:$0x3FB2] =	sst s3  }
0xc: {  	[smem:$0x3FB3] =	sst s4  }
0xd: {  	[smem:$0x3FB4] =	sst s5  }
0xe: {  	[smem:$0x3FB5] =	sst s6  }
0xf: {  	[smem:$0x3FB6] =	sst s7  }
0x10: {  	[smem:$0x3FB7] =	sst s8  }
0x11: {  	[smem:$0x3FB8] =	sst s9;
	s0 =	simm.s32 @!p0 $0x0  }
0x12: {  	s1 =	sld [smem:$0x3F9E];
	s0 =	simm.s32 @p0 $0x1  }
0x13: {  	[smem:$0x3FB9] =	sst s0;
	s0 =	simm.s32 @!p1 $0x0  }
0x14: {  	s2 =	sld [smem:$0x3F9D];
	s0 =	simm.s32 @p1 $0x1  }
0x15: {  	[smem:$0x3FBA] =	sst s0;
	s0 =	simm.s32 @!p2 $0x0  }
0x16: {  	s3 =	sld [smem:$0x3FDB];
	s0 =	simm.s32 @p2 $0x1  }
0x17: {  	s4 =	simm.s32 $0x1BF5;
	[smem:$0x3FBC] =	sst s0  }
0x18: {  	s0 =	sld [smem:$0x3F9F];
	_ =	swait.ge [sflag:s4], $0x0  }
0x19: {  	s7 =	sld [smem:$0x3FA0]  }
0x1a: {  	s8 =	sadd.s32 $0xFFFFE003, lr  }
0x1b: {  	s9 =	sadd.s32 $0xFFFFFEF7, lr;
	s5 =	simm.s32 $0xFFFFFFFF;
	p2 =	slt.u32 s8, $0xFFFFF086  }
0x1c: {  	p1 =	slt.u32 s9, $0xF7A;
	s5 =	simm.s32 @!p2 $0x0  }
0x1d: {  	s5 =	simm.s32 @p1 $0x1;
	p0 =	seq.s32 s7, s2  }
0x1e: {  	s7 =	smul.u32 @!p0 $0xF7A, s2;
	p2 =	seq.s32 @!p0 s5, $0x0  }
0x1f: {  	s9 =	smul.u32 $0xF7A, s1;
	s8 =	simm.s32 @!p0 $0x1BF5;
	p2 =	por !p2, p0  }
0x20: {  	[sflag:s8] =	ssyncset.s32 @!p0 $0xFFFFF086;
	s6 =	sadd.s32 @!p0 s3, s7;
	s7 =	simm.s32 @!p0 $0x108  }
0x21: {  	s3 =	sadd.s32 s3, s9;
	s6 =	sadd.s32 @!p0 $0x88, s6;
	s7 =	simm.s32 @p2 $0x1082  }
0x22: {  	[simem:s7], [sflag:s8] =	dma.local @!p0 [hbm:s6], $0xF7A  }
0x23: {  	s9 =	sor.u32 $0xD0000000, s2;
	s6 =	simm.s32 $0x108;
	_ =	swait.ge @!p0 [sflag:s8], $0x0  }
0x24: {  	s3 =	sadd.s32 $0x88, s3;
	s6 =	simm.s32 @!p1 $0x1082;
	[sflag:s4] =	ssyncset.s32 $0xFFFFF086  }
0x25: {  	[simem:s6], [sflag:s4] =	dma.local [hbm:s3], $0xF7A  }
0x26: {  	[smem:$0x3FA0] =	sst s1;
	(tag) =	ssettag s2;
	_ =	strace s9  }
0x27: {  	s1 =	sld [smem:$0x3FB0]  }
0x28: {  	s2 =	sld [smem:$0x3FB1]  }
0x29: {  	s4 =	sld [smem:$0x3FB3]  }
0x2a: {  	p0 =	seq.s32 s5, $0x0;
	s5 =	sld [smem:$0x3FB4]  }
0x2b: {  	s6 =	sld [smem:$0x3FB5]  }
0x2c: {  	s7 =	sld [smem:$0x3FB6]  }
0x2d: {  	s3 =	simm.s32 $0x108;
	s8 =	sld [smem:$0x3FB7]  }
0x2e: {  	s3 =	simm.s32 @!p0 $0x1082;
	s9 =	sld [smem:$0x3FB8]  }
0x2f: {  	lr =	sadd.s32 s0, s3;
	s0 =	sld [smem:$0x3FAF]  }
0x30: {  	s3 =	sld [smem:$0x3FB2]  }
0x31: {  	[smem:$0x3FBB] =	sst s10  }
0x32: {  	s10 =	sld [smem:$0x3FB9];
	_ =	sdelay $0x3  }
0x33: {  	p0 =	seq.s32 s10, $0x1;
	s10 =	sld [smem:$0x3FBB];
	_ =	sdelay $0x3  }
0x34: {  	[smem:$0x3FBB] =	sst s10  }
0x35: {  	s10 =	sld [smem:$0x3FBA];
	_ =	sdelay $0x3  }
0x36: {  	p1 =	seq.s32 s10, $0x1;
	s10 =	sld [smem:$0x3FBB];
	_ =	sdelay $0x3  }
0x37: {  	[smem:$0x3FBB] =	sst s10  }
0x38: {  	s10 =	sld [smem:$0x3FBC]  }
0x39: {  	_ = 	snop;
	(pc) =	sbr.ind lr, $3  }
0x3a: {  	_ = 	snop  }
0x3b: {  	_ = 	snop  }
0x3c: {  	p2 =	seq.s32 s10, $0x1;
	s10 =	sld [smem:$0x3FBB]  }
0x3d: {  	_ =	shalt  }
0x3e: {  	_ =	shalt  }
0x3f: {  	_ =	shalt  }
0x40: {  	_ =	shalt  }
0x41: {  	_ =	shalt  }
0x42: {  	_ =	shalt  }
0x43: {  	_ =	shalt  }
0x44: {  	_ =	shalt  }
0x45: {  	_ =	shalt  }
0x46: {  	_ =	shalt  }
0x47: {  	_ =	shalt  }
0x48: {  	_ =	shalt  }
0x49: {  	_ =	shalt  }
0x4a: {  	_ =	shalt  }
0x4b: {  	_ =	shalt  }
0x4c: {  	_ =	shalt  }
0x4d: {  	_ =	shalt  }
0x4e: {  	_ =	shalt  }
0x4f: {  	_ =	shalt  }
0x50: {  	_ =	shalt  }
0x51: {  	_ =	shalt  }
0x52: {  	_ =	shalt  }
0x53: {  	_ =	shalt  }
0x54: {  	_ =	shalt  }
0x55: {  	_ =	shalt  }
0x56: {  	_ =	shalt  }
0x57: {  	_ =	shalt  }
0x58: {  	_ =	shalt  }
0x59: {  	_ =	shalt  }
0x5a: {  	_ =	shalt  }
0x5b: {  	_ =	shalt  }
0x5c: {  	_ =	shalt  }
0x5d: {  	_ =	shalt  }
0x5e: {  	_ =	shalt  }
0x5f: {  	_ =	shalt  }
0x60: {  	_ =	shalt  }
0x61: {  	_ =	shalt  }
0x62: {  	_ =	shalt  }
0x63: {  	_ =	shalt  }
0x64: {  	_ =	shalt  }
0x65: {  	_ =	shalt  }
0x66: {  	_ =	shalt  }
0x67: {  	_ =	shalt  }
0x68: {  	_ =	shalt  }
0x69: {  	_ =	shalt  }
0x6a: {  	_ =	shalt  }
0x6b: {  	_ =	shalt  }
0x6c: {  	_ =	shalt  }
0x6d: {  	_ =	shalt  }
0x6e: {  	_ =	shalt  }
0x6f: {  	_ =	shalt  }
0x70: {  	_ =	shalt  }
0x71: {  	_ =	shalt  }
0x72: {  	_ =	shalt  }
0x73: {  	_ =	shalt  }
0x74: {  	_ =	shalt  }
0x75: {  	_ =	shalt  }
0x76: {  	_ =	shalt  }
0x77: {  	_ =	shalt  }
0x78: {  	_ =	shalt  }
0x79: {  	_ =	shalt  }
0x7a: {  	_ =	shalt  }
0x7b: {  	_ =	shalt  }
0x7c: {  	_ =	shalt  }
0x7d: {  	_ =	shalt  }
0x7e: {  	_ =	shalt  }
0x7f: {  	_ =	shalt  }
0x80: {  	_ =	shalt  }
0x81: {  	_ =	shalt  }
0x82: {  	_ =	shalt  }
0x83: {  	_ =	shalt  }
0x84: {  	_ =	shalt  }
0x85: {  	_ =	shalt  }
0x86: {  	_ =	shalt  }
0x87: {  	_ =	shalt  }
.Lfunc_end0:
.L_simem_size_0:
called_computation_lowered:
.L_overlay_start_0:
0x88: {  	s2 =	sld [smem:$0x3FD9]  }
0x89: {  	s3 =	sld [smem:$0x3FFE];
	_ =	sdelay $0x1  }
0x8a: {  	s1 =	srdreg.scid  }
0x8b: {  	s0 =	sand.u32 $0x1, s1  }
0x8c: {  	s17 =	sshll.u32 s0, $0xA;
	s2 =	sadd.s32 s3, s2  }
0x8d: {  	s2 =	sadd.s32 s2, s17  }
0x8e: {  	[smem:$0x3FC7] =	sst s2  }
0x8f: {  	_ = 	snop  }
0x90: {  	s2 =	sld [smem:$0x3FD0];
	(tm) =	ssettm $0x1  }
0x91: {  	s18 =	sld [smem:$0x3FFB];
	_ =	sdelay $0x3  }
0x92: {  	_ =	strace s18  }
0x93: {  	s3 =	sld [smem:$0x3FFC];
	_ =	sdelay $0x3  }
0x94: {  	_ =	strace s3  }
0x95: {  	s3 =	sld [smem:$0x3FFD];
	_ =	sdelay $0x3  }
0x96: {  	_ =	strace s3  }
0x97: {  	_ =	strace $0x8FFFFFFF  }
0x98: {  	s19 =	sld [smem:$0x3FDB];
	_ =	sdelay $0x1  }
0x99: {  	s4 =	simm.s32 $_scs_section_size  }
0x9a: {  	s5 =	simm.s32 $_size__tile_overlayer_lowered;
	s6 =	simm.s32 $_tile_overlayer_lowered  }
0x9b: {  	s22 =	simm.s32 $0x1BFF;
	s21 =	sshll.u32 s6, $0x1;
	s3 =	sadd.s32 s4, s19  }
0x9c: {  	s7 =	simm.s32 $0x0;
	s20 =	sshll.u32 s5, $0x1;
	s5 =	sadd.s32 s21, s3  }
0x9d: {  	[timem:s7], [sflag:s22] =	dma.local [hbm:s5], s20  }
0x9e: {  	_ =	swait.ge [sflag:s22], s20  }
0x9f: {  	s4 =	ssub.s32 $0x0, s20;
	[sflag:s22] =	ssyncset.done $0x0  }
0xa0: {  	[sflag:s22] =	ssyncadd.s32 s4;
	_ =	sdelay $0x1  }
0xa1: {  	s23 =	simm.s32 $0x1B8B  }
0xa2: {  	_ =	swait.ge [sflag:s23], $0x1  }
0xa3: {  	[sflag:s23] =	ssyncset.done $0x0  }
0xa4: {  	s25 =	simm.s32 $0x1B8E;
	s24 =	sld [smem:$0x3FFE];
	[sflag:s23] =	ssyncadd.s32 $0xFFFFFFFF  }
0xa5: {  	s26 =	simm.s32 $execute0_lowered;
	[smem:$0x3FD2] =	sst s25  }
0xa6: {  	s5 =	sshll.u32 s26, $0x1;
	_ =	strace $0x80000046;
	[dreg:$0x1] =	wrdreg $0xFFFFFFFF  }
0xa7: {  	s28 =	simm.s32 $_size_execute0_lowered;
	s3 =	sadd.s32 s3, s5;
	[dreg:$0x0] =	wrdreg $0x0  }
0xa8: {  	s5 =	sshll.u32 s28, $0x1;
	[dreg:$0x2] =	wrdreg s3  }
0xa9: {  	[dreg:$0x3] =	wrdreg s5  }
0xaa: {  	[dreg:$0x4] =	wrdreg $0xC0  }
0xab: {  	_ =	task [dreg:s7], $0x5FFFF  }
0xac: {  	[dreg:$0x1] =	wrdreg $0xFFFFFFFF  }
0xad: {  	[dreg:$0x0] =	wrdreg $0x60  }
0xae: {  	[dreg:$0x2] =	wrdreg s24  }
0xaf: {  	[dreg:$0x3] =	wrdreg s2  }
0xb0: {  	[dreg:$0x4] =	wrdreg $0x9  }
0xb1: {  	_ =	task.clear_ibuf [dreg:s7], $0x5FFFF;
	_ =	strace $0x90000046  }
0xb2: {  	s29 =	simm.s32 $0x9;
	_ =	strace $0x80000048  }
0xb3: {  	_ =	swait.ge [sflag:s29], $0x1  }
0xb4: {  	[sflag:s29] =	ssyncadd.s32 $0xFFFFFFFF  }
0xb5: {  	_ =	strace $0x90000048  }
0xb6: {  	_ =	sfence  }
0xb7: {  	s30 =	sld [smem:$0x0];
	_ =	sdelay $0x2  }
0xb8: {  	s31 =	sshll.u32 s1, $0xD;
	s1 =	sshrl.u32 s1, $0x2  }
0xb9: {  	s3 =	sand.u32 $0x4000, s31;
	s1 =	sadd.s32 s1, s30  }
0xba: {  	s0 =	sor.u32 s3, s0;
	s1 =	sshll.u32 s1, $0x11  }
0xbb: {  	s0 =	sor.u32 s1, s0  }
0xbc: {  	s0 =	sadd.s32 $0x8F2B, s0  }
0xbd: {  	[sflag:s0] =	ssyncadd.remote.s32 $0x1  }
0xbe: {  	_ =	sfence.sel $0xFFFF  }
0xbf: {  	[dreg:$0x0] =	wrdreg $0xFFFFFFFF;
	(pc) =	sbr.abs _section_cstart, $3  }
0xc0: {  	[dreg:$0x1] =	wrdreg $0xFFFFFFFF  }
0xc1: {  	_ =	task.clear_ibuf [dreg:s7], $0x2FFFF;
	_ =	strace $0x9FFFFFFF  }
0xc2: {  	(tm) =	ssettm $0x7FFFFFFF  }
0xc3: {  	_ =	shalt  }
tec
execute0_lowered:
.L_overlay_start_1:
0x0: {  	(tag) =	ssettag $0x1  }
0x1: {  	s0 =	srdreg.scid  }
0x2: {  	s0 =	sand.u32 $0x1, s0  }
0x3: {  	s1 =	sshll.u32 s0, $0x9  }
0x4: {  	s10 =	stileid.u32;
	v0 =	vmov s1;
	s3 =	sor.u32 $0x10, s1  }
0x5: {  	s2 =	smul.u32 $0xA, s10;
	s17 =	sor.u32 $0x20, s1;
	v0 =	vmul.u32 $0x9D, v0;
	v1 =	vmov s3  }
0x6: {  	v52 =	vimm.s32 $0x32107654;
	v2 =	vmul.u32 $0x9D, v1;
	v1 =	vmov s17  }
0x7: {  	v3 =	vor.u32 s2, v0;
	v0 =	vlaneseq.u32;
	v4 =	vmul.u32 $0x9D, v1  }
0x8: {  	v3 =	vbroadcast v3, $0x0;
	v1 =	vmul.u32 $0x9D, v0;
	v2 =	vadd.s32 s2, v2  }
0x9: {  	vm0 =	vcmask $0xF00;
	s18 =	sor.u32 $0x30, s1;
	v5 =	vbroadcast v2, $0x0;
	v2 =	vadd.s32 s2, v4  }
0xa: {  	v45 =	vmov s18;
	v6 =	vbroadcast v2, $0x0;
	v3 =	vadd.s32 v1, v3  }
0xb: {  	v55 =	vimm.s32 $0x13121110;
	v4 =	vmul.u32 $0x9D, v45;
	[tilespmem:$0x1FF30] =	vst v3;
	v3 =	vadd.s32 v1, v5  }
0xc: {  	v56 =	vimm.s32 $0x1;
	v57 =	vimm.s32 $0xB0A0908;
	s19 =	sor.u32 $0x40, s1;
	[tilespmem:$0x1FF40] =	vst v3;
	v3 =	vadd.s32 v1, v6  }
0xd: {  	vm1 =	vcmask $0x2F10;
	s20 =	sor.u32 $0x50, s1;
	v46 =	vmov s19;
	[tilespmem:$0x1FF50] =	vst v3;
	v3 =	vadd.s32 s2, v4  }
0xe: {  	v47 =	vmov s20;
	v4 =	vmul.u32 $0x9D, v46;
	v3 =	vbroadcast v3, $0x0  }
0xf: {  	vm13 =	vcmask $0x3F30;
	v58 =	vimm.s32 $0x76543210;
	v5 =	vmul.u32 $0x9D, v47  }
0x10: {  	v59 =	vimm.s32 $0xF0E0D0C;
	v4 =	vadd.s32 s2, v4;
	v3 =	vadd.s32 v1, v3  }
0x11: {  	v60 =	vimm.s32 $0xFEDCBA98;
	v49 =	vadd.s32 s2, v5;
	[tilespmem:$0x1FF60] =	vst v3;
	v3 =	vbroadcast v4, $0x0  }
0x12: {  	vm14 =	vcmask $0x1F10;
	v62 =	vimm.s32 $0x3020100;
	s4 =	sor.u32 $0x70, s1;
	v4 =	vbroadcast v49, $0x0  }
0x13: {  	vm15 =	vcmask $0x2F00;
	s21 =	sor.u32 $0x60, s1;
	v7 =	vmov s4;
	v3 =	vadd.s32 v1, v3  }
0x14: {  	v48 =	vmov s21;
	v7 =	vmul.u32 $0x9D, v7;
	[tilespmem:$0x1FF70] =	vst v3;
	v3 =	vadd.s32 v1, v4  }
0x15: {  	s22 =	rddreg [dreg:$0x0];
	v20 =	vimm.f32 $0.0e+00;
	v6 =	vmul.u32 $0x9D, v48;
	[tilespmem:$0x1FF80] =	vst v3;
	v3 =	vunpack.c.l.s4.s8 v52  }
0x16: {  	s5 =	rddreg [dreg:$0x1];
	v61 =	vunpack.c.l.s4.s8 v60;
	v51 =	vadd.s32 s2, v7;
	v7 =	vunpack.c.0.s8.s32 v62  }
0x17: {  	s14 =	simm.s32 $0x100;
	s15 =	simm.s32 $0x400;
	s16 =	simm.s32 $0x7;
	v50 =	vadd.s32 s2, v6;
	v6 =	vbroadcast v51, $0x0;
	v3 =	vunpack.c.0.s8.s32 v3  }
0x18: {  	s28 =	simm.s32 $0x7380;
	s29 =	simm.s32 $0xF380;
	s31 =	simm.s32 $0x4;
	v19 =	vadd.s32 $0x4, v0;
	v21 =	vor.u32 $0x10, v0;
	v4 =	vunpack.c.0.s8.s32 v55  }
0x19: {  	s30 =	simm.s32 $0x6;
	s6 =	sshll.u32 s10, $0x5;
	s7 =	sadd.s32 $0x44800, s22;
	v54 =	vadd.s32 v1, v6;
	v6 =	vunpack.c.0.s8.s32 v57;
	v3 =	vand.u32 $0xF, v3  }
0x1a: {  	p0 =	seq.s32 s10, $0xF;
	p1 =	sne.s32 s10, $0xF;
	s8 =	ssub.s32 $0x2, s0;
	v22 =	vor.u32 $0x20, v0;
	v5 =	vbroadcast v50, $0x0;
	v3 =	vsel vm1, v3, v4  }
0x1b: {  	s0 =	sshll.u32 s0, $0x6;
	s13 =	sor.u32 s6, s1;
	s23 =	sshrl.u32 s8, $0x1;
	v23 =	vor.u32 $0x30, v0;
	v24 =	vor.u32 $0x40, v0;
	[tilespmem:$0x1FFA0] =	vst v54;
	v3 =	vsel vm13, v6, v3  }
0x1c: {  	s25 =	sor.u32 $0x80, s1;
	s0 =	sadd.s32 s5, s0;
	s6 =	sshrl.u32 s13, $0x3;
	v53 =	vadd.s32 v1, v5;
	v5 =	vsel vm0, $0x0, v56;
	[tilespmem:$0x1FFC0] =	vst v3;
	v3 =	vshrl.u32 v0, $0x3  }
0x1d: {  	s4 =	simm.s32 $0x0;
	s3 =	ssub.s32 s8, s23;
	s9 =	smul.u32 $0x880, s6;
	v25 =	vor.u32 $0x50, v0;
	[tilespmem:$0x1FFB0] =	vst v5;
	v5 =	vunpack.c.l.s4.s8 v58;
	v3 =	vadd.s32 $0x1, v3  }
0x1e: {  	s18 =	simm.s32 $0x2200;
	s19 =	simm.s32 $0x3380;
	s6 =	sadd.s32 $0x800, s22;
	v26 =	vor.u32 $0x60, v0;
	v27 =	vor.u32 $0x80, v0;
	[tilespmem:$0x1FFD0] =	vst v3;
	v3 =	vunpack.c.0.s8.s32 v59  }
0x1f: {  	s20 =	simm.s32 $0x1100;
	[smem:$0x7FF] =	sst s4;
	s24 =	sadd.s32 s6, s9;
	v28 =	vor.u32 $0x90, v0;
	v29 =	vmul.u32 $0x80, v0;
	[tilespmem:$0x1FF90] =	vst v53;
	v5 =	vunpack.c.0.s8.s32 v5  }
0x20: {  	s21 =	simm.s32 $0x2;
	v30 =	vor.u32 $0xA0, v0;
	v31 =	vor.u32 $0xB0, v0;
	_ =	strace $0x80000047;
	[dreg:$0x5] =	wrdreg s24;
	v3 =	vsel vm14, v4, v3  }
0x21: {  	s23 =	simm.s32 $0x8200;
	s8 =	simm.s32 $0x0;
	v32 =	vor.u32 $0xC0, v0;
	v33 =	vor.u32 $0xD0, v0;
	[dreg:$0x6] =	wrdreg s25;
	v3 =	vcombine.low v3, v5  }
.Ltmp0:
0x22: {  	s26 =	smax.u32 s3, $0x1;
	v34 =	vor.u32 $0xE0, v0;
	v2 =	vmov s2;
	v35 =	vor.u32 $0x800, v29;
	[dreg:$0x7] =	wrdreg s0;
	(pc) =	sbr.rel .LBB2_1-.Ltmp0, $4  }
0x23: {  	s17 =	simm.s32 $0x1;
	s22 =	simm.s32 $0x2280;
	v36 =	vor.u32 $0x1000, v29;
	v6 =	vunpack.c.0.s8.s32 v61;
	[dreg:$0x9] =	wrdreg s26;
	[tilespmem:$0x1FFE0] =	vst v3;
	v3 =	vimm.s32 $0x3  }
0x24: {  	s3 =	simm.s32 $0xB380;
	s9 =	sor.u32 $0x1, s2;
	v37 =	vor.u32 $0x1800, v29;
	v38 =	vor.u32 $0x2000, v29;
	[dreg:$0x3] =	wrdreg s13;
	v3 =	vsel vm15, $0x2, v3  }
0x25: {  	v39 =	vor.u32 $0x2800, v29;
	v63 =	vand.u32 $0xF, v6;
	s0 =	sadd.s32 $0x270000, s0;
	s24 =	simm.s32 $0x80;
	[dreg:$0x4] =	wrdreg s6;
	[tilespmem:$0x1FFF0] =	vst v3;
	v3 =	vsel vm14, v7, v4  }
0x26: {  	v40 =	vor.u32 $0x3000, v29;
	v41 =	vor.u32 $0x3800, v29;
	s25 =	simm.s32 $0x3300;
	s26 =	simm.s32 $0x3;
	[dreg:$0x8] =	wrdreg s0;
	v18 =	vcombine.low v63, v3  }
.LBB2_49:
0x27: {  	s0 =	simm.s32 @p0 $0x4  }
0x28: {  	_ =	swait.ge @p0 [sflag:s0], $0x1000  }
0x29: {  	[sflag:s0] =	ssyncset.done @p0 $0x0  }
0x2a: {  	[sflag:s0] =	ssyncadd.s32 @p0 $0xFFFFF000;
	s0 =	simm.s32 @!p0 $0x4  }
0x2b: {  	_ =	swait.ge @!p0 [sflag:s0], $0x4000  }
0x2c: {  	[sflag:s0] =	ssyncset.done @!p0 $0x0  }
0x2d: {  	s5 =	simm.s32 $0x5;
	[sflag:s0] =	ssyncadd.s32 @!p0 $0xFFFFC000  }
0x2e: {  	_ =	swait.ge [sflag:s5], $0x4000  }
0x2f: {  	s8 =	rddreg [dreg:$0xa]  }
0x30: {  	s16 =	rddreg [dreg:$0x9];
	s8 =	sadd.s32 $0x1, s8  }
0x31: {  	p2 =	sne.s32 s8, s16  }
.Ltmp1:
0x32: {  	_ = 	snop;
	(pc) =	sbr.rel @!p2 .LBB2_50-.Ltmp1, $4  }
0x33: {  	_ = 	snop  }
0x34: {  	s14 =	simm.s32 $0x100  }
0x35: {  	s30 =	simm.s32 $0x6;
	[sflag:s5] =	ssyncset.done $0x0;
	s13 =	rddreg [dreg:$0x3]  }
0x36: {  	s6 =	rddreg [dreg:$0x4];
	[sflag:s5] =	ssyncadd.s32 $0xFFFFC000;
	s16 =	simm.s32 $0x7  }
.LBB2_1:
0x37: {  	v3 =	vimm.s32 $0x0  }
0x38: {  	[tilespmem:$0x2300] =	vst v3;
	v3 =	vld [tilespmem:$0x1FFB0];
	_ =	sdelay $0x4  }
0x39: {  	[tilespmem:$0x2310] =	vst v3;
	v3 =	vld [tilespmem:$0x1FFC0];
	_ =	sdelay $0x3  }
0x3a: {  	v4 =	vld [tilespmem:$0x1FFE0]  }
0x3b: {  	[tilespmem:$0x2B10] =	vst v3;
	v3 =	vld [tilespmem:$0x1FFD0];
	_ =	sdelay $0x3  }
0x3c: {  	[tilespmem:$0x2B20] =	vst v4;
	v4 =	vld [tilespmem:$0x1FFF0]  }
0x3d: {  	[tilespmem:$0x2320] =	vst v3;
	v3 =	vld [tilespmem:$0x2300]  }
0x3e: {  	[tilespmem:$0x2B00] =	vst v0  }
0x3f: {  	[tilespmem:$0x2B40] =	vst v19  }
0x40: {  	[tilespmem:$0x2B30] =	vst v18  }
0x41: {  	[tilespmem:$0x2330] =	vst v4;
	v4 =	vimm.s32 $0x3  }
0x42: {  	s0 =	simm.s32 $0x2390;
	[tilespmem:$0x2340] =	vst v4;
	v3 =	vadd.s32 s31, v3  }
0x43: {  	[tilespmem:s0+$0xFFFFFFC0] =	vst v3  }
0x44: {  	v3 =	vld [tilespmem:$0x2B00];
	_ =	sdelay $0x3  }
0x45: {  	s5 =	simm.s32 $0x2B90  }
0x46: {  	[tilespmem:s5+$0xFFFFFFC0] =	vst v3  }
0x47: {  	v3 =	vld [tilespmem:$0x2310];
	_ =	sdelay $0x4  }
0x48: {  	v3 =	vadd.s32 s31, v3  }
0x49: {  	[tilespmem:s0+$0xFFFFFFD0] =	vst v3  }
0x4a: {  	v3 =	vld [tilespmem:$0x2B10];
	_ =	sdelay $0x4  }
0x4b: {  	[tilespmem:s5+$0xFFFFFFD0] =	vst v3  }
0x4c: {  	v3 =	vld [tilespmem:$0x2320];
	_ =	sdelay $0x4  }
0x4d: {  	v3 =	vadd.s32 s31, v3  }
0x4e: {  	[tilespmem:s0+$0xFFFFFFE0] =	vst v3  }
0x4f: {  	v3 =	vld [tilespmem:$0x2B20];
	_ =	sdelay $0x4  }
0x50: {  	[tilespmem:s5+$0xFFFFFFE0] =	vst v3  }
0x51: {  	v3 =	vld [tilespmem:$0x2330];
	_ =	sdelay $0x4  }
0x52: {  	v3 =	vadd.s32 s31, v3  }
0x53: {  	[tilespmem:s0+$0xFFFFFFF0] =	vst v3  }
0x54: {  	v3 =	vld [tilespmem:$0x2B30];
	_ =	sdelay $0x4  }
0x55: {  	[tilespmem:s5+$0xFFFFFFF0] =	vst v3  }
0x56: {  	v3 =	vld [tilespmem:$0x2340];
	_ =	sdelay $0x4  }
0x57: {  	v3 =	vadd.s32 s31, v3  }
0x58: {  	[tilespmem:s0+$0x0] =	vst v3  }
0x59: {  	[dreg:$0xa] =	wrdreg s8;
	s8 =	simm.s32 $0x8;
	v3 =	vld [tilespmem:$0x2B40]  }
.LBB2_2:
0x5a: {  	_ =	sdelay $0x3  }
0x5b: {  	p2 =	sne.s32 s8, $0x60;
	s0 =	sadd.s32 $0x50, s0;
	[tilespmem:s5+$0x0] =	vst v3;
	s5 =	sadd.s32 $0x50, s5  }
0x5c: {  	s10 =	smov.u32 s8;
	s8 =	sadd.s32 $0x4, s8;
	v3 =	vld [tilespmem:$0x2300];
	_ =	sdelay $0x4  }
0x5d: {  	v3 =	vadd.s32 s10, v3  }
0x5e: {  	[tilespmem:s0+$0xFFFFFFC0] =	vst v3  }
0x5f: {  	v3 =	vld [tilespmem:$0x2B00];
	_ =	sdelay $0x4  }
0x60: {  	[tilespmem:s5+$0xFFFFFFC0] =	vst v3  }
0x61: {  	v3 =	vld [tilespmem:$0x2310];
	_ =	sdelay $0x4  }
0x62: {  	v3 =	vadd.s32 s10, v3  }
0x63: {  	[tilespmem:s0+$0xFFFFFFD0] =	vst v3  }
0x64: {  	v3 =	vld [tilespmem:$0x2B10];
	_ =	sdelay $0x4  }
0x65: {  	[tilespmem:s5+$0xFFFFFFD0] =	vst v3  }
0x66: {  	v3 =	vld [tilespmem:$0x2320];
	_ =	sdelay $0x4  }
0x67: {  	v3 =	vadd.s32 s10, v3  }
0x68: {  	[tilespmem:s0+$0xFFFFFFE0] =	vst v3  }
0x69: {  	v3 =	vld [tilespmem:$0x2B20];
	_ =	sdelay $0x4  }
0x6a: {  	[tilespmem:s5+$0xFFFFFFE0] =	vst v3  }
0x6b: {  	v3 =	vld [tilespmem:$0x2330];
	_ =	sdelay $0x4  }
0x6c: {  	v3 =	vadd.s32 s10, v3  }
0x6d: {  	[tilespmem:s0+$0xFFFFFFF0] =	vst v3  }
0x6e: {  	v3 =	vld [tilespmem:$0x2B30];
	_ =	sdelay $0x4  }
0x6f: {  	[tilespmem:s5+$0xFFFFFFF0] =	vst v3  }
0x70: {  	v3 =	vld [tilespmem:$0x2340];
	_ =	sdelay $0x2  }
.Ltmp2:
0x71: {  	(pc) =	sbr.rel @p2 .LBB2_2-.Ltmp2, $4  }
0x72: {  	_ = 	snop  }
0x73: {  	v3 =	vadd.s32 s10, v3  }
0x74: {  	[tilespmem:s0+$0x0] =	vst v3  }
0x75: {  	v3 =	vld [tilespmem:$0x2B40]  }
0x76: {  	_ =	sdelay $0x3  }
0x77: {  	s0 =	simm.s32 $0x0;
	[tilespmem:s5+$0x0] =	vst v3;
	s5 =	simm.s32 $0x200  }
.LBB2_4:
0x78: {  	p2 =	sne.s32 s5, $0x13800;
	[tilespmem:s0+$0x8270] =	vst v20  }
0x79: {  	[tilespmem:s0+$0x3380] =	vst v20  }
0x7a: {  	[tilespmem:s0+$0x8200] =	vst v20  }
0x7b: {  	[tilespmem:s0+$0x3390] =	vst v20  }
0x7c: {  	[tilespmem:s0+$0x8210] =	vst v20  }
0x7d: {  	[tilespmem:s0+$0x33A0] =	vst v20  }
0x7e: {  	[tilespmem:s0+$0x8220] =	vst v20  }
0x7f: {  	[tilespmem:s0+$0x33B0] =	vst v20  }
0x80: {  	[tilespmem:s0+$0x8230] =	vst v20  }
0x81: {  	[tilespmem:s0+$0x33C0] =	vst v20  }
0x82: {  	[tilespmem:s0+$0x8240] =	vst v20  }
.Ltmp3:
0x83: {  	[tilespmem:s0+$0x33D0] =	vst v20;
	(pc) =	sbr.rel @p2 .LBB2_4-.Ltmp3, $4  }
0x84: {  	[tilespmem:s0+$0x8250] =	vst v20  }
0x85: {  	[tilespmem:s0+$0x33E0] =	vst v20  }
0x86: {  	[tilespmem:s0+$0x8260] =	vst v20  }
0x87: {  	[tilespmem:s0+$0x33F0] =	vst v20;
	s0 =	sshra.s32 s5, $0x2;
	s5 =	sadd.s32 $0x200, s5  }
0x88: {  	[tilespmem:s0+$0x8270] =	vst v20  }
0x89: {  	[tilespmem:s0+$0x3380] =	vst v20  }
0x8a: {  	[tilespmem:s0+$0x8200] =	vst v20  }
0x8b: {  	[tilespmem:s0+$0x3390] =	vst v20  }
0x8c: {  	[tilespmem:s0+$0x8210] =	vst v20  }
0x8d: {  	[tilespmem:s0+$0x33A0] =	vst v20  }
0x8e: {  	[tilespmem:s0+$0x8220] =	vst v20  }
0x8f: {  	[tilespmem:s0+$0x33B0] =	vst v20  }
0x90: {  	[tilespmem:s0+$0x8230] =	vst v20  }
0x91: {  	[tilespmem:s0+$0x33C0] =	vst v20  }
0x92: {  	[tilespmem:s0+$0x8240] =	vst v20  }
0x93: {  	[tilespmem:s0+$0x33D0] =	vst v20  }
.Ltmp4:
0x94: {  	[tilespmem:s0+$0x8250] =	vst v20;
	(pc) =	sbr.rel .LBB2_6-.Ltmp4, $4  }
0x95: {  	[tilespmem:s0+$0x33E0] =	vst v20  }
0x96: {  	[tilespmem:s0+$0x8260] =	vst v20  }
0x97: {  	[tilespmem:s0+$0x33F0] =	vst v20;
	s0 =	simm.s32 $0x0;
	s5 =	rddreg [dreg:$0x5]  }
0x98: {  	[tilespmem:s0], [sflag:$0x6] =	stream.strided.gather [hbm4b:s5+s14], $0x1100, s15, s14, $0x38;
	[tilespmem:$0x13380] =	vst v63  }
.LBB2_27:
0x99: {  	s0 =	sadd.s32 $0x1, s0  }
0x9a: {  	p2 =	sne.s32 s0, $0x10  }
.Ltmp5:
0x9b: {  	_ = 	snop;
	(pc) =	sbr.rel @!p2 .LBB2_28-.Ltmp5, $1  }
0x9c: {  	_ =	sdelay $0x3  }
.LBB2_6:
0x9d: {  	s8 =	sand.u32 $0x1, s0  }
0x9e: {  	p2 =	seq.s32 s8, $0x1  }
.Ltmp6:
0x9f: {  	_ = 	snop;
	(pc) =	sbr.rel @p2 .LBB2_18-.Ltmp6, $3  }
0xa0: {  	_ =	sdelay $0x1  }
0xa1: {  	s5 =	sshll.u32 s0, $0x1  }
0xa2: {  	s5 =	sadd.s32 s13, s5  }
0xa3: {  	s10 =	sshrl.u32 s5, $0x3  }
0xa4: {  	s11 =	sshll.u32 s0, $0x8;
	s10 =	smul.u32 $0x4400, s10  }
0xa5: {  	p2 =	seq.s32 s0, $0x0;
	s11 =	sand.u32 $0x200, s11  }
.Ltmp7:
0xa6: {  	s10 =	sor.u32 s10, s11;
	(pc) =	sbr.rel @p2 .LBB2_10-.Ltmp7, $4  }
0xa7: {  	_ =	swait.ge [sflag:s30], $0x1100;
	s10 =	sor.u32 $0x100, s10  }
0xa8: {  	[sflag:s30] =	ssyncset.done $0x0;
	s10 =	sshrl.u32 s10, $0x3  }
0xa9: {  	[sflag:s30] =	ssyncadd.s32 $0xFFFFEF00;
	s10 =	sadd.s32 s6, s10  }
0xaa: {  	[tilespmem:s20], [sflag:$0x7] =	stream.strided.gather [hbm4b:s10+s14], $0x1100, s15, s14, $0x38;
	[tilespmem:$0x13380] =	vst v63  }
0xab: {  	_ =	swait.ge [sflag:s17], $0x4E80  }
0xac: {  	[sflag:s17] =	ssyncset.done $0x0  }
0xad: {  	s10 =	simm.s32 $0x0;
	[sflag:s17] =	ssyncadd.s32 $0xFFFFB180  }
.LBB2_9:
0xae: {  	s11 =	sshra.s32 s10, $0x2  }
0xaf: {  	v3 =	vld [tilespmem:s11+$0x2300];
	_ =	sdelay $0x6  }
0xb0: {  	v4 =	vld [tilespmem:s11+$0x2B00]  }
0xb1: {  	v3 =	vld.idx.msk [tilespmem:v3+s18+$0x0], $0xffff;
	_ =	sdelay $0x4  }
0xb2: {  	p3 =	sne.s32 s10, $0x1F00;
	v3 =	vadd.s32 v3, v4  }
.Ltmp8:
0xb3: {  	_ = 	snop;
	(pc) =	sbr.rel @p3 .LBB2_9-.Ltmp8, $2  }
0xb4: {  	_ =	sdelay $0x2  }
0xb5: {  	s10 =	sadd.s32 $0x40, s10;
	[tilespmem:v3+s19+$0x0] =	vst.idx.msk $0xffff, v20  }
.LBB2_10:
0xb6: {  	_ =	sdelay $0x3  }
0xb7: {  	v3 =	vld.idx.msk [tilespmem:v0+s4+$0x0], $0xffff;
	_ =	sdelay $0x4  }
0xb8: {  	v3 =	vtrunc.f32 v3  }
0xb9: {  	v3 =	vcvt.f32.s32 v3;
	_ =	sdelay $0x1  }
0xba: {  	v3 =	vmul.u32 $0x14, v3;
	_ =	sdelay $0x1  }
0xbb: {  	[tilespmem:$0x2200] =	vst v3  }
0xbc: {  	v3 =	vld.idx.msk [tilespmem:v21+s4+$0x0], $0xffff;
	_ =	sdelay $0x4  }
0xbd: {  	v3 =	vtrunc.f32 v3  }
0xbe: {  	v3 =	vcvt.f32.s32 v3;
	_ =	sdelay $0x1  }
0xbf: {  	v3 =	vmul.u32 $0x14, v3;
	_ =	sdelay $0x1  }
0xc0: {  	[tilespmem:$0x2210] =	vst v3  }
0xc1: {  	v3 =	vld.idx.msk [tilespmem:v22+s4+$0x0], $0xffff;
	_ =	sdelay $0x4  }
0xc2: {  	v3 =	vtrunc.f32 v3  }
0xc3: {  	v3 =	vcvt.f32.s32 v3;
	_ =	sdelay $0x1  }
0xc4: {  	v3 =	vmul.u32 $0x14, v3;
	_ =	sdelay $0x1  }
0xc5: {  	[tilespmem:$0x2220] =	vst v3  }
0xc6: {  	v3 =	vld.idx.msk [tilespmem:v23+s4+$0x0], $0xffff;
	_ =	sdelay $0x4  }
0xc7: {  	v3 =	vtrunc.f32 v3  }
0xc8: {  	v3 =	vcvt.f32.s32 v3;
	_ =	sdelay $0x1  }
0xc9: {  	v3 =	vmul.u32 $0x14, v3;
	_ =	sdelay $0x1  }
0xca: {  	[tilespmem:$0x2230] =	vst v3  }
0xcb: {  	v3 =	vld.idx.msk [tilespmem:v24+s4+$0x0], $0xffff;
	_ =	sdelay $0x4  }
0xcc: {  	v3 =	vtrunc.f32 v3  }
0xcd: {  	v3 =	vcvt.f32.s32 v3;
	_ =	sdelay $0x1  }
0xce: {  	v3 =	vmul.u32 $0x14, v3;
	_ =	sdelay $0x1  }
0xcf: {  	[tilespmem:$0x2240] =	vst v3  }
0xd0: {  	v3 =	vld.idx.msk [tilespmem:v25+s4+$0x0], $0xffff;
	_ =	sdelay $0x4  }
0xd1: {  	v3 =	vtrunc.f32 v3  }
0xd2: {  	v3 =	vcvt.f32.s32 v3;
	_ =	sdelay $0x1  }
0xd3: {  	v3 =	vmul.u32 $0x14, v3;
	_ =	sdelay $0x1  }
0xd4: {  	[tilespmem:$0x2250] =	vst v3  }
0xd5: {  	v3 =	vld.idx.msk [tilespmem:v26+s4+$0x0], $0xffff;
	_ =	sdelay $0x4  }
0xd6: {  	v3 =	vtrunc.f32 v3  }
0xd7: {  	v3 =	vcvt.f32.s32 v3;
	_ =	sdelay $0x1  }
0xd8: {  	v3 =	vmul.u32 $0x14, v3;
	_ =	sdelay $0x1  }
0xd9: {  	s10 =	simm.s32 $0x64;
	s11 =	simm.s32 $0x2300;
	s12 =	simm.s32 $0x2B00;
	[tilespmem:$0x2260] =	vst v3  }
.LBB2_11:
0xda: {  	v3 =	vld [tilespmem:s11+$0x0];
	_ =	sdelay $0x4  }
0xdb: {  	v4 =	vadd.s32 s10, v0  }
0xdc: {  	v5 =	vshll.u32 v4, $0x1  }
0xdd: {  	v6 =	vld [tilespmem:s12+$0x0];
	v4 =	vand.u32 $0x7F, v4;
	v5 =	vand.u32 $0x7FFFFF00, v5  }
0xde: {  	v4 =	vor.u32 v4, v5;
	v3 =	vld.idx.msk [tilespmem:v3+s18+$0x0], $0xffff;
	_ =	sdelay $0x4  }
0xdf: {  	p3 =	sne.s32 s10, $0x824;
	v4 =	vld.idx.msk [tilespmem:v4+s4+$0x0], $0xffff;
	v3 =	vadd.s32 v3, v6  }
.Ltmp9:
0xe0: {  	_ = 	snop;
	(pc) =	sbr.rel @p3 .LBB2_11-.Ltmp9, $2  }
0xe1: {  	_ =	sdelay $0x2  }
0xe2: {  	s11 =	sadd.s32 $0x10, s11;
	s12 =	sadd.s32 $0x10, s12;
	s10 =	sadd.s32 $0x10, s10;
	[tilespmem:v3+s19+$0x0] =	vst.idx.add.f32.msk $0xffff, v4  }
.Ltmp10:
0xe3: {  	(pc) =	sbr.rel @p2 .LBB2_15-.Ltmp10, $3  }
0xe4: {  	s10 =	smul.u32 $0x9D0, s5;
	_ =	sdelay $0x1  }
0xe5: {  	s10 =	sadd.s32 s7, s10  }
0xe6: {  	[hbm4b:s10+s4] =	stream.linear.scatter [tilespmem:s19], [sflag:$0x1], $0x4E80, $0x38;
	[tilespmem:$0x13380] =	vst v63  }
0xe7: {  	_ =	swait.ge [sflag:s21], $0x4E80  }
0xe8: {  	[sflag:s21] =	ssyncset.done $0x0  }
0xe9: {  	s10 =	simm.s32 $0x0;
	[sflag:s21] =	ssyncadd.s32 $0xFFFFB180  }
.LBB2_14:
0xea: {  	s11 =	sshra.s32 s10, $0x2  }
0xeb: {  	v3 =	vld [tilespmem:s11+$0x2300];
	_ =	sdelay $0x6  }
0xec: {  	v4 =	vld [tilespmem:s11+$0x2B00]  }
0xed: {  	v3 =	vld.idx.msk [tilespmem:v3+s22+$0x0], $0xffff;
	_ =	sdelay $0x4  }
0xee: {  	p2 =	sne.s32 s10, $0x1F00;
	v3 =	vadd.s32 v3, v4  }
.Ltmp11:
0xef: {  	_ = 	snop;
	(pc) =	sbr.rel @p2 .LBB2_14-.Ltmp11, $2  }
0xf0: {  	_ =	sdelay $0x2  }
0xf1: {  	s10 =	sadd.s32 $0x40, s10;
	[tilespmem:v3+s23+$0x0] =	vst.idx.msk $0xffff, v20  }
.LBB2_15:
0xf2: {  	_ =	sdelay $0x3  }
0xf3: {  	v3 =	vld.idx.msk [tilespmem:v27+s4+$0x0], $0xffff;
	_ =	sdelay $0x4  }
0xf4: {  	v3 =	vtrunc.f32 v3  }
0xf5: {  	v3 =	vcvt.f32.s32 v3;
	_ =	sdelay $0x1  }
0xf6: {  	v3 =	vmul.u32 $0x14, v3;
	_ =	sdelay $0x1  }
0xf7: {  	[tilespmem:$0x2280] =	vst v3  }
0xf8: {  	v3 =	vld.idx.msk [tilespmem:v28+s4+$0x0], $0xffff;
	_ =	sdelay $0x4  }
0xf9: {  	v3 =	vtrunc.f32 v3  }
0xfa: {  	v3 =	vcvt.f32.s32 v3;
	_ =	sdelay $0x1  }
0xfb: {  	v3 =	vmul.u32 $0x14, v3;
	_ =	sdelay $0x1  }
0xfc: {  	[tilespmem:$0x2290] =	vst v3  }
0xfd: {  	v3 =	vld.idx.msk [tilespmem:v30+s4+$0x0], $0xffff;
	_ =	sdelay $0x4  }
0xfe: {  	v3 =	vtrunc.f32 v3  }
0xff: {  	v3 =	vcvt.f32.s32 v3;
	_ =	sdelay $0x1  }
0x100: {  	v3 =	vmul.u32 $0x14, v3;
	_ =	sdelay $0x1  }
0x101: {  	[tilespmem:$0x22A0] =	vst v3  }
0x102: {  	v3 =	vld.idx.msk [tilespmem:v31+s4+$0x0], $0xffff;
	_ =	sdelay $0x4  }
0x103: {  	v3 =	vtrunc.f32 v3  }
0x104: {  	v3 =	vcvt.f32.s32 v3;
	_ =	sdelay $0x1  }
0x105: {  	v3 =	vmul.u32 $0x14, v3;
	_ =	sdelay $0x1  }
0x106: {  	[tilespmem:$0x22B0] =	vst v3  }
0x107: {  	v3 =	vld.idx.msk [tilespmem:v32+s4+$0x0], $0xffff;
	_ =	sdelay $0x4  }
0x108: {  	v3 =	vtrunc.f32 v3  }
0x109: {  	v3 =	vcvt.f32.s32 v3;
	_ =	sdelay $0x1  }
0x10a: {  	v3 =	vmul.u32 $0x14, v3;
	_ =	sdelay $0x1  }
0x10b: {  	[tilespmem:$0x22C0] =	vst v3  }
0x10c: {  	v3 =	vld.idx.msk [tilespmem:v33+s4+$0x0], $0xffff;
	_ =	sdelay $0x4  }
0x10d: {  	v3 =	vtrunc.f32 v3  }
0x10e: {  	v3 =	vcvt.f32.s32 v3;
	_ =	sdelay $0x1  }
0x10f: {  	v3 =	vmul.u32 $0x14, v3;
	_ =	sdelay $0x1  }
0x110: {  	[tilespmem:$0x22D0] =	vst v3  }
0x111: {  	v3 =	vld.idx.msk [tilespmem:v34+s4+$0x0], $0xffff;
	_ =	sdelay $0x4  }
0x112: {  	v3 =	vtrunc.f32 v3  }
0x113: {  	v3 =	vcvt.f32.s32 v3;
	_ =	sdelay $0x1  }
0x114: {  	v3 =	vmul.u32 $0x14, v3;
	_ =	sdelay $0x1  }
0x115: {  	s10 =	simm.s32 $0x64;
	s11 =	simm.s32 $0x2300;
	s12 =	simm.s32 $0x2B00;
	[tilespmem:$0x22E0] =	vst v3  }
.LBB2_16:
0x116: {  	v3 =	vld [tilespmem:s11+$0x0];
	_ =	sdelay $0x3  }
0x117: {  	v4 =	vadd.s32 s10, v0  }
0x118: {  	v5 =	vshll.u32 v4, $0x1  }
0x119: {  	v4 =	vand.u32 $0x7F, v4;
	v5 =	vand.u32 $0x7FFFFF00, v5  }
0x11a: {  	v63 =	vld [tilespmem:s12+$0x0];
	v4 =	vor.u32 v5, v4  }
0x11b: {  	v4 =	vor.u32 $0x80, v4;
	v3 =	vld.idx.msk [tilespmem:v3+s22+$0x0], $0xffff;
	_ =	sdelay $0x4  }
0x11c: {  	p2 =	sne.s32 s10, $0x824;
	v4 =	vld.idx.msk [tilespmem:v4+s4+$0x0], $0xffff;
	v3 =	vadd.s32 v3, v63  }
.Ltmp12:
0x11d: {  	_ = 	snop;
	(pc) =	sbr.rel @p2 .LBB2_16-.Ltmp12, $2  }
0x11e: {  	_ =	sdelay $0x2  }
0x11f: {  	s11 =	sadd.s32 $0x10, s11;
	s12 =	sadd.s32 $0x10, s12;
	s10 =	sadd.s32 $0x10, s10;
	[tilespmem:v3+s23+$0x0] =	vst.idx.add.f32.msk $0xffff, v4  }
0x120: {  	s10 =	smul.u32 $0x4E80, s5;
	p2 =	seq.s32 s8, $0x0  }
.Ltmp13:
0x121: {  	_ = 	snop;
	(pc) =	sbr.rel @p2 .LBB2_27-.Ltmp13, $4  }
0x122: {  	s10 =	sshrl.u32 s10, $0x3  }
0x123: {  	s10 =	sadd.s32 s7, s10  }
0x124: {  	s10 =	sadd.s32 $0x9D0, s10  }
0x125: {  	[hbm4b:s10+s4] =	stream.linear.scatter [tilespmem:s23], [sflag:$0x2], $0x4E80, $0x38;
	[tilespmem:$0x13380] =	vst v63  }
.LBB2_18:
0x126: {  	p2 =	seq.s32 s0, $0xF  }
0x127: {  	s8 =	sadd.s32 @!p2 $0x2, s5  }
0x128: {  	s10 =	sshrl.u32 @!p2 s8, $0x3  }
0x129: {  	s8 =	sshll.u32 @!p2 s8, $0x7;
	s10 =	smul.u32 @!p2 $0x4400, s10  }
0x12a: {  	_ =	swait.ge [sflag:s16], $0x1100;
	s8 =	sand.u32 @!p2 $0x300, s8  }
0x12b: {  	[sflag:s16] =	ssyncset.done $0x0;
	s8 =	sor.u32 @!p2 s8, s10  }
0x12c: {  	s11 =	simm.s32 @!p2 $0x400;
	s12 =	simm.s32 @!p2 $0x0;
	s8 =	sshrl.u32 @!p2 s8, $0x3  }
0x12d: {  	[sflag:s16] =	ssyncadd.s32 $0xFFFFEF00;
	s10 =	simm.s32 @!p2 $0x100;
	s8 =	sadd.s32 @!p2 s6, s8  }
0x12e: {  	[tilespmem:s12], [sflag:$0x6] =	stream.strided.gather @!p2 [hbm4b:s8+s10], $0x1100, s11, s10, $0x38;
	[tilespmem:$0x13380] =	vst v63  }
0x12f: {  	_ =	swait.ge [sflag:s17], $0x4E80  }
0x130: {  	[sflag:s17] =	ssyncset.done $0x0  }
0x131: {  	s8 =	simm.s32 $0x0;
	[sflag:s17] =	ssyncadd.s32 $0xFFFFB180  }
.LBB2_19:
0x132: {  	s10 =	sshra.s32 s8, $0x2  }
0x133: {  	v3 =	vld [tilespmem:s10+$0x2300];
	_ =	sdelay $0x6  }
0x134: {  	v4 =	vld [tilespmem:s10+$0x2B00]  }
0x135: {  	v3 =	vld.idx.msk [tilespmem:v3+s18+$0x0], $0xffff;
	_ =	sdelay $0x4  }
0x136: {  	p2 =	sne.s32 s8, $0x1F00;
	v3 =	vadd.s32 v3, v4  }
.Ltmp14:
0x137: {  	_ = 	snop;
	(pc) =	sbr.rel @p2 .LBB2_19-.Ltmp14, $2  }
0x138: {  	_ =	sdelay $0x2  }
0x139: {  	s8 =	sadd.s32 $0x40, s8;
	[tilespmem:v3+s19+$0x0] =	vst.idx.msk $0xffff, v20  }
0x13a: {  	_ =	sdelay $0x3  }
0x13b: {  	v3 =	vld.idx.msk [tilespmem:v0+s20+$0x0], $0xffff;
	_ =	sdelay $0x4  }
0x13c: {  	v3 =	vtrunc.f32 v3  }
0x13d: {  	v3 =	vcvt.f32.s32 v3;
	_ =	sdelay $0x1  }
0x13e: {  	v3 =	vmul.u32 $0x14, v3;
	_ =	sdelay $0x1  }
0x13f: {  	[tilespmem:$0x2200] =	vst v3  }
0x140: {  	v3 =	vld.idx.msk [tilespmem:v21+s20+$0x0], $0xffff;
	_ =	sdelay $0x4  }
0x141: {  	v3 =	vtrunc.f32 v3  }
0x142: {  	v3 =	vcvt.f32.s32 v3;
	_ =	sdelay $0x1  }
0x143: {  	v3 =	vmul.u32 $0x14, v3;
	_ =	sdelay $0x1  }
0x144: {  	[tilespmem:$0x2210] =	vst v3  }
0x145: {  	v3 =	vld.idx.msk [tilespmem:v22+s20+$0x0], $0xffff;
	_ =	sdelay $0x4  }
0x146: {  	v3 =	vtrunc.f32 v3  }
0x147: {  	v3 =	vcvt.f32.s32 v3;
	_ =	sdelay $0x1  }
0x148: {  	v3 =	vmul.u32 $0x14, v3;
	_ =	sdelay $0x1  }
0x149: {  	[tilespmem:$0x2220] =	vst v3  }
0x14a: {  	v3 =	vld.idx.msk [tilespmem:v23+s20+$0x0], $0xffff;
	_ =	sdelay $0x4  }
0x14b: {  	v3 =	vtrunc.f32 v3  }
0x14c: {  	v3 =	vcvt.f32.s32 v3;
	_ =	sdelay $0x1  }
0x14d: {  	v3 =	vmul.u32 $0x14, v3;
	_ =	sdelay $0x1  }
0x14e: {  	[tilespmem:$0x2230] =	vst v3  }
0x14f: {  	v3 =	vld.idx.msk [tilespmem:v24+s20+$0x0], $0xffff;
	_ =	sdelay $0x4  }
0x150: {  	v3 =	vtrunc.f32 v3  }
0x151: {  	v3 =	vcvt.f32.s32 v3;
	_ =	sdelay $0x1  }
0x152: {  	v3 =	vmul.u32 $0x14, v3;
	_ =	sdelay $0x1  }
0x153: {  	[tilespmem:$0x2240] =	vst v3  }
0x154: {  	v3 =	vld.idx.msk [tilespmem:v25+s20+$0x0], $0xffff;
	_ =	sdelay $0x4  }
0x155: {  	v3 =	vtrunc.f32 v3  }
0x156: {  	v3 =	vcvt.f32.s32 v3;
	_ =	sdelay $0x1  }
0x157: {  	v3 =	vmul.u32 $0x14, v3;
	_ =	sdelay $0x1  }
0x158: {  	[tilespmem:$0x2250] =	vst v3  }
0x159: {  	v3 =	vld.idx.msk [tilespmem:v26+s20+$0x0], $0xffff;
	_ =	sdelay $0x4  }
0x15a: {  	v3 =	vtrunc.f32 v3  }
0x15b: {  	v3 =	vcvt.f32.s32 v3;
	_ =	sdelay $0x1  }
0x15c: {  	v3 =	vmul.u32 $0x14, v3;
	_ =	sdelay $0x1  }
0x15d: {  	s8 =	simm.s32 $0x64;
	s10 =	simm.s32 $0x2300;
	s11 =	simm.s32 $0x2B00;
	[tilespmem:$0x2260] =	vst v3  }
.LBB2_21:
0x15e: {  	v3 =	vld [tilespmem:s10+$0x0];
	_ =	sdelay $0x4  }
0x15f: {  	v4 =	vadd.s32 s8, v0  }
0x160: {  	v5 =	vshll.u32 v4, $0x1  }
0x161: {  	v6 =	vld [tilespmem:s11+$0x0];
	v4 =	vand.u32 $0x7F, v4;
	v5 =	vand.u32 $0x7FFFFF00, v5  }
0x162: {  	v4 =	vor.u32 v4, v5;
	v3 =	vld.idx.msk [tilespmem:v3+s18+$0x0], $0xffff;
	_ =	sdelay $0x4  }
0x163: {  	p2 =	sne.s32 s8, $0x824;
	v4 =	vld.idx.msk [tilespmem:v4+s20+$0x0], $0xffff;
	v3 =	vadd.s32 v3, v6  }
.Ltmp15:
0x164: {  	_ = 	snop;
	(pc) =	sbr.rel @p2 .LBB2_21-.Ltmp15, $2  }
0x165: {  	_ =	sdelay $0x2  }
0x166: {  	s10 =	sadd.s32 $0x10, s10;
	s11 =	sadd.s32 $0x10, s11;
	s8 =	sadd.s32 $0x10, s8;
	[tilespmem:v3+s19+$0x0] =	vst.idx.add.f32.msk $0xffff, v4  }
0x167: {  	s8 =	smul.u32 $0x9D0, s5;
	_ =	sdelay $0x1  }
0x168: {  	s10 =	sadd.s32 s7, s8;
	s8 =	simm.s32 $0x0  }
0x169: {  	[hbm4b:s10+s8] =	stream.linear.scatter [tilespmem:s19], [sflag:$0x1], $0x4E80, $0x38;
	[tilespmem:$0x13380] =	vst v63  }
0x16a: {  	_ =	swait.ge [sflag:s21], $0x4E80  }
0x16b: {  	[sflag:s21] =	ssyncset.done $0x0  }
0x16c: {  	[sflag:s21] =	ssyncadd.s32 $0xFFFFB180  }
.LBB2_23:
0x16d: {  	s10 =	sshra.s32 s8, $0x2  }
0x16e: {  	v3 =	vld [tilespmem:s10+$0x2300];
	_ =	sdelay $0x6  }
0x16f: {  	v4 =	vld [tilespmem:s10+$0x2B00]  }
0x170: {  	v3 =	vld.idx.msk [tilespmem:v3+s22+$0x0], $0xffff;
	_ =	sdelay $0x4  }
0x171: {  	p2 =	sne.s32 s8, $0x1F00;
	v3 =	vadd.s32 v3, v4  }
.Ltmp16:
0x172: {  	_ = 	snop;
	(pc) =	sbr.rel @p2 .LBB2_23-.Ltmp16, $2  }
0x173: {  	_ =	sdelay $0x2  }
0x174: {  	s8 =	sadd.s32 $0x40, s8;
	[tilespmem:v3+s23+$0x0] =	vst.idx.msk $0xffff, v20  }
0x175: {  	_ =	sdelay $0x3  }
0x176: {  	v3 =	vld.idx.msk [tilespmem:v27+s20+$0x0], $0xffff;
	_ =	sdelay $0x4  }
0x177: {  	v3 =	vtrunc.f32 v3  }
0x178: {  	v3 =	vcvt.f32.s32 v3;
	_ =	sdelay $0x1  }
0x179: {  	v3 =	vmul.u32 $0x14, v3;
	_ =	sdelay $0x1  }
0x17a: {  	[tilespmem:$0x2280] =	vst v3  }
0x17b: {  	v3 =	vld.idx.msk [tilespmem:v28+s20+$0x0], $0xffff;
	_ =	sdelay $0x4  }
0x17c: {  	v3 =	vtrunc.f32 v3  }
0x17d: {  	v3 =	vcvt.f32.s32 v3;
	_ =	sdelay $0x1  }
0x17e: {  	v3 =	vmul.u32 $0x14, v3;
	_ =	sdelay $0x1  }
0x17f: {  	[tilespmem:$0x2290] =	vst v3  }
0x180: {  	v3 =	vld.idx.msk [tilespmem:v30+s20+$0x0], $0xffff;
	_ =	sdelay $0x4  }
0x181: {  	v3 =	vtrunc.f32 v3  }
0x182: {  	v3 =	vcvt.f32.s32 v3;
	_ =	sdelay $0x1  }
0x183: {  	v3 =	vmul.u32 $0x14, v3;
	_ =	sdelay $0x1  }
0x184: {  	[tilespmem:$0x22A0] =	vst v3  }
0x185: {  	v3 =	vld.idx.msk [tilespmem:v31+s20+$0x0], $0xffff;
	_ =	sdelay $0x4  }
0x186: {  	v3 =	vtrunc.f32 v3  }
0x187: {  	v3 =	vcvt.f32.s32 v3;
	_ =	sdelay $0x1  }
0x188: {  	v3 =	vmul.u32 $0x14, v3;
	_ =	sdelay $0x1  }
0x189: {  	[tilespmem:$0x22B0] =	vst v3  }
0x18a: {  	v3 =	vld.idx.msk [tilespmem:v32+s20+$0x0], $0xffff;
	_ =	sdelay $0x4  }
0x18b: {  	v3 =	vtrunc.f32 v3  }
0x18c: {  	v3 =	vcvt.f32.s32 v3;
	_ =	sdelay $0x1  }
0x18d: {  	v3 =	vmul.u32 $0x14, v3;
	_ =	sdelay $0x1  }
0x18e: {  	[tilespmem:$0x22C0] =	vst v3  }
0x18f: {  	v3 =	vld.idx.msk [tilespmem:v33+s20+$0x0], $0xffff;
	_ =	sdelay $0x4  }
0x190: {  	v3 =	vtrunc.f32 v3  }
0x191: {  	v3 =	vcvt.f32.s32 v3;
	_ =	sdelay $0x1  }
0x192: {  	v3 =	vmul.u32 $0x14, v3;
	_ =	sdelay $0x1  }
0x193: {  	[tilespmem:$0x22D0] =	vst v3  }
0x194: {  	v3 =	vld.idx.msk [tilespmem:v34+s20+$0x0], $0xffff;
	_ =	sdelay $0x4  }
0x195: {  	v3 =	vtrunc.f32 v3  }
0x196: {  	v3 =	vcvt.f32.s32 v3;
	_ =	sdelay $0x1  }
0x197: {  	v3 =	vmul.u32 $0x14, v3;
	_ =	sdelay $0x1  }
0x198: {  	s8 =	simm.s32 $0x64;
	s10 =	simm.s32 $0x2300;
	s11 =	simm.s32 $0x2B00;
	[tilespmem:$0x22E0] =	vst v3  }
.LBB2_25:
0x199: {  	v3 =	vld [tilespmem:s10+$0x0];
	_ =	sdelay $0x3  }
0x19a: {  	v4 =	vadd.s32 s8, v0  }
0x19b: {  	v5 =	vshll.u32 v4, $0x1  }
0x19c: {  	v4 =	vand.u32 $0x7F, v4;
	v5 =	vand.u32 $0x7FFFFF00, v5  }
0x19d: {  	v63 =	vld [tilespmem:s11+$0x0];
	v4 =	vor.u32 v5, v4  }
0x19e: {  	v4 =	vor.u32 $0x80, v4;
	v3 =	vld.idx.msk [tilespmem:v3+s22+$0x0], $0xffff;
	_ =	sdelay $0x4  }
0x19f: {  	p2 =	sne.s32 s8, $0x824;
	v4 =	vld.idx.msk [tilespmem:v4+s20+$0x0], $0xffff;
	v3 =	vadd.s32 v3, v63  }
.Ltmp17:
0x1a0: {  	_ = 	snop;
	(pc) =	sbr.rel @p2 .LBB2_25-.Ltmp17, $2  }
0x1a1: {  	_ =	sdelay $0x2  }
0x1a2: {  	s10 =	sadd.s32 $0x10, s10;
	s11 =	sadd.s32 $0x10, s11;
	s8 =	sadd.s32 $0x10, s8;
	[tilespmem:v3+s23+$0x0] =	vst.idx.add.f32.msk $0xffff, v4  }
0x1a3: {  	s5 =	smul.u32 $0x4E80, s5  }
.Ltmp18:
0x1a4: {  	_ = 	snop;
	(pc) =	sbr.rel .LBB2_27-.Ltmp18, $4  }
0x1a5: {  	s5 =	sshrl.u32 s5, $0x3  }
0x1a6: {  	s5 =	sadd.s32 s7, s5  }
0x1a7: {  	s5 =	sadd.s32 $0x9D0, s5  }
0x1a8: {  	[hbm4b:s5+s4] =	stream.linear.scatter [tilespmem:s23], [sflag:$0x2], $0x4E80, $0x38;
	[tilespmem:$0x13380] =	vst v63  }
.LBB2_28:
0x1a9: {  	_ =	swait.ge [sflag:s17], $0x4E80  }
0x1aa: {  	[sflag:s17] =	ssyncset.done $0x0  }
0x1ab: {  	[sflag:s17] =	ssyncadd.s32 $0xFFFFB180  }
0x1ac: {  	_ =	swait.ge [sflag:s21], $0x4E80  }
0x1ad: {  	[sflag:s21] =	ssyncset.done $0x0  }
0x1ae: {  	[sflag:s21] =	ssyncadd.s32 $0xFFFFB180  }
0x1af: {  	[bflag:$0x0] =	sbarrier.arrive $0xFFFF  }
0x1b0: {  	v3 =	vld [tilespmem:$0x1FF30];
	_ =	sdelay $0x4  }
0x1b1: {  	[tilespmem:$0x3300] =	vst v3;
	v3 =	vld [tilespmem:$0x1FF40];
	_ =	sdelay $0x4  }
0x1b2: {  	[tilespmem:$0x3310] =	vst v3;
	v3 =	vld [tilespmem:$0x1FF50];
	_ =	sdelay $0x4  }
0x1b3: {  	[tilespmem:$0x3320] =	vst v3;
	v3 =	vld [tilespmem:$0x1FF60];
	_ =	sdelay $0x4  }
0x1b4: {  	[tilespmem:$0x3330] =	vst v3;
	v3 =	vld [tilespmem:$0x1FF70];
	_ =	sdelay $0x4  }
0x1b5: {  	[tilespmem:$0x3340] =	vst v3;
	v3 =	vld [tilespmem:$0x1FF80];
	_ =	sdelay $0x4  }
0x1b6: {  	[tilespmem:$0x3350] =	vst v3;
	v3 =	vld [tilespmem:$0x1FF90];
	_ =	sdelay $0x4  }
0x1b7: {  	[tilespmem:$0x3360] =	vst v3;
	v3 =	vld [tilespmem:$0x1FFA0];
	_ =	sdelay $0x1  }
.Ltmp19:
0x1b8: {  	_ = 	snop;
	(pc) =	sbr.rel .LBB2_29-.Ltmp19, $3  }
0x1b9: {  	_ =	sdelay $0x1  }
0x1ba: {  	s13 =	simm.s32 $0x0;
	[tilespmem:$0x3370] =	vst v3  }
0x1bb: {  	[tilespmem:s19], [sflag:$0x3] =	stream.indirect.gather [hbm4b:s7+s24], $0x80, s25, s24, $0xb8;
	[tilespmem:$0x13380] =	vst v63  }
.LBB2_48:
0x1bc: {  	s13 =	sadd.s32 $0x1, s13  }
0x1bd: {  	p2 =	sne.s32 s13, $0x4  }
.Ltmp20:
0x1be: {  	_ = 	snop;
	(pc) =	sbr.rel @!p2 .LBB2_49-.Ltmp20, $1  }
0x1bf: {  	_ =	sdelay $0x3  }
.LBB2_29:
0x1c0: {  	s0 =	sshll.u32 s13, $0x7  }
0x1c1: {  	s5 =	sadd.s32 s1, s0  }
0x1c2: {  	v3 =	vmov s5;
	s8 =	sor.u32 $0x10, s5  }
0x1c3: {  	s6 =	sor.u32 $0x20, s5;
	s10 =	sor.u32 $0x30, s5;
	s11 =	sor.u32 $0x40, s5;
	v3 =	vmul.u32 $0x9D, v3;
	v4 =	vmov s8  }
0x1c4: {  	s12 =	sor.u32 $0x60, s5;
	v5 =	vmov s6;
	v6 =	vmov s10;
	v7 =	vmov s11  }
0x1c5: {  	s10 =	sor.u32 $0x50, s5;
	v50 =	vmov s12;
	v4 =	vmul.u32 $0x9D, v4;
	v5 =	vmul.u32 $0x9D, v5  }
0x1c6: {  	s5 =	sor.u32 $0x70, s5;
	s6 =	rddreg [dreg:$0x6];
	v6 =	vmul.u32 $0x9D, v6;
	v8 =	vmov s10;
	v7 =	vmul.u32 $0x9D, v7  }
0x1c7: {  	s0 =	sadd.s32 s0, s6;
	v51 =	vmov s5;
	v3 =	vbroadcast v3, $0x0;
	v8 =	vmul.u32 $0x9D, v8  }
0x1c8: {  	v52 =	vmov s0;
	s14 =	sor.u32 $0x10, s0;
	v4 =	vbroadcast v4, $0x0;
	v5 =	vbroadcast v5, $0x0  }
0x1c9: {  	s16 =	sor.u32 $0x20, s0;
	s6 =	sor.u32 $0x30, s0;
	s8 =	sor.u32 $0x40, s0;
	v48 =	vbroadcast v7, $0x0;
	v7 =	vmul.u32 $0x9D, v51;
	v55 =	vmov s14  }
0x1ca: {  	s10 =	sor.u32 $0x50, s0;
	s11 =	sor.u32 $0x60, s0;
	s0 =	sor.u32 $0x70, s0;
	v56 =	vmov s16;
	v58 =	vmov s6;
	v60 =	vmov s8  }
0x1cb: {  	v61 =	vmov s10;
	v62 =	vmov s11;
	v9 =	vmov s0  }
0x1cc: {  	v42 =	vadd.s32 v1, v3;
	v3 =	vbroadcast v6, $0x0;
	v49 =	vbroadcast v8, $0x0  }
0x1cd: {  	v6 =	vmul.u32 $0x9D, v50;
	v8 =	vmul.u32 $0x9D, v52;
	v57 =	vmul.u32 $0x9D, v56  }
0x1ce: {  	v9 =	vmul.u32 $0x9D, v9;
	v43 =	vadd.s32 v1, v4;
	v44 =	vadd.s32 v1, v5  }
0x1cf: {  	v46 =	vadd.s32 v1, v48;
	v53 =	vbroadcast v7, $0x0;
	v4 =	vmul.u32 $0x9D, v58  }
0x1d0: {  	v7 =	vmul.u32 $0x9D, v61;
	v45 =	vadd.s32 v1, v3;
	v47 =	vadd.s32 v1, v49  }
0x1d1: {  	v3 =	vbroadcast v6, $0x0;
	v54 =	vadd.s32 v2, v8;
	v59 =	vadd.s32 v2, v57  }
0x1d2: {  	v6 =	vmul.u32 $0x9D, v60;
	v8 =	vmul.u32 $0x9D, v62;
	v9 =	vadd.s32 v2, v9  }
0x1d3: {  	v5 =	vbroadcast v54, $0x0;
	v48 =	vadd.s32 v1, v3;
	v3 =	vmul.u32 $0x9D, v55  }
0x1d4: {  	v49 =	vadd.s32 v1, v53;
	v4 =	vadd.s32 v2, v4;
	v7 =	vadd.s32 v2, v7  }
0x1d5: {  	v63 =	vbroadcast v9, $0x0;
	v4 =	vbroadcast v4, $0x0;
	v3 =	vadd.s32 v2, v3  }
.Ltmp21:
0x1d6: {  	v6 =	vadd.s32 v2, v6;
	v7 =	vbroadcast v7, $0x0;
	v3 =	vbroadcast v3, $0x0;
	(pc) =	sbr.rel .LBB2_30-.Ltmp21, $4  }
0x1d7: {  	v8 =	vadd.s32 v2, v8;
	v50 =	vadd.s32 v1, v5;
	v5 =	vbroadcast v59, $0x0  }
0x1d8: {  	s30 =	smul.u32 $0xA, s13;
	p2 =	sne.s32 s13, $0x3;
	s14 =	rddreg [dreg:$0x7];
	v6 =	vbroadcast v6, $0x0;
	v51 =	vadd.s32 v1, v3;
	v3 =	vbroadcast v8, $0x0  }
0x1d9: {  	p3 =	seq.s32 s13, $0x3;
	s12 =	sshll.u32 s13, $0x4;
	s16 =	rddreg [dreg:$0x8];
	v57 =	vadd.s32 v1, v63;
	v53 =	vadd.s32 v1, v4;
	v55 =	vadd.s32 v1, v7  }
0x1da: {  	s0 =	simm.s32 $0x0;
	s8 =	sadd.s32 s12, s14;
	s14 =	sadd.s32 s12, s16;
	v52 =	vadd.s32 v1, v5;
	v54 =	vadd.s32 v1, v6;
	v56 =	vadd.s32 v1, v3  }
.LBB2_40:
0x1db: {  	s5 =	sshll.u32 s5, $0xE  }
0x1dc: {  	s5 =	sadd.s32 s5, s8  }
0x1dd: {  	[hbm4b:s5+s24] =	stream.strided.scatter [tilespmem:s3], [sflag:$0x4], $0x4000, s15, s24, $0x38;
	[tilespmem:$0x13380] =	vst v63  }
.LBB2_47:
0x1de: {  	s0 =	sadd.s32 $0x1, s0  }
0x1df: {  	p4 =	sne.s32 s0, $0xA  }
.Ltmp22:
0x1e0: {  	_ = 	snop;
	(pc) =	sbr.rel @!p4 .LBB2_48-.Ltmp22, $1  }
0x1e1: {  	_ =	sdelay $0x3  }
.LBB2_30:
0x1e2: {  	s5 =	sand.u32 $0x1, s0  }
0x1e3: {  	p5 =	seq.s32 s5, $0x1  }
.Ltmp23:
0x1e4: {  	_ = 	snop;
	(pc) =	sbr.rel @!p5 .LBB2_31-.Ltmp23, $3  }
0x1e5: {  	_ =	sdelay $0x1  }
0x1e6: {  	s5 =	sadd.s32 s2, s0  }
0x1e7: {  	p4 =	sgt.u32 s5, $0x9C  }
.Ltmp24:
0x1e8: {  	(pc) =	sbr.rel @p4 .LBB2_47-.Ltmp24, $1  }
0x1e9: {  	_ =	sdelay $0x3  }
0x1ea: {  	s6 =	sadd.s32 s30, s0  }
0x1eb: {  	p4 =	slt.u32 s6, $0x2  }
0x1ec: {  	s6 =	simm.s32 @!p4 $0x5  }
0x1ed: {  	_ =	swait.ge @!p4 [sflag:s6], $0x4000  }
0x1ee: {  	[sflag:s6] =	ssyncset.done @!p4 $0x0  }
0x1ef: {  	[sflag:s6] =	ssyncadd.s32 @!p4 $0xFFFFC000;
	p4 =	seq.s32 @!p2 s0, $0x9  }
0x1f0: {  	p4 =	por p2, !p4  }
.Ltmp25:
0x1f1: {  	_ = 	snop;
	(pc) =	sbr.rel @!p4 .LBB2_44-.Ltmp25, $4  }
0x1f2: {  	_ = 	snop  }
0x1f3: {  	_ =	swait.ge [sflag:s26], $0x4000  }
0x1f4: {  	[sflag:s26] =	ssyncset.done $0x0  }
0x1f5: {  	[sflag:s26] =	ssyncadd.s32 $0xFFFFC000  }
0x1f6: {  	p4 =	seq.s32 s0, $0x9;
	s6 =	simm.s32 $0x1  }
0x1f7: {  	s6 =	simm.s32 @!p4 $0x0  }
0x1f8: {  	s6 =	sadd.s32 s6, s13  }
0x1f9: {  	s6 =	sshll.u32 s6, $0x7  }
0x1fa: {  	s6 =	sadd.s32 s1, s6  }
0x1fb: {  	s10 =	sadd.s32 $0x1, s0;
	v3 =	vmov s6;
	s11 =	sor.u32 $0x10, s6  }
0x1fc: {  	p4 =	sne.s32 s0, $0x9;
	s12 =	sor.u32 $0x20, s6;
	s16 =	sor.u32 $0x40, s6;
	v4 =	vmov s11;
	v3 =	vmul.u32 $0x9D, v3  }
0x1fd: {  	s10 =	simm.s32 @!p4 $0x0;
	v5 =	vmov s12;
	s12 =	sor.u32 $0x30, s6;
	v7 =	vmov s16;
	v4 =	vmul.u32 $0x9D, v4  }
0x1fe: {  	s10 =	sadd.s32 s2, s10;
	s16 =	sor.u32 $0x60, s6;
	v5 =	vmul.u32 $0x9D, v5;
	v6 =	vmov s12;
	v7 =	vmul.u32 $0x9D, v7  }
0x1ff: {  	s12 =	sor.u32 $0x50, s6;
	v9 =	vmov s16;
	s6 =	sor.u32 $0x70, s6;
	v3 =	vadd.s32 s10, v3;
	v6 =	vmul.u32 $0x9D, v6  }
0x200: {  	v8 =	vmov s12;
	v13 =	vmul.u32 $0x9D, v9;
	v14 =	vmov s6  }
0x201: {  	v3 =	vbroadcast v3, $0x0;
	v4 =	vadd.s32 s10, v4;
	v5 =	vadd.s32 s10, v5  }
0x202: {  	v8 =	vmul.u32 $0x9D, v8;
	v58 =	vmul.u32 $0x9D, v14;
	v4 =	vbroadcast v4, $0x0  }
0x203: {  	v5 =	vbroadcast v5, $0x0;
	v6 =	vadd.s32 s10, v6;
	v3 =	vadd.s32 v1, v3  }
0x204: {  	v6 =	vbroadcast v6, $0x0;
	v4 =	vadd.s32 v1, v4;
	[tilespmem:$0x3300] =	vst v3;
	v3 =	vadd.s32 s10, v7  }
0x205: {  	v15 =	vadd.s32 s10, v8;
	v5 =	vadd.s32 v1, v5;
	[tilespmem:$0x3310] =	vst v4;
	v3 =	vbroadcast v3, $0x0  }
0x206: {  	v60 =	vadd.s32 s10, v13;
	[tilespmem:$0x3320] =	vst v5;
	v59 =	vadd.s32 v1, v6;
	v4 =	vbroadcast v15, $0x0  }
0x207: {  	v61 =	vbroadcast v60, $0x0;
	v62 =	vadd.s32 s10, v58;
	[tilespmem:$0x3330] =	vst v59;
	v3 =	vadd.s32 v1, v3  }
0x208: {  	v63 =	vbroadcast v62, $0x0;
	[tilespmem:$0x3340] =	vst v3;
	v3 =	vadd.s32 v1, v4  }
0x209: {  	[tilespmem:$0x3350] =	vst v3;
	v3 =	vadd.s32 v1, v61  }
0x20a: {  	[tilespmem:$0x3360] =	vst v3;
	v3 =	vadd.s32 v1, v63  }
0x20b: {  	[tilespmem:$0x3370] =	vst v3  }
0x20c: {  	[tilespmem:s19], [sflag:$0x3] =	stream.indirect.gather [hbm4b:s7+s24], $0x80, s25, s24, $0xb8;
	[tilespmem:$0x13380] =	vst v63  }
.LBB2_44:
0x20d: {  	s6 =	simm.s32 $0x0  }
0x20e: {  	v3 =	vmov s6  }
0x20f: {  	v3 =	vand.u32 $0x7F, v3  }
0x210: {  	v3 =	vbroadcast v3, $0x0;
	_ =	sdelay $0x1  }
0x211: {  	v4 =	vor.u32 v29, v3  }
0x212: {  	v5 =	vor.u32 v41, v3  }
0x213: {  	s12 =	simm.s32 $0x1;
	v6 =	vor.u32 v39, v3  }
0x214: {  	v9 =	vmov s12;
	v7 =	vor.u32 v35, v3  }
0x215: {  	v9 =	vand.u32 $0x7F, v9;
	v8 =	vor.u32 v40, v3  }
0x216: {  	v12 =	vbroadcast v9, $0x0;
	v10 =	vor.u32 v36, v3;
	v4 =	vld.idx.msk [tilespmem:v4+s28+$0x0], $0xffff  }
0x217: {  	v11 =	vor.u32 v37, v3;
	v5 =	vld.idx.msk [tilespmem:v5+s28+$0x0], $0xffff  }
0x218: {  	v9 =	vor.u32 v29, v12;
	v6 =	vld.idx.msk [tilespmem:v6+s28+$0x0], $0xffff  }
0x219: {  	v3 =	vor.u32 v38, v3;
	v7 =	vld.idx.msk [tilespmem:v7+s28+$0x0], $0xffff  }
0x21a: {  	v13 =	vor.u32 v41, v12;
	v8 =	vld.idx.msk [tilespmem:v8+s28+$0x0], $0xffff  }
0x21b: {  	s10 =	simm.s32 $0xF3C0;
	v14 =	vor.u32 v39, v12;
	v15 =	vld.idx.msk [tilespmem:v10+s28+$0x0], $0xffff  }
0x21c: {  	s16 =	simm.s32 $0x2;
	v10 =	vor.u32 v35, v12;
	v59 =	vld.idx.msk [tilespmem:v11+s28+$0x0], $0xffff;
	[tilespmem:s10+$0x30] =	vst v5  }
0x21d: {  	v11 =	vmov s16;
	v58 =	vld.idx.msk [tilespmem:v9+s28+$0x0], $0xffff;
	[tilespmem:s10+$0x10] =	vst v6  }
0x21e: {  	v5 =	vld.idx.msk [tilespmem:v3+s28+$0x0], $0xffff;
	v3 =	vand.u32 $0x7F, v11;
	[tilespmem:s10+$0xFFFFFFC0] =	vst v4  }
0x21f: {  	v62 =	vor.u32 v36, v12;
	v16 =	vor.u32 v40, v12;
	v6 =	vld.idx.msk [tilespmem:v13+s28+$0x0], $0xffff;
	[tilespmem:s10+$0xFFFFFFD0] =	vst v7;
	v9 =	vbroadcast v3, $0x0  }
0x220: {  	v61 =	vor.u32 v37, v12;
	v63 =	vor.u32 v38, v12;
	v7 =	vld.idx.msk [tilespmem:v14+s28+$0x0], $0xffff;
	[tilespmem:s10+$0x20] =	vst v8  }
0x221: {  	v4 =	vld.idx.msk [tilespmem:v10+s28+$0x0], $0xffff;
	v11 =	vor.u32 v29, v9;
	v60 =	vor.u32 v35, v9;
	v3 =	vor.u32 v41, v9  }
0x222: {  	s11 =	simm.s32 $0xF440;
	s12 =	simm.s32 $0xF440;
	s16 =	simm.s32 $0x3;
	[tilespmem:s10+$0xFFFFFFE0] =	vst v15;
	v10 =	vor.u32 v36, v9;
	v8 =	vor.u32 v37, v9;
	v12 =	vor.u32 v40, v9  }
.LBB2_45:
0x223: {  	p4 =	sne.s32 s16, $0x7F  }
0x224: {  	v13 =	vor.u32 v38, v9;
	v14 =	vor.u32 v39, v9;
	v15 =	vld.idx.msk [tilespmem:v16+s28+$0x0], $0xffff;
	s11 =	sadd.s32 $0x80, s11;
	[tilespmem:s10+$0x0] =	vst v5;
	v16 =	vmov v12;
	s6 =	smov.u32 s16;
	s16 =	sadd.s32 $0x1, s16  }
0x225: {  	v17 =	vld.idx.msk [tilespmem:v62+s28+$0x0], $0xffff;
	[tilespmem:s10+$0xFFFFFFF0] =	vst v59;
	v62 =	vmov v10;
	s10 =	smov.u32 s12;
	s12 =	smov.u32 s11  }
0x226: {  	v59 =	vld.idx.msk [tilespmem:v61+s28+$0x0], $0xffff;
	[tilespmem:s10+$0x30] =	vst v6;
	v61 =	vmov v8  }
0x227: {  	v6 =	vmov s6;
	v5 =	vld.idx.msk [tilespmem:v63+s28+$0x0], $0xffff;
	[tilespmem:s10+$0x10] =	vst v7;
	v63 =	vmov v13  }
.Ltmp26:
0x228: {  	v6 =	vand.u32 $0x7F, v6;
	[tilespmem:s10+$0xFFFFFFC0] =	vst v58;
	v58 =	vld.idx.msk [tilespmem:v11+s28+$0x0], $0xffff;
	(pc) =	sbr.rel @p4 .LBB2_45-.Ltmp26, $4  }
0x229: {  	v9 =	vbroadcast v6, $0x0;
	v6 =	vld.idx.msk [tilespmem:v3+s28+$0x0], $0xffff;
	[tilespmem:s10+$0xFFFFFFD0] =	vst v4  }
0x22a: {  	v7 =	vld.idx.msk [tilespmem:v14+s28+$0x0], $0xffff;
	[tilespmem:s10+$0x20] =	vst v15  }
0x22b: {  	v11 =	vor.u32 v29, v9;
	v3 =	vor.u32 v41, v9;
	v4 =	vld.idx.msk [tilespmem:v60+s28+$0x0], $0xffff;
	v60 =	vor.u32 v35, v9  }
0x22c: {  	v10 =	vor.u32 v36, v9;
	v8 =	vor.u32 v37, v9;
	v12 =	vor.u32 v40, v9;
	[tilespmem:s10+$0xFFFFFFE0] =	vst v17  }
0x22d: {  	_ =	sdelay $0x2  }
0x22e: {  	[tilespmem:s10+$0x0] =	vst v5  }
0x22f: {  	v13 =	vld.idx.msk [tilespmem:v16+s28+$0x0], $0xffff;
	[tilespmem:s10+$0xFFFFFFF0] =	vst v59  }
0x230: {  	v14 =	vld.idx.msk [tilespmem:v62+s28+$0x0], $0xffff;
	[tilespmem:s12+$0x30] =	vst v6  }
0x231: {  	v63 =	vld.idx.msk [tilespmem:v63+s28+$0x0], $0xffff;
	[tilespmem:s12+$0xFFFFFFC0] =	vst v58  }
0x232: {  	v15 =	vld.idx.msk [tilespmem:v61+s28+$0x0], $0xffff;
	[tilespmem:s12+$0x10] =	vst v7  }
0x233: {  	v5 =	vor.u32 v39, v9;
	v3 =	vld.idx.msk [tilespmem:v3+s28+$0x0], $0xffff;
	[tilespmem:s12+$0xFFFFFFD0] =	vst v4  }
0x234: {  	v59 =	vld.idx.msk [tilespmem:v11+s28+$0x0], $0xffff;
	[tilespmem:s12+$0x20] =	vst v13  }
0x235: {  	v60 =	vld.idx.msk [tilespmem:v60+s28+$0x0], $0xffff;
	v58 =	vor.u32 v38, v9;
	[tilespmem:s12+$0xFFFFFFE0] =	vst v14  }
0x236: {  	v61 =	vld.idx.msk [tilespmem:v12+s28+$0x0], $0xffff;
	[tilespmem:s12+$0x0] =	vst v63  }
0x237: {  	s6 =	sadd.s32 $0x80, s11;
	v62 =	vld.idx.msk [tilespmem:v10+s28+$0x0], $0xffff;
	[tilespmem:s12+$0xFFFFFFF0] =	vst v15  }
0x238: {  	v5 =	vld.idx.msk [tilespmem:v5+s28+$0x0], $0xffff;
	[tilespmem:s6+$0x30] =	vst v3  }
0x239: {  	v63 =	vld.idx.msk [tilespmem:v8+s28+$0x0], $0xffff;
	[tilespmem:s6+$0xFFFFFFC0] =	vst v59  }
0x23a: {  	v3 =	vld.idx.msk [tilespmem:v58+s28+$0x0], $0xffff;
	[tilespmem:s6+$0xFFFFFFD0] =	vst v60  }
0x23b: {  	[tilespmem:s6+$0x20] =	vst v61  }
.Ltmp27:
0x23c: {  	[tilespmem:s6+$0xFFFFFFE0] =	vst v62;
	(pc) =	sbr.rel .LBB2_47-.Ltmp27, $4  }
0x23d: {  	[tilespmem:s6+$0x10] =	vst v5  }
0x23e: {  	s5 =	sshll.u32 s5, $0xE;
	[tilespmem:s6+$0xFFFFFFF0] =	vst v63  }
0x23f: {  	s5 =	sadd.s32 s5, s8;
	[tilespmem:s6+$0x0] =	vst v3  }
0x240: {  	[hbm4b:s5+s24] =	stream.strided.scatter [tilespmem:s29], [sflag:$0x5], $0x4000, s15, s24, $0x38;
	[tilespmem:$0x13380] =	vst v63  }
.LBB2_31:
.Ltmp28:
0x241: {  	(pc) =	sbr.rel @p4 .LBB2_47-.Ltmp28, $1  }
0x242: {  	_ =	sdelay $0x3  }
0x243: {  	s10 =	sadd.s32 s30, s0  }
0x244: {  	p4 =	slt.u32 s10, $0x2  }
.Ltmp29:
0x245: {  	_ = 	snop;
	(pc) =	sbr.rel @p4 .LBB2_34-.Ltmp29, $1  }
0x246: {  	_ =	sdelay $0x3  }
0x247: {  	p4 =	seq.s32 @!p1 s0, $0x0  }
0x248: {  	p4 =	por p1, !p4  }
0x249: {  	_ =	swait.ge @p4 [sflag:s31], $0x4000  }
0x24a: {  	[sflag:s31] =	ssyncset.done @p4 $0x0  }
0x24b: {  	[sflag:s31] =	ssyncadd.s32 @p4 $0xFFFFC000;
	p4 =	sne.s32 @!p1 s0, $0x0  }
0x24c: {  	p4 =	por p4, p1  }
0x24d: {  	s10 =	simm.s32 @!p4 $0x4  }
0x24e: {  	_ =	swait.ge @!p4 [sflag:s10], $0x1000  }
0x24f: {  	[sflag:s10] =	ssyncset.done @!p4 $0x0  }
0x250: {  	[sflag:s10] =	ssyncadd.s32 @!p4 $0xFFFFF000  }
.LBB2_34:
0x251: {  	_ =	swait.ge [sflag:s26], $0x4000;
	p4 =	seq.s32 s5, $0x9C  }
0x252: {  	[sflag:s26] =	ssyncset.done $0x0;
	s10 =	sadd.s32 @!p4 s0, s9  }
0x253: {  	s11 =	simm.s32 $0x0;
	[sflag:s26] =	ssyncadd.s32 $0xFFFFC000;
	v3 =	vadd.s32 @!p4 s10, v42  }
0x254: {  	v4 =	vmov s11;
	[tilespmem:$0x3300] =	vst @!p4 v3;
	v3 =	vadd.s32 @!p4 s10, v43  }
0x255: {  	v4 =	vand.u32 $0x7F, v4;
	[tilespmem:$0x3310] =	vst @!p4 v3;
	v3 =	vadd.s32 @!p4 s10, v44  }
0x256: {  	v4 =	vbroadcast v4, $0x0;
	[tilespmem:$0x3320] =	vst @!p4 v3;
	v3 =	vadd.s32 @!p4 s10, v45  }
0x257: {  	[tilespmem:$0x3330] =	vst @!p4 v3;
	v3 =	vadd.s32 @!p4 s10, v46  }
0x258: {  	s16 =	simm.s32 $0x1;
	v5 =	vor.u32 v29, v4;
	[tilespmem:$0x3340] =	vst @!p4 v3;
	v3 =	vadd.s32 @!p4 s10, v47  }
0x259: {  	v9 =	vmov s16;
	v6 =	vor.u32 v41, v4;
	[tilespmem:$0x3350] =	vst @!p4 v3;
	v3 =	vadd.s32 @!p4 s10, v48  }
0x25a: {  	v9 =	vand.u32 $0x7F, v9;
	v7 =	vor.u32 v39, v4;
	[tilespmem:$0x3360] =	vst @!p4 v3;
	v3 =	vadd.s32 @!p4 s10, v49  }
0x25b: {  	s11 =	simm.s32 @!p4 $0x3300;
	s12 =	simm.s32 @!p4 $0x7380;
	v12 =	vbroadcast v9, $0x0;
	v8 =	vor.u32 v40, v4;
	s10 =	simm.s32 @!p4 $0x80;
	[tilespmem:$0x3370] =	vst @!p4 v3  }
0x25c: {  	v10 =	vor.u32 v36, v4;
	[tilespmem:s12], [sflag:$0x3] =	stream.indirect.gather @!p4 [hbm4b:s7+s10], $0x80, s11, s10, $0xb8;
	[tilespmem:$0x13380] =	vst v63  }
0x25d: {  	v9 =	vor.u32 v29, v12;
	v11 =	vld.idx.msk [tilespmem:v5+s19+$0x0], $0xffff  }
0x25e: {  	v3 =	vor.u32 v35, v4;
	v6 =	vld.idx.msk [tilespmem:v6+s19+$0x0], $0xffff  }
0x25f: {  	v5 =	vor.u32 v37, v4;
	v7 =	vld.idx.msk [tilespmem:v7+s19+$0x0], $0xffff  }
0x260: {  	v4 =	vor.u32 v38, v4;
	v8 =	vld.idx.msk [tilespmem:v8+s19+$0x0], $0xffff  }
0x261: {  	v16 =	vor.u32 v41, v12;
	v13 =	vld.idx.msk [tilespmem:v10+s19+$0x0], $0xffff  }
0x262: {  	v60 =	vor.u32 v39, v12;
	s10 =	simm.s32 $0xB3C0;
	v58 =	vld.idx.msk [tilespmem:v9+s19+$0x0], $0xffff  }
0x263: {  	s16 =	simm.s32 $0x2;
	v3 =	vld.idx.msk [tilespmem:v3+s19+$0x0], $0xffff;
	[tilespmem:s10+$0x30] =	vst v6  }
0x264: {  	v10 =	vor.u32 v35, v12;
	v59 =	vld.idx.msk [tilespmem:v5+s19+$0x0], $0xffff;
	v6 =	vmov s16;
	[tilespmem:s10+$0x10] =	vst v7  }
0x265: {  	v5 =	vld.idx.msk [tilespmem:v4+s19+$0x0], $0xffff;
	[tilespmem:s10+$0xFFFFFFC0] =	vst v11;
	v4 =	vand.u32 $0x7F, v6  }
0x266: {  	v62 =	vor.u32 v36, v12;
	[tilespmem:s10+$0x20] =	vst v8;
	v6 =	vld.idx.msk [tilespmem:v16+s19+$0x0], $0xffff;
	v16 =	vor.u32 v40, v12;
	v9 =	vbroadcast v4, $0x0  }
0x267: {  	v61 =	vor.u32 v37, v12;
	v63 =	vor.u32 v38, v12;
	v7 =	vld.idx.msk [tilespmem:v60+s19+$0x0], $0xffff;
	[tilespmem:s10+$0xFFFFFFE0] =	vst v13  }
0x268: {  	[tilespmem:s10+$0xFFFFFFD0] =	vst v3;
	v11 =	vor.u32 v29, v9;
	v60 =	vor.u32 v35, v9;
	v3 =	vor.u32 v41, v9  }
0x269: {  	s11 =	simm.s32 $0xB440;
	s12 =	simm.s32 $0xB440;
	s16 =	simm.s32 $0x3;
	v4 =	vld.idx.msk [tilespmem:v10+s19+$0x0], $0xffff;
	v10 =	vor.u32 v36, v9;
	v8 =	vor.u32 v37, v9;
	v12 =	vor.u32 v40, v9  }
.LBB2_35:
0x26a: {  	p5 =	sne.s32 s16, $0x7F  }
0x26b: {  	v13 =	vor.u32 v38, v9;
	v14 =	vor.u32 v39, v9;
	v15 =	vld.idx.msk [tilespmem:v16+s19+$0x0], $0xffff;
	s11 =	sadd.s32 $0x80, s11;
	[tilespmem:s10+$0x0] =	vst v5;
	v16 =	vmov v12;
	s6 =	smov.u32 s16;
	s16 =	sadd.s32 $0x1, s16  }
0x26c: {  	v17 =	vld.idx.msk [tilespmem:v62+s19+$0x0], $0xffff;
	[tilespmem:s10+$0xFFFFFFF0] =	vst v59;
	v62 =	vmov v10;
	s10 =	smov.u32 s12;
	s12 =	smov.u32 s11  }
0x26d: {  	v59 =	vld.idx.msk [tilespmem:v61+s19+$0x0], $0xffff;
	[tilespmem:s10+$0x30] =	vst v6;
	v61 =	vmov v8  }
0x26e: {  	v6 =	vmov s6;
	v5 =	vld.idx.msk [tilespmem:v63+s19+$0x0], $0xffff;
	[tilespmem:s10+$0x10] =	vst v7;
	v63 =	vmov v13  }
.Ltmp30:
0x26f: {  	v6 =	vand.u32 $0x7F, v6;
	[tilespmem:s10+$0xFFFFFFC0] =	vst v58;
	v58 =	vld.idx.msk [tilespmem:v11+s19+$0x0], $0xffff;
	(pc) =	sbr.rel @p5 .LBB2_35-.Ltmp30, $4  }
0x270: {  	v9 =	vbroadcast v6, $0x0;
	v6 =	vld.idx.msk [tilespmem:v3+s19+$0x0], $0xffff;
	[tilespmem:s10+$0xFFFFFFD0] =	vst v4  }
0x271: {  	v7 =	vld.idx.msk [tilespmem:v14+s19+$0x0], $0xffff;
	[tilespmem:s10+$0x20] =	vst v15  }
0x272: {  	v11 =	vor.u32 v29, v9;
	v3 =	vor.u32 v41, v9;
	v4 =	vld.idx.msk [tilespmem:v60+s19+$0x0], $0xffff;
	v60 =	vor.u32 v35, v9  }
0x273: {  	v10 =	vor.u32 v36, v9;
	v8 =	vor.u32 v37, v9;
	v12 =	vor.u32 v40, v9;
	[tilespmem:s10+$0xFFFFFFE0] =	vst v17  }
0x274: {  	_ =	sdelay $0x2  }
0x275: {  	[tilespmem:s10+$0x0] =	vst v5  }
0x276: {  	v13 =	vld.idx.msk [tilespmem:v16+s19+$0x0], $0xffff;
	[tilespmem:s10+$0xFFFFFFF0] =	vst v59  }
0x277: {  	v14 =	vld.idx.msk [tilespmem:v62+s19+$0x0], $0xffff;
	[tilespmem:s12+$0x30] =	vst v6  }
0x278: {  	v63 =	vld.idx.msk [tilespmem:v63+s19+$0x0], $0xffff;
	[tilespmem:s12+$0xFFFFFFC0] =	vst v58  }
0x279: {  	v15 =	vld.idx.msk [tilespmem:v61+s19+$0x0], $0xffff;
	[tilespmem:s12+$0x10] =	vst v7  }
0x27a: {  	v5 =	vor.u32 v39, v9;
	v3 =	vld.idx.msk [tilespmem:v3+s19+$0x0], $0xffff;
	[tilespmem:s12+$0xFFFFFFD0] =	vst v4  }
0x27b: {  	v59 =	vld.idx.msk [tilespmem:v11+s19+$0x0], $0xffff;
	[tilespmem:s12+$0x20] =	vst v13  }
0x27c: {  	v60 =	vld.idx.msk [tilespmem:v60+s19+$0x0], $0xffff;
	v58 =	vor.u32 v38, v9;
	[tilespmem:s12+$0xFFFFFFE0] =	vst v14  }
0x27d: {  	v61 =	vld.idx.msk [tilespmem:v12+s19+$0x0], $0xffff;
	[tilespmem:s12+$0x0] =	vst v63  }
0x27e: {  	s6 =	sadd.s32 $0x80, s11;
	v62 =	vld.idx.msk [tilespmem:v10+s19+$0x0], $0xffff;
	[tilespmem:s12+$0xFFFFFFF0] =	vst v15  }
0x27f: {  	v5 =	vld.idx.msk [tilespmem:v5+s19+$0x0], $0xffff;
	[tilespmem:s6+$0x30] =	vst v3  }
0x280: {  	p5 =	sne.s32 @!p3 s5, $0x9C;
	v63 =	vld.idx.msk [tilespmem:v8+s19+$0x0], $0xffff;
	[tilespmem:s6+$0xFFFFFFC0] =	vst v59  }
0x281: {  	p5 =	por p3, p5;
	v3 =	vld.idx.msk [tilespmem:v58+s19+$0x0], $0xffff;
	[tilespmem:s6+$0xFFFFFFD0] =	vst v60  }
.Ltmp31:
0x282: {  	[tilespmem:s6+$0x20] =	vst v61;
	(pc) =	sbr.rel @p5 .LBB2_39-.Ltmp31, $4  }
0x283: {  	[tilespmem:s6+$0xFFFFFFE0] =	vst v62  }
0x284: {  	[tilespmem:s6+$0x10] =	vst v5  }
0x285: {  	[tilespmem:s6+$0xFFFFFFF0] =	vst v63  }
0x286: {  	[tilespmem:s6+$0x0] =	vst v3  }
0x287: {  	[tilespmem:$0x3300] =	vst v50  }
0x288: {  	[tilespmem:$0x3310] =	vst v51  }
0x289: {  	[tilespmem:$0x3320] =	vst v52  }
0x28a: {  	[tilespmem:$0x3330] =	vst v53  }
0x28b: {  	[tilespmem:$0x3340] =	vst v54  }
0x28c: {  	[tilespmem:$0x3350] =	vst v55  }
0x28d: {  	[tilespmem:$0x3360] =	vst v56  }
0x28e: {  	[tilespmem:$0x3370] =	vst v57  }
0x28f: {  	[tilespmem:s19], [sflag:$0x3] =	stream.indirect.gather [hbm4b:s7+s24], $0x80, s25, s24, $0xb8;
	[tilespmem:$0x13380] =	vst v63  }
.LBB2_38:
.Ltmp32:
0x290: {  	(pc) =	sbr.rel .LBB2_47-.Ltmp32, $2  }
0x291: {  	_ =	sdelay $0x2  }
0x292: {  	[hbm4b:s14+s24] =	stream.strided.scatter [tilespmem:s3], [sflag:$0x4], $0x1000, s15, s24, $0x38;
	[tilespmem:$0x13380] =	vst v63  }
.LBB2_39:
.Ltmp33:
0x293: {  	(pc) =	sbr.rel @p4 .LBB2_38-.Ltmp33, $4  }
.Ltmp34:
0x294: {  	(pc) =	sbr.rel @!p4 .LBB2_40-.Ltmp34, $4  }
0x295: {  	_ = 	snop  }
0x296: {  	_ = 	snop  }
0x297: {  	_ = 	snop  }
0x298: {  	_ = 	snop  }
.LBB2_50:
0x299: {  	_ =	sfence.sel $0x180000  }
0x29a: {  	[bflag:$0x0] =	sbarrier.arrive $0xFFFF  }
0x29b: {  	_ =	strace $0x90000047  }
0x29c: {  	s0 =	stileid.u32;
	[bflag:$0x2] =	sbarrier.arrive $0xFFFF  }
0x29d: {  	p0 =	sne.s32 s0, $0x0;
	s0 =	rddreg [dreg:$0x2]  }
0x29e: {  	s0 =	sadd.s32 @!p0 $0x100000, s0  }
0x29f: {  	[sflag:s0] =	ssyncadd.tile.s32 @!p0 $0x1;
	_ =	shalt  }
.Lfunc_end2:
_tile_overlayer_lowered:
.L_overlay_start_2:
0x2a0: {  	(tag) =	ssettag $0x2  }
0x2a1: {  	s0 =	rddreg [dreg:$0x0];
	s2 =	stileid.u32  }
0x2a2: {  	s1 =	rddreg [dreg:$0x1];
	p0 =	sne.s32 s2, $0x0  }
0x2a3: {  	s3 =	rddreg [dreg:$0x2];
	[bflag:$0x3] =	sbarrier.arrive $0xFFFF;
	s2 =	simm.s32 @!p0 $0x1C08  }
0x2a4: {  	[timem:s3], [sflag:s2] =	dma.local @!p0 [hbm:s0], s1  }
0x2a5: {  	s0 =	simm.s32 @!p0 $0x8  }
0x2a6: {  	_ =	swait.ge @!p0 [sflag:s0], s1  }
0x2a7: {  	s1 =	ssub.s32 @!p0 $0x0, s1;
	[sflag:s0] =	ssyncset.done @!p0 $0x0  }
0x2a8: {  	[sflag:s0] =	ssyncadd.s32 @!p0 s1  }
0x2a9: {  	[bflag:$0x3] =	sbarrier.arrive $0xFFFF  }
0x2aa: {  	_ =	shalt  }

</sc_bundles>
